<compile_context>
chip_gen: v7x
topology: tpu7x:2x2x1
jax: 0.10.2.dev20260603
libtpu: 0.0.44.dev20260713+nightly
codegen_flags: <defaults>
</compile_context>

<pallas_src>
import functools

import jax
import jax.numpy as jnp
from jax import lax
from jax.experimental import pallas as pl
from jax.experimental.pallas import tpu as pltpu
from jax.experimental.pallas import tpu_sc as plsc

_NC, _NS, _LANES = 2, 16, 16
_NW = _NC * _NS

_M, _N = 2048, 2048
_SC_ROWS = 256
_ROWS_PW = _SC_ROWS // _NW
_CH = 8
_NCHUNK = _ROWS_PW // _CH
_GPR = _N // _LANES

_TC_R = 256

_MAGIC = 12582912.0


def _rne(v):
    return (v + _MAGIC) - _MAGIC


def _fp4_group(a):
    lo = jnp.minimum(_rne(a + a), 4.0) * 0.5
    hi = jnp.where(a < 5.0, _rne(jnp.minimum(a, 4.0)), 6.0)
    return jnp.where(a < 2.5, lo, hi)


def _sc_body(x_hbm, s_hbm, o_hbm, s_v, inv_v, x_v, o_v,
             in_sem0, in_sem1, out_sem0, out_sem1):
    wid = lax.axis_index("s") * _NC + lax.axis_index("c")
    row0 = wid * _ROWS_PW
    in_sems = (in_sem0, in_sem1)
    out_sems = (out_sem0, out_sem1)

    pltpu.sync_copy(s_hbm, s_v)
    for j in range(_GPR):
        inv_v[pl.ds(j * _LANES, _LANES)] = 1.0 / s_v[pl.ds(j * _LANES, _LANES)]

    def in_copy(c, b):
        return pltpu.make_async_copy(
            x_hbm.at[pl.ds(row0 + c * _CH, _CH), :], x_v.at[b], in_sems[b])

    def out_copy(c, b):
        return pltpu.make_async_copy(
            o_v.at[b], o_hbm.at[pl.ds(row0 + c * _CH, _CH), :], out_sems[b])

    in_copy(0, 0).start()
    for c in range(_NCHUNK):
        b = c % 2
        if c + 1 < _NCHUNK:
            in_copy(c + 1, 1 - b).start()
        in_copy(c, b).wait()
        if c >= 2:
            out_copy(c - 2, b).wait()

        @plsc.parallel_loop(0, _GPR, step=1, unroll=2)
        def group_body(j):
            off = j * _LANES
            inv = inv_v[pl.ds(off, _LANES)]
            sv = s_v[pl.ds(off, _LANES)]
            for r in range(_CH):
                xv = x_v[b, r, pl.ds(off, _LANES)]
                a = jnp.abs(xv) * inv
                mag = _fp4_group(a) * sv
                o_v[b, r, pl.ds(off, _LANES)] = jnp.where(xv < 0.0, -mag, mag)

        out_copy(c, b).start()

    for c in range(max(_NCHUNK - 2, 0), _NCHUNK):
        out_copy(c, c % 2).wait()


def _sc_quantize(x2, s1):
    mesh = plsc.VectorSubcoreMesh(core_axis_name="c", subcore_axis_name="s",
                                  num_cores=_NC, num_subcores=_NS)
    k = functools.partial(
        pl.kernel,
        out_type=jax.ShapeDtypeStruct((_M, _N), jnp.float32),
        mesh=mesh,
        scratch_types=[
            pltpu.VMEM((_N,), jnp.float32),
            pltpu.VMEM((_N,), jnp.float32),
            pltpu.VMEM((2, _CH, _N), jnp.float32),
            pltpu.VMEM((2, _CH, _N), jnp.float32),
            pltpu.SemaphoreType.DMA,
            pltpu.SemaphoreType.DMA,
            pltpu.SemaphoreType.DMA,
            pltpu.SemaphoreType.DMA,
        ],
    )(_sc_body)
    return k(x2, s1)


def _tc_body(x_ref, s_ref, alias_ref, o_ref):
    del alias_ref
    x = x_ref[...]
    s = s_ref[...]
    inv = 1.0 / s
    q = x * inv
    a = jnp.abs(q)
    lo = jnp.minimum(jnp.round(a + a), 4.0) * 0.5
    hi = jnp.where(a < 5.0, jnp.round(jnp.minimum(a, 4.0)), 6.0)
    r = jnp.where(a < 2.5, lo, hi)
    o_ref[...] = jnp.where(q < 0.0, -r, r) * s


def _tc_quantize(x2, s2, sc_full):
    nrows = _M - _SC_ROWS
    off = _SC_ROWS // _TC_R
    return pl.pallas_call(
        _tc_body,
        grid=(nrows // _TC_R,),
        in_specs=[
            pl.BlockSpec((_TC_R, _N), lambda i: (i + off, 0)),
            pl.BlockSpec((1, _N), lambda i: (0, 0)),
            pl.BlockSpec((8, 128), lambda i: (0, 0)),
        ],
        out_specs=pl.BlockSpec((_TC_R, _N), lambda i: (i + off, 0)),
        out_shape=jax.ShapeDtypeStruct((_M, _N), jnp.float32),
        input_output_aliases={2: 0},
    )(x2, s2, sc_full)


def kernel(x, scale, code):
    del code
    B, M, N = x.shape
    x2 = x.reshape(B * M, N)
    sc_full = _sc_quantize(x2, scale.reshape(N))
    out = _tc_quantize(x2, scale.reshape(1, N), sc_full)
    return out.reshape(B, M, N)

# --- scband reference (transcript-rebuilt; emitter-appended) ---
"""Pipeline reference for scband-quantizer-fp4-47665547051587 (READ-ONLY COPY).

The authoritative reference and input builder live on the scoring server;
editing this copy changes nothing except your own understanding.
"""

import jax, jax.numpy as jnp
import numpy as np

FP4_CODE = [-6.0, -4.0, -3.0, -2.0, -1.5, -1.0, -0.5, -0.0, 0.0, 0.5, 1.0, 1.5, 2.0, 3.0, 4.0, 6.0]


def setup_inputs(seed: int = 0) -> dict:
    key = jax.random.key(seed)
    k1, k2 = jax.random.split(key)
    x = jax.random.normal(k1, (1, 2048, 2048), dtype=jnp.float32)
    # per-channel scale, strictly positive so the quantizer is 'ready'
    scale = jax.random.uniform(k2, (1, 1, 2048), dtype=jnp.float32) * 0.5 + 0.05
    code = jnp.array(FP4_CODE, dtype=jnp.float32)
    return {"x": x, "scale": scale, "code": code}


def reference(x, scale, code):
    # Faithful translation of quantize(x, scale, code) from Quantizer_fp4
    shape = x.shape
    q = x / scale
    q = q.reshape(-1, 1)
    distance = jnp.abs(q - code.reshape(1, -1))
    idx = jnp.argmin(distance, axis=-1)
    q = jnp.take(code, idx)
    q = q.reshape(shape)
    xq = q * scale
    return xq

if __name__ == "__main__":
    import jax
    _d = setup_inputs()
    print(jax.jit(kernel)(*tuple(_d.values())))

</pallas_src>

<mosaic_0001>
#map = affine_map<(d0, d1) -> (0, 0)>
#map1 = affine_map<(d0, d1) -> (0)>
module attributes {stable_mosaic.version = 14 : i64} {
  func.func @_sc_body(%arg0: i32, %arg1: i32, %arg2: memref<2048x2048xf32, #tpu.memory_space<hbm>>, %arg3: memref<2048xf32, #tpu.memory_space<hbm>>, %arg4: memref<2048x2048xf32, #tpu.memory_space<hbm>>, %arg5: memref<2048xf32, #tpu.memory_space<vmem>>, %arg6: memref<2048xf32, #tpu.memory_space<vmem>>, %arg7: memref<2x8x2048xf32, #tpu.memory_space<vmem>>, %arg8: memref<2x8x2048xf32, #tpu.memory_space<vmem>>, %arg9: memref<!tpu.dma_semaphore, #tpu.memory_space<semaphore_mem>>, %arg10: memref<!tpu.dma_semaphore, #tpu.memory_space<semaphore_mem>>, %arg11: memref<!tpu.dma_semaphore, #tpu.memory_space<semaphore_mem>>, %arg12: memref<!tpu.dma_semaphore, #tpu.memory_space<semaphore_mem>>) attributes {dimension_semantics = [#tpu.dimension_semantics<core_parallel>, #tpu.dimension_semantics<subcore_parallel>], iteration_bounds = array<i64: 2, 16>, scalar_prefetch = 0 : i64, scratch_operands = 8 : i64, tpu.core_type = #tpu.core_type<sc_vector_subcore>, window_params = [{transform_indices = #map}, {transform_indices = #map1}, {transform_indices = #map}]} {
    %mul3A = arith.constant 2 : i32
    %mul3A_0 = arith.muli %arg1, %mul3A : i32
    %add3A = arith.addi %mul3A_0, %arg0 : i32
    %mul3A_1 = arith.constant 8 : i32
    %mul3A_2 = arith.muli %add3A, %mul3A_1 : i32
    "tpu.region"() ({
      %run_scoped3A = tpu.sem_alloc : memref<!tpu.dma_semaphore, #tpu.memory_space<semaphore_mem>>
      tpu.enqueue_dma source(%arg3 : memref<2048xf32, #tpu.memory_space<hbm>>) target(%arg5 : memref<2048xf32, #tpu.memory_space<vmem>>) target_semaphore(%run_scoped3A : memref<!tpu.dma_semaphore, #tpu.memory_space<semaphore_mem>>)
      tpu.wait_dma2 semaphore(%run_scoped3A : memref<!tpu.dma_semaphore, #tpu.memory_space<semaphore_mem>>) src(%arg3 : memref<2048xf32, #tpu.memory_space<hbm>>) dst(%arg5 : memref<2048xf32, #tpu.memory_space<vmem>>)
      tpu.yield
    }) : () -> ()
    %get3A = arith.constant 0 : index
    %get3A_3 = tpu.vector_load %arg5[%get3A] {strides = array<i32>} : memref<2048xf32, #tpu.memory_space<vmem>>, vector<16xf32>,
    %get3A_4 = vector.shape_cast %get3A_3 : vector<16xf32> to vector<16xf32>
    %div3A = arith.constant 1.000000e+00 : f32
    %div3A_5 = vector.broadcast %div3A : f32 to vector<16xf32>
    %div3A_6 = arith.divf %div3A_5, %get3A_4 : vector<16xf32>
    %swap3A = arith.constant 0 : index
    %swap3A_7 = tpu.vector_load %arg6[%swap3A] {strides = array<i32>} : memref<2048xf32, #tpu.memory_space<vmem>>, vector<16xf32>,
    %swap3A_8 = vector.shape_cast %swap3A_7 : vector<16xf32> to vector<16xf32>
    %swap3A_9 = vector.shape_cast %div3A_6 : vector<16xf32> to vector<16xf32>
    tpu.vector_store %arg6[%swap3A], %swap3A_9 {strides = array<i32>} : memref<2048xf32, #tpu.memory_space<vmem>>, vector<16xf32>,
    %get3A_10 = arith.constant 16 : index
    %get3A_11 = tpu.vector_load %arg5[%get3A_10] {strides = array<i32>} : memref<2048xf32, #tpu.memory_space<vmem>>, vector<16xf32>,
    %get3A_12 = vector.shape_cast %get3A_11 : vector<16xf32> to vector<16xf32>
    %div3A_13 = arith.constant 1.000000e+00 : f32
    %div3A_14 = vector.broadcast %div3A_13 : f32 to vector<16xf32>
    %div3A_15 = arith.divf %div3A_14, %get3A_12 : vector<16xf32>
    %swap3A_16 = arith.constant 16 : index
    %swap3A_17 = tpu.vector_load %arg6[%swap3A_16] {strides = array<i32>} : memref<2048xf32, #tpu.memory_space<vmem>>, vector<16xf32>,
    %swap3A_18 = vector.shape_cast %swap3A_17 : vector<16xf32> to vector<16xf32>
    %swap3A_19 = vector.shape_cast %div3A_15 : vector<16xf32> to vector<16xf32>
    tpu.vector_store %arg6[%swap3A_16], %swap3A_19 {strides = array<i32>} : memref<2048xf32, #tpu.memory_space<vmem>>, vector<16xf32>,
    %get3A_20 = arith.constant 32 : index
    %get3A_21 = tpu.vector_load %arg5[%get3A_20] {strides = array<i32>} : memref<2048xf32, #tpu.memory_space<vmem>>, vector<16xf32>,
    %get3A_22 = vector.shape_cast %get3A_21 : vector<16xf32> to vector<16xf32>
    %div3A_23 = arith.constant 1.000000e+00 : f32
    %div3A_24 = vector.broadcast %div3A_23 : f32 to vector<16xf32>
    %div3A_25 = arith.divf %div3A_24, %get3A_22 : vector<16xf32>
    %swap3A_26 = arith.constant 32 : index
    %swap3A_27 = tpu.vector_load %arg6[%swap3A_26] {strides = array<i32>} : memref<2048xf32, #tpu.memory_space<vmem>>, vector<16xf32>,
    %swap3A_28 = vector.shape_cast %swap3A_27 : vector<16xf32> to vector<16xf32>
    %swap3A_29 = vector.shape_cast %div3A_25 : vector<16xf32> to vector<16xf32>
    tpu.vector_store %arg6[%swap3A_26], %swap3A_29 {strides = array<i32>} : memref<2048xf32, #tpu.memory_space<vmem>>, vector<16xf32>,
    %get3A_30 = arith.constant 48 : index
    %get3A_31 = tpu.vector_load %arg5[%get3A_30] {strides = array<i32>} : memref<2048xf32, #tpu.memory_space<vmem>>, vector<16xf32>,
    %get3A_32 = vector.shape_cast %get3A_31 : vector<16xf32> to vector<16xf32>
    %div3A_33 = arith.constant 1.000000e+00 : f32
    %div3A_34 = vector.broadcast %div3A_33 : f32 to vector<16xf32>
    %div3A_35 = arith.divf %div3A_34, %get3A_32 : vector<16xf32>
    %swap3A_36 = arith.constant 48 : index
    %swap3A_37 = tpu.vector_load %arg6[%swap3A_36] {strides = array<i32>} : memref<2048xf32, #tpu.memory_space<vmem>>, vector<16xf32>,
    %swap3A_38 = vector.shape_cast %swap3A_37 : vector<16xf32> to vector<16xf32>
    %swap3A_39 = vector.shape_cast %div3A_35 : vector<16xf32> to vector<16xf32>
    tpu.vector_store %arg6[%swap3A_36], %swap3A_39 {strides = array<i32>} : memref<2048xf32, #tpu.memory_space<vmem>>, vector<16xf32>,
    %get3A_40 = arith.constant 64 : index
    %get3A_41 = tpu.vector_load %arg5[%get3A_40] {strides = array<i32>} : memref<2048xf32, #tpu.memory_space<vmem>>, vector<16xf32>,
    %get3A_42 = vector.shape_cast %get3A_41 : vector<16xf32> to vector<16xf32>
    %div3A_43 = arith.constant 1.000000e+00 : f32
    %div3A_44 = vector.broadcast %div3A_43 : f32 to vector<16xf32>
    %div3A_45 = arith.divf %div3A_44, %get3A_42 : vector<16xf32>
    %swap3A_46 = arith.constant 64 : index
    %swap3A_47 = tpu.vector_load %arg6[%swap3A_46] {strides = array<i32>} : memref<2048xf32, #tpu.memory_space<vmem>>, vector<16xf32>,
    %swap3A_48 = vector.shape_cast %swap3A_47 : vector<16xf32> to vector<16xf32>
    %swap3A_49 = vector.shape_cast %div3A_45 : vector<16xf32> to vector<16xf32>
    tpu.vector_store %arg6[%swap3A_46], %swap3A_49 {strides = array<i32>} : memref<2048xf32, #tpu.memory_space<vmem>>, vector<16xf32>,
    %get3A_50 = arith.constant 80 : index
    %get3A_51 = tpu.vector_load %arg5[%get3A_50] {strides = array<i32>} : memref<2048xf32, #tpu.memory_space<vmem>>, vector<16xf32>,
    %get3A_52 = vector.shape_cast %get3A_51 : vector<16xf32> to vector<16xf32>
    %div3A_53 = arith.constant 1.000000e+00 : f32
    %div3A_54 = vector.broadcast %div3A_53 : f32 to vector<16xf32>
    %div3A_55 = arith.divf %div3A_54, %get3A_52 : vector<16xf32>
    %swap3A_56 = arith.constant 80 : index
    %swap3A_57 = tpu.vector_load %arg6[%swap3A_56] {strides = array<i32>} : memref<2048xf32, #tpu.memory_space<vmem>>, vector<16xf32>,
    %swap3A_58 = vector.shape_cast %swap3A_57 : vector<16xf32> to vector<16xf32>
    %swap3A_59 = vector.shape_cast %div3A_55 : vector<16xf32> to vector<16xf32>
    tpu.vector_store %arg6[%swap3A_56], %swap3A_59 {strides = array<i32>} : memref<2048xf32, #tpu.memory_space<vmem>>, vector<16xf32>,
    %get3A_60 = arith.constant 96 : index
    %get3A_61 = tpu.vector_load %arg5[%get3A_60] {strides = array<i32>} : memref<2048xf32, #tpu.memory_space<vmem>>, vector<16xf32>,
    %get3A_62 = vector.shape_cast %get3A_61 : vector<16xf32> to vector<16xf32>
    %div3A_63 = arith.constant 1.000000e+00 : f32
    %div3A_64 = vector.broadcast %div3A_63 : f32 to vector<16xf32>
    %div3A_65 = arith.divf %div3A_64, %get3A_62 : vector<16xf32>
    %swap3A_66 = arith.constant 96 : index
    %swap3A_67 = tpu.vector_load %arg6[%swap3A_66] {strides = array<i32>} : memref<2048xf32, #tpu.memory_space<vmem>>, vector<16xf32>,
    %swap3A_68 = vector.shape_cast %swap3A_67 : vector<16xf32> to vector<16xf32>
    %swap3A_69 = vector.shape_cast %div3A_65 : vector<16xf32> to vector<16xf32>
    tpu.vector_store %arg6[%swap3A_66], %swap3A_69 {strides = array<i32>} : memref<2048xf32, #tpu.memory_space<vmem>>, vector<16xf32>,
    %get3A_70 = arith.constant 112 : index
    %get3A_71 = tpu.vector_load %arg5[%get3A_70] {strides = array<i32>} : memref<2048xf32, #tpu.memory_space<vmem>>, vector<16xf32>,
    %get3A_72 = vector.shape_cast %get3A_71 : vector<16xf32> to vector<16xf32>
    %div3A_73 = arith.constant 1.000000e+00 : f32
    %div3A_74 = vector.broadcast %div3A_73 : f32 to vector<16xf32>
    %div3A_75 = arith.divf %div3A_74, %get3A_72 : vector<16xf32>
    %swap3A_76 = arith.constant 112 : index
    %swap3A_77 = tpu.vector_load %arg6[%swap3A_76] {strides = array<i32>} : memref<2048xf32, #tpu.memory_space<vmem>>, vector<16xf32>,
    %swap3A_78 = vector.shape_cast %swap3A_77 : vector<16xf32> to vector<16xf32>
    %swap3A_79 = vector.shape_cast %div3A_75 : vector<16xf32> to vector<16xf32>
    tpu.vector_store %arg6[%swap3A_76], %swap3A_79 {strides = array<i32>} : memref<2048xf32, #tpu.memory_space<vmem>>, vector<16xf32>,
    %get3A_80 = arith.constant 128 : index
    %get3A_81 = tpu.vector_load %arg5[%get3A_80] {strides = array<i32>} : memref<2048xf32, #tpu.memory_space<vmem>>, vector<16xf32>,
    %get3A_82 = vector.shape_cast %get3A_81 : vector<16xf32> to vector<16xf32>
    %div3A_83 = arith.constant 1.000000e+00 : f32
    %div3A_84 = vector.broadcast %div3A_83 : f32 to vector<16xf32>
    %div3A_85 = arith.divf %div3A_84, %get3A_82 : vector<16xf32>
    %swap3A_86 = arith.constant 128 : index
    %swap3A_87 = tpu.vector_load %arg6[%swap3A_86] {strides = array<i32>} : memref<2048xf32, #tpu.memory_space<vmem>>, vector<16xf32>,
    %swap3A_88 = vector.shape_cast %swap3A_87 : vector<16xf32> to vector<16xf32>
    %swap3A_89 = vector.shape_cast %div3A_85 : vector<16xf32> to vector<16xf32>
    tpu.vector_store %arg6[%swap3A_86], %swap3A_89 {strides = array<i32>} : memref<2048xf32, #tpu.memory_space<vmem>>, vector<16xf32>,
    %get3A_90 = arith.constant 144 : index
    %get3A_91 = tpu.vector_load %arg5[%get3A_90] {strides = array<i32>} : memref<2048xf32, #tpu.memory_space<vmem>>, vector<16xf32>,
    %get3A_92 = vector.shape_cast %get3A_91 : vector<16xf32> to vector<16xf32>
    %div3A_93 = arith.constant 1.000000e+00 : f32
    %div3A_94 = vector.broadcast %div3A_93 : f32 to vector<16xf32>
    %div3A_95 = arith.divf %div3A_94, %get3A_92 : vector<16xf32>
    %swap3A_96 = arith.constant 144 : index
    %swap3A_97 = tpu.vector_load %arg6[%swap3A_96] {strides = array<i32>} : memref<2048xf32, #tpu.memory_space<vmem>>, vector<16xf32>,
    %swap3A_98 = vector.shape_cast %swap3A_97 : vector<16xf32> to vector<16xf32>
    %swap3A_99 = vector.shape_cast %div3A_95 : vector<16xf32> to vector<16xf32>
    tpu.vector_store %arg6[%swap3A_96], %swap3A_99 {strides = array<i32>} : memref<2048xf32, #tpu.memory_space<vmem>>, vector<16xf32>,
    %get3A_100 = arith.constant 160 : index
    %get3A_101 = tpu.vector_load %arg5[%get3A_100] {strides = array<i32>} : memref<2048xf32, #tpu.memory_space<vmem>>, vector<16xf32>,
    %get3A_102 = vector.shape_cast %get3A_101 : vector<16xf32> to vector<16xf32>
    %div3A_103 = arith.constant 1.000000e+00 : f32
    %div3A_104 = vector.broadcast %div3A_103 : f32 to vector<16xf32>
    %div3A_105 = arith.divf %div3A_104, %get3A_102 : vector<16xf32>
    %swap3A_106 = arith.constant 160 : index
    %swap3A_107 = tpu.vector_load %arg6[%swap3A_106] {strides = array<i32>} : memref<2048xf32, #tpu.memory_space<vmem>>, vector<16xf32>,
    %swap3A_108 = vector.shape_cast %swap3A_107 : vector<16xf32> to vector<16xf32>
    %swap3A_109 = vector.shape_cast %div3A_105 : vector<16xf32> to vector<16xf32>
    tpu.vector_store %arg6[%swap3A_106], %swap3A_109 {strides = array<i32>} : memref<2048xf32, #tpu.memory_space<vmem>>, vector<16xf32>,
    %get3A_110 = arith.constant 176 : index
    %get3A_111 = tpu.vector_load %arg5[%get3A_110] {strides = array<i32>} : memref<2048xf32, #tpu.memory_space<vmem>>, vector<16xf32>,
    %get3A_112 = vector.shape_cast %get3A_111 : vector<16xf32> to vector<16xf32>
    %div3A_113 = arith.constant 1.000000e+00 : f32
    %div3A_114 = vector.broadcast %div3A_113 : f32 to vector<16xf32>
    %div3A_115 = arith.divf %div3A_114, %get3A_112 : vector<16xf32>
    %swap3A_116 = arith.constant 176 : index
    %swap3A_117 = tpu.vector_load %arg6[%swap3A_116] {strides = array<i32>} : memref<2048xf32, #tpu.memory_space<vmem>>, vector<16xf32>,
    %swap3A_118 = vector.shape_cast %swap3A_117 : vector<16xf32> to vector<16xf32>
    %swap3A_119 = vector.shape_cast %div3A_115 : vector<16xf32> to vector<16xf32>
    tpu.vector_store %arg6[%swap3A_116], %swap3A_119 {strides = array<i32>} : memref<2048xf32, #tpu.memory_space<vmem>>, vector<16xf32>,
    %get3A_120 = arith.constant 192 : index
    %get3A_121 = tpu.vector_load %arg5[%get3A_120] {strides = array<i32>} : memref<2048xf32, #tpu.memory_space<vmem>>, vector<16xf32>,
    %get3A_122 = vector.shape_cast %get3A_121 : vector<16xf32> to vector<16xf32>
    %div3A_123 = arith.constant 1.000000e+00 : f32
    %div3A_124 = vector.broadcast %div3A_123 : f32 to vector<16xf32>
    %div3A_125 = arith.divf %div3A_124, %get3A_122 : vector<16xf32>
    %swap3A_126 = arith.constant 192 : index
    %swap3A_127 = tpu.vector_load %arg6[%swap3A_126] {strides = array<i32>} : memref<2048xf32, #tpu.memory_space<vmem>>, vector<16xf32>,
    %swap3A_128 = vector.shape_cast %swap3A_127 : vector<16xf32> to vector<16xf32>
    %swap3A_129 = vector.shape_cast %div3A_125 : vector<16xf32> to vector<16xf32>
    tpu.vector_store %arg6[%swap3A_126], %swap3A_129 {strides = array<i32>} : memref<2048xf32, #tpu.memory_space<vmem>>, vector<16xf32>,
    %get3A_130 = arith.constant 208 : index
    %get3A_131 = tpu.vector_load %arg5[%get3A_130] {strides = array<i32>} : memref<2048xf32, #tpu.memory_space<vmem>>, vector<16xf32>,
    %get3A_132 = vector.shape_cast %get3A_131 : vector<16xf32> to vector<16xf32>
    %div3A_133 = arith.constant 1.000000e+00 : f32
    %div3A_134 = vector.broadcast %div3A_133 : f32 to vector<16xf32>
    %div3A_135 = arith.divf %div3A_134, %get3A_132 : vector<16xf32>
    %swap3A_136 = arith.constant 208 : index
    %swap3A_137 = tpu.vector_load %arg6[%swap3A_136] {strides = array<i32>} : memref<2048xf32, #tpu.memory_space<vmem>>, vector<16xf32>,
    %swap3A_138 = vector.shape_cast %swap3A_137 : vector<16xf32> to vector<16xf32>
    %swap3A_139 = vector.shape_cast %div3A_135 : vector<16xf32> to vector<16xf32>
    tpu.vector_store %arg6[%swap3A_136], %swap3A_139 {strides = array<i32>} : memref<2048xf32, #tpu.memory_space<vmem>>, vector<16xf32>,
    %get3A_140 = arith.constant 224 : index
    %get3A_141 = tpu.vector_load %arg5[%get3A_140] {strides = array<i32>} : memref<2048xf32, #tpu.memory_space<vmem>>, vector<16xf32>,
    %get3A_142 = vector.shape_cast %get3A_141 : vector<16xf32> to vector<16xf32>
    %div3A_143 = arith.constant 1.000000e+00 : f32
    %div3A_144 = vector.broadcast %div3A_143 : f32 to vector<16xf32>
    %div3A_145 = arith.divf %div3A_144, %get3A_142 : vector<16xf32>
    %swap3A_146 = arith.constant 224 : index
    %swap3A_147 = tpu.vector_load %arg6[%swap3A_146] {strides = array<i32>} : memref<2048xf32, #tpu.memory_space<vmem>>, vector<16xf32>,
    %swap3A_148 = vector.shape_cast %swap3A_147 : vector<16xf32> to vector<16xf32>
    %swap3A_149 = vector.shape_cast %div3A_145 : vector<16xf32> to vector<16xf32>
    tpu.vector_store %arg6[%swap3A_146], %swap3A_149 {strides = array<i32>} : memref<2048xf32, #tpu.memory_space<vmem>>, vector<16xf32>,
    %get3A_150 = arith.constant 240 : index
    %get3A_151 = tpu.vector_load %arg5[%get3A_150] {strides = array<i32>} : memref<2048xf32, #tpu.memory_space<vmem>>, vector<16xf32>,
    %get3A_152 = vector.shape_cast %get3A_151 : vector<16xf32> to vector<16xf32>
    %div3A_153 = arith.constant 1.000000e+00 : f32
    %div3A_154 = vector.broadcast %div3A_153 : f32 to vector<16xf32>
    %div3A_155 = arith.divf %div3A_154, %get3A_152 : vector<16xf32>
    %swap3A_156 = arith.constant 240 : index
    %swap3A_157 = tpu.vector_load %arg6[%swap3A_156] {strides = array<i32>} : memref<2048xf32, #tpu.memory_space<vmem>>, vector<16xf32>,
    %swap3A_158 = vector.shape_cast %swap3A_157 : vector<16xf32> to vector<16xf32>
    %swap3A_159 = vector.shape_cast %div3A_155 : vector<16xf32> to vector<16xf32>
    tpu.vector_store %arg6[%swap3A_156], %swap3A_159 {strides = array<i32>} : memref<2048xf32, #tpu.memory_space<vmem>>, vector<16xf32>,
    %get3A_160 = arith.constant 256 : index
    %get3A_161 = tpu.vector_load %arg5[%get3A_160] {strides = array<i32>} : memref<2048xf32, #tpu.memory_space<vmem>>, vector<16xf32>,
    %get3A_162 = vector.shape_cast %get3A_161 : vector<16xf32> to vector<16xf32>
    %div3A_163 = arith.constant 1.000000e+00 : f32
    %div3A_164 = vector.broadcast %div3A_163 : f32 to vector<16xf32>
    %div3A_165 = arith.divf %div3A_164, %get3A_162 : vector<16xf32>
    %swap3A_166 = arith.constant 256 : index
    %swap3A_167 = tpu.vector_load %arg6[%swap3A_166] {strides = array<i32>} : memref<2048xf32, #tpu.memory_space<vmem>>, vector<16xf32>,
    %swap3A_168 = vector.shape_cast %swap3A_167 : vector<16xf32> to vector<16xf32>
    %swap3A_169 = vector.shape_cast %div3A_165 : vector<16xf32> to vector<16xf32>
    tpu.vector_store %arg6[%swap3A_166], %swap3A_169 {strides = array<i32>} : memref<2048xf32, #tpu.memory_space<vmem>>, vector<16xf32>,
    %get3A_170 = arith.constant 272 : index
    %get3A_171 = tpu.vector_load %arg5[%get3A_170] {strides = array<i32>} : memref<2048xf32, #tpu.memory_space<vmem>>, vector<16xf32>,
    %get3A_172 = vector.shape_cast %get3A_171 : vector<16xf32> to vector<16xf32>
    %div3A_173 = arith.constant 1.000000e+00 : f32
    %div3A_174 = vector.broadcast %div3A_173 : f32 to vector<16xf32>
    %div3A_175 = arith.divf %div3A_174, %get3A_172 : vector<16xf32>
    %swap3A_176 = arith.constant 272 : index
    %swap3A_177 = tpu.vector_load %arg6[%swap3A_176] {strides = array<i32>} : memref<2048xf32, #tpu.memory_space<vmem>>, vector<16xf32>,
    %swap3A_178 = vector.shape_cast %swap3A_177 : vector<16xf32> to vector<16xf32>
    %swap3A_179 = vector.shape_cast %div3A_175 : vector<16xf32> to vector<16xf32>
    tpu.vector_store %arg6[%swap3A_176], %swap3A_179 {strides = array<i32>} : memref<2048xf32, #tpu.memory_space<vmem>>, vector<16xf32>,
    %get3A_180 = arith.constant 288 : index
    %get3A_181 = tpu.vector_load %arg5[%get3A_180] {strides = array<i32>} : memref<2048xf32, #tpu.memory_space<vmem>>, vector<16xf32>,
    %get3A_182 = vector.shape_cast %get3A_181 : vector<16xf32> to vector<16xf32>
    %div3A_183 = arith.constant 1.000000e+00 : f32
    %div3A_184 = vector.broadcast %div3A_183 : f32 to vector<16xf32>
    %div3A_185 = arith.divf %div3A_184, %get3A_182 : vector<16xf32>
    %swap3A_186 = arith.constant 288 : index
    %swap3A_187 = tpu.vector_load %arg6[%swap3A_186] {strides = array<i32>} : memref<2048xf32, #tpu.memory_space<vmem>>, vector<16xf32>,
    %swap3A_188 = vector.shape_cast %swap3A_187 : vector<16xf32> to vector<16xf32>
    %swap3A_189 = vector.shape_cast %div3A_185 : vector<16xf32> to vector<16xf32>
    tpu.vector_store %arg6[%swap3A_186], %swap3A_189 {strides = array<i32>} : memref<2048xf32, #tpu.memory_space<vmem>>, vector<16xf32>,
    %get3A_190 = arith.constant 304 : index
    %get3A_191 = tpu.vector_load %arg5[%get3A_190] {strides = array<i32>} : memref<2048xf32, #tpu.memory_space<vmem>>, vector<16xf32>,
    %get3A_192 = vector.shape_cast %get3A_191 : vector<16xf32> to vector<16xf32>
    %div3A_193 = arith.constant 1.000000e+00 : f32
    %div3A_194 = vector.broadcast %div3A_193 : f32 to vector<16xf32>
    %div3A_195 = arith.divf %div3A_194, %get3A_192 : vector<16xf32>
    %swap3A_196 = arith.constant 304 : index
    %swap3A_197 = tpu.vector_load %arg6[%swap3A_196] {strides = array<i32>} : memref<2048xf32, #tpu.memory_space<vmem>>, vector<16xf32>,
    %swap3A_198 = vector.shape_cast %swap3A_197 : vector<16xf32> to vector<16xf32>
    %swap3A_199 = vector.shape_cast %div3A_195 : vector<16xf32> to vector<16xf32>
    tpu.vector_store %arg6[%swap3A_196], %swap3A_199 {strides = array<i32>} : memref<2048xf32, #tpu.memory_space<vmem>>, vector<16xf32>,
    %get3A_200 = arith.constant 320 : index
    %get3A_201 = tpu.vector_load %arg5[%get3A_200] {strides = array<i32>} : memref<2048xf32, #tpu.memory_space<vmem>>, vector<16xf32>,
    %get3A_202 = vector.shape_cast %get3A_201 : vector<16xf32> to vector<16xf32>
    %div3A_203 = arith.constant 1.000000e+00 : f32
    %div3A_204 = vector.broadcast %div3A_203 : f32 to vector<16xf32>
    %div3A_205 = arith.divf %div3A_204, %get3A_202 : vector<16xf32>
    %swap3A_206 = arith.constant 320 : index
    %swap3A_207 = tpu.vector_load %arg6[%swap3A_206] {strides = array<i32>} : memref<2048xf32, #tpu.memory_space<vmem>>, vector<16xf32>,
    %swap3A_208 = vector.shape_cast %swap3A_207 : vector<16xf32> to vector<16xf32>
    %swap3A_209 = vector.shape_cast %div3A_205 : vector<16xf32> to vector<16xf32>
    tpu.vector_store %arg6[%swap3A_206], %swap3A_209 {strides = array<i32>} : memref<2048xf32, #tpu.memory_space<vmem>>, vector<16xf32>,
    %get3A_210 = arith.constant 336 : index
    %get3A_211 = tpu.vector_load %arg5[%get3A_210] {strides = array<i32>} : memref<2048xf32, #tpu.memory_space<vmem>>, vector<16xf32>,
    %get3A_212 = vector.shape_cast %get3A_211 : vector<16xf32> to vector<16xf32>
    %div3A_213 = arith.constant 1.000000e+00 : f32
    %div3A_214 = vector.broadcast %div3A_213 : f32 to vector<16xf32>
    %div3A_215 = arith.divf %div3A_214, %get3A_212 : vector<16xf32>
    %swap3A_216 = arith.constant 336 : index
    %swap3A_217 = tpu.vector_load %arg6[%swap3A_216] {strides = array<i32>} : memref<2048xf32, #tpu.memory_space<vmem>>, vector<16xf32>,
    %swap3A_218 = vector.shape_cast %swap3A_217 : vector<16xf32> to vector<16xf32>
    %swap3A_219 = vector.shape_cast %div3A_215 : vector<16xf32> to vector<16xf32>
    tpu.vector_store %arg6[%swap3A_216], %swap3A_219 {strides = array<i32>} : memref<2048xf32, #tpu.memory_space<vmem>>, vector<16xf32>,
    %get3A_220 = arith.constant 352 : index
    %get3A_221 = tpu.vector_load %arg5[%get3A_220] {strides = array<i32>} : memref<2048xf32, #tpu.memory_space<vmem>>, vector<16xf32>,
    %get3A_222 = vector.shape_cast %get3A_221 : vector<16xf32> to vector<16xf32>
    %div3A_223 = arith.constant 1.000000e+00 : f32
    %div3A_224 = vector.broadcast %div3A_223 : f32 to vector<16xf32>
    %div3A_225 = arith.divf %div3A_224, %get3A_222 : vector<16xf32>
    %swap3A_226 = arith.constant 352 : index
    %swap3A_227 = tpu.vector_load %arg6[%swap3A_226] {strides = array<i32>} : memref<2048xf32, #tpu.memory_space<vmem>>, vector<16xf32>,
    %swap3A_228 = vector.shape_cast %swap3A_227 : vector<16xf32> to vector<16xf32>
    %swap3A_229 = vector.shape_cast %div3A_225 : vector<16xf32> to vector<16xf32>
    tpu.vector_store %arg6[%swap3A_226], %swap3A_229 {strides = array<i32>} : memref<2048xf32, #tpu.memory_space<vmem>>, vector<16xf32>,
    %get3A_230 = arith.constant 368 : index
    %get3A_231 = tpu.vector_load %arg5[%get3A_230] {strides = array<i32>} : memref<2048xf32, #tpu.memory_space<vmem>>, vector<16xf32>,
    %get3A_232 = vector.shape_cast %get3A_231 : vector<16xf32> to vector<16xf32>
    %div3A_233 = arith.constant 1.000000e+00 : f32
    %div3A_234 = vector.broadcast %div3A_233 : f32 to vector<16xf32>
    %div3A_235 = arith.divf %div3A_234, %get3A_232 : vector<16xf32>
    %swap3A_236 = arith.constant 368 : index
    %swap3A_237 = tpu.vector_load %arg6[%swap3A_236] {strides = array<i32>} : memref<2048xf32, #tpu.memory_space<vmem>>, vector<16xf32>,
    %swap3A_238 = vector.shape_cast %swap3A_237 : vector<16xf32> to vector<16xf32>
    %swap3A_239 = vector.shape_cast %div3A_235 : vector<16xf32> to vector<16xf32>
    tpu.vector_store %arg6[%swap3A_236], %swap3A_239 {strides = array<i32>} : memref<2048xf32, #tpu.memory_space<vmem>>, vector<16xf32>,
    %get3A_240 = arith.constant 384 : index
    %get3A_241 = tpu.vector_load %arg5[%get3A_240] {strides = array<i32>} : memref<2048xf32, #tpu.memory_space<vmem>>, vector<16xf32>,
    %get3A_242 = vector.shape_cast %get3A_241 : vector<16xf32> to vector<16xf32>
    %div3A_243 = arith.constant 1.000000e+00 : f32
    %div3A_244 = vector.broadcast %div3A_243 : f32 to vector<16xf32>
    %div3A_245 = arith.divf %div3A_244, %get3A_242 : vector<16xf32>
    %swap3A_246 = arith.constant 384 : index
    %swap3A_247 = tpu.vector_load %arg6[%swap3A_246] {strides = array<i32>} : memref<2048xf32, #tpu.memory_space<vmem>>, vector<16xf32>,
    %swap3A_248 = vector.shape_cast %swap3A_247 : vector<16xf32> to vector<16xf32>
    %swap3A_249 = vector.shape_cast %div3A_245 : vector<16xf32> to vector<16xf32>
    tpu.vector_store %arg6[%swap3A_246], %swap3A_249 {strides = array<i32>} : memref<2048xf32, #tpu.memory_space<vmem>>, vector<16xf32>,
    %get3A_250 = arith.constant 400 : index
    %get3A_251 = tpu.vector_load %arg5[%get3A_250] {strides = array<i32>} : memref<2048xf32, #tpu.memory_space<vmem>>, vector<16xf32>,
    %get3A_252 = vector.shape_cast %get3A_251 : vector<16xf32> to vector<16xf32>
    %div3A_253 = arith.constant 1.000000e+00 : f32
    %div3A_254 = vector.broadcast %div3A_253 : f32 to vector<16xf32>
    %div3A_255 = arith.divf %div3A_254, %get3A_252 : vector<16xf32>
    %swap3A_256 = arith.constant 400 : index
    %swap3A_257 = tpu.vector_load %arg6[%swap3A_256] {strides = array<i32>} : memref<2048xf32, #tpu.memory_space<vmem>>, vector<16xf32>,
    %swap3A_258 = vector.shape_cast %swap3A_257 : vector<16xf32> to vector<16xf32>
    %swap3A_259 = vector.shape_cast %div3A_255 : vector<16xf32> to vector<16xf32>
    tpu.vector_store %arg6[%swap3A_256], %swap3A_259 {strides = array<i32>} : memref<2048xf32, #tpu.memory_space<vmem>>, vector<16xf32>,
    %get3A_260 = arith.constant 416 : index
    %get3A_261 = tpu.vector_load %arg5[%get3A_260] {strides = array<i32>} : memref<2048xf32, #tpu.memory_space<vmem>>, vector<16xf32>,
    %get3A_262 = vector.shape_cast %get3A_261 : vector<16xf32> to vector<16xf32>
    %div3A_263 = arith.constant 1.000000e+00 : f32
    %div3A_264 = vector.broadcast %div3A_263 : f32 to vector<16xf32>
    %div3A_265 = arith.divf %div3A_264, %get3A_262 : vector<16xf32>
    %swap3A_266 = arith.constant 416 : index
    %swap3A_267 = tpu.vector_load %arg6[%swap3A_266] {strides = array<i32>} : memref<2048xf32, #tpu.memory_space<vmem>>, vector<16xf32>,
    %swap3A_268 = vector.shape_cast %swap3A_267 : vector<16xf32> to vector<16xf32>
    %swap3A_269 = vector.shape_cast %div3A_265 : vector<16xf32> to vector<16xf32>
    tpu.vector_store %arg6[%swap3A_266], %swap3A_269 {strides = array<i32>} : memref<2048xf32, #tpu.memory_space<vmem>>, vector<16xf32>,
    %get3A_270 = arith.constant 432 : index
    %get3A_271 = tpu.vector_load %arg5[%get3A_270] {strides = array<i32>} : memref<2048xf32, #tpu.memory_space<vmem>>, vector<16xf32>,
    %get3A_272 = vector.shape_cast %get3A_271 : vector<16xf32> to vector<16xf32>
    %div3A_273 = arith.constant 1.000000e+00 : f32
    %div3A_274 = vector.broadcast %div3A_273 : f32 to vector<16xf32>
    %div3A_275 = arith.divf %div3A_274, %get3A_272 : vector<16xf32>
    %swap3A_276 = arith.constant 432 : index
    %swap3A_277 = tpu.vector_load %arg6[%swap3A_276] {strides = array<i32>} : memref<2048xf32, #tpu.memory_space<vmem>>, vector<16xf32>,
    %swap3A_278 = vector.shape_cast %swap3A_277 : vector<16xf32> to vector<16xf32>
    %swap3A_279 = vector.shape_cast %div3A_275 : vector<16xf32> to vector<16xf32>
    tpu.vector_store %arg6[%swap3A_276], %swap3A_279 {strides = array<i32>} : memref<2048xf32, #tpu.memory_space<vmem>>, vector<16xf32>,
    %get3A_280 = arith.constant 448 : index
    %get3A_281 = tpu.vector_load %arg5[%get3A_280] {strides = array<i32>} : memref<2048xf32, #tpu.memory_space<vmem>>, vector<16xf32>,
    %get3A_282 = vector.shape_cast %get3A_281 : vector<16xf32> to vector<16xf32>
    %div3A_283 = arith.constant 1.000000e+00 : f32
    %div3A_284 = vector.broadcast %div3A_283 : f32 to vector<16xf32>
    %div3A_285 = arith.divf %div3A_284, %get3A_282 : vector<16xf32>
    %swap3A_286 = arith.constant 448 : index
    %swap3A_287 = tpu.vector_load %arg6[%swap3A_286] {strides = array<i32>} : memref<2048xf32, #tpu.memory_space<vmem>>, vector<16xf32>,
    %swap3A_288 = vector.shape_cast %swap3A_287 : vector<16xf32> to vector<16xf32>
    %swap3A_289 = vector.shape_cast %div3A_285 : vector<16xf32> to vector<16xf32>
    tpu.vector_store %arg6[%swap3A_286], %swap3A_289 {strides = array<i32>} : memref<2048xf32, #tpu.memory_space<vmem>>, vector<16xf32>,
    %get3A_290 = arith.constant 464 : index
    %get3A_291 = tpu.vector_load %arg5[%get3A_290] {strides = array<i32>} : memref<2048xf32, #tpu.memory_space<vmem>>, vector<16xf32>,
    %get3A_292 = vector.shape_cast %get3A_291 : vector<16xf32> to vector<16xf32>
    %div3A_293 = arith.constant 1.000000e+00 : f32
    %div3A_294 = vector.broadcast %div3A_293 : f32 to vector<16xf32>
    %div3A_295 = arith.divf %div3A_294, %get3A_292 : vector<16xf32>
    %swap3A_296 = arith.constant 464 : index
    %swap3A_297 = tpu.vector_load %arg6[%swap3A_296] {strides = array<i32>} : memref<2048xf32, #tpu.memory_space<vmem>>, vector<16xf32>,
    %swap3A_298 = vector.shape_cast %swap3A_297 : vector<16xf32> to vector<16xf32>
    %swap3A_299 = vector.shape_cast %div3A_295 : vector<16xf32> to vector<16xf32>
    tpu.vector_store %arg6[%swap3A_296], %swap3A_299 {strides = array<i32>} : memref<2048xf32, #tpu.memory_space<vmem>>, vector<16xf32>,
    %get3A_300 = arith.constant 480 : index
    %get3A_301 = tpu.vector_load %arg5[%get3A_300] {strides = array<i32>} : memref<2048xf32, #tpu.memory_space<vmem>>, vector<16xf32>,
    %get3A_302 = vector.shape_cast %get3A_301 : vector<16xf32> to vector<16xf32>
    %div3A_303 = arith.constant 1.000000e+00 : f32
    %div3A_304 = vector.broadcast %div3A_303 : f32 to vector<16xf32>
    %div3A_305 = arith.divf %div3A_304, %get3A_302 : vector<16xf32>
    %swap3A_306 = arith.constant 480 : index
    %swap3A_307 = tpu.vector_load %arg6[%swap3A_306] {strides = array<i32>} : memref<2048xf32, #tpu.memory_space<vmem>>, vector<16xf32>,
    %swap3A_308 = vector.shape_cast %swap3A_307 : vector<16xf32> to vector<16xf32>
    %swap3A_309 = vector.shape_cast %div3A_305 : vector<16xf32> to vector<16xf32>
    tpu.vector_store %arg6[%swap3A_306], %swap3A_309 {strides = array<i32>} : memref<2048xf32, #tpu.memory_space<vmem>>, vector<16xf32>,
    %get3A_310 = arith.constant 496 : index
    %get3A_311 = tpu.vector_load %arg5[%get3A_310] {strides = array<i32>} : memref<2048xf32, #tpu.memory_space<vmem>>, vector<16xf32>,
    %get3A_312 = vector.shape_cast %get3A_311 : vector<16xf32> to vector<16xf32>
    %div3A_313 = arith.constant 1.000000e+00 : f32
    %div3A_314 = vector.broadcast %div3A_313 : f32 to vector<16xf32>
    %div3A_315 = arith.divf %div3A_314, %get3A_312 : vector<16xf32>
    %swap3A_316 = arith.constant 496 : index
    %swap3A_317 = tpu.vector_load %arg6[%swap3A_316] {strides = array<i32>} : memref<2048xf32, #tpu.memory_space<vmem>>, vector<16xf32>,
    %swap3A_318 = vector.shape_cast %swap3A_317 : vector<16xf32> to vector<16xf32>
    %swap3A_319 = vector.shape_cast %div3A_315 : vector<16xf32> to vector<16xf32>
    tpu.vector_store %arg6[%swap3A_316], %swap3A_319 {strides = array<i32>} : memref<2048xf32, #tpu.memory_space<vmem>>, vector<16xf32>,
    %get3A_320 = arith.constant 512 : index
    %get3A_321 = tpu.vector_load %arg5[%get3A_320] {strides = array<i32>} : memref<2048xf32, #tpu.memory_space<vmem>>, vector<16xf32>,
    %get3A_322 = vector.shape_cast %get3A_321 : vector<16xf32> to vector<16xf32>
    %div3A_323 = arith.constant 1.000000e+00 : f32
    %div3A_324 = vector.broadcast %div3A_323 : f32 to vector<16xf32>
    %div3A_325 = arith.divf %div3A_324, %get3A_322 : vector<16xf32>
    %swap3A_326 = arith.constant 512 : index
    %swap3A_327 = tpu.vector_load %arg6[%swap3A_326] {strides = array<i32>} : memref<2048xf32, #tpu.memory_space<vmem>>, vector<16xf32>,
    %swap3A_328 = vector.shape_cast %swap3A_327 : vector<16xf32> to vector<16xf32>
    %swap3A_329 = vector.shape_cast %div3A_325 : vector<16xf32> to vector<16xf32>
    tpu.vector_store %arg6[%swap3A_326], %swap3A_329 {strides = array<i32>} : memref<2048xf32, #tpu.memory_space<vmem>>, vector<16xf32>,
    %get3A_330 = arith.constant 528 : index
    %get3A_331 = tpu.vector_load %arg5[%get3A_330] {strides = array<i32>} : memref<2048xf32, #tpu.memory_space<vmem>>, vector<16xf32>,
    %get3A_332 = vector.shape_cast %get3A_331 : vector<16xf32> to vector<16xf32>
    %div3A_333 = arith.constant 1.000000e+00 : f32
    %div3A_334 = vector.broadcast %div3A_333 : f32 to vector<16xf32>
    %div3A_335 = arith.divf %div3A_334, %get3A_332 : vector<16xf32>
    %swap3A_336 = arith.constant 528 : index
    %swap3A_337 = tpu.vector_load %arg6[%swap3A_336] {strides = array<i32>} : memref<2048xf32, #tpu.memory_space<vmem>>, vector<16xf32>,
    %swap3A_338 = vector.shape_cast %swap3A_337 : vector<16xf32> to vector<16xf32>
    %swap3A_339 = vector.shape_cast %div3A_335 : vector<16xf32> to vector<16xf32>
    tpu.vector_store %arg6[%swap3A_336], %swap3A_339 {strides = array<i32>} : memref<2048xf32, #tpu.memory_space<vmem>>, vector<16xf32>,
    %get3A_340 = arith.constant 544 : index
    %get3A_341 = tpu.vector_load %arg5[%get3A_340] {strides = array<i32>} : memref<2048xf32, #tpu.memory_space<vmem>>, vector<16xf32>,
    %get3A_342 = vector.shape_cast %get3A_341 : vector<16xf32> to vector<16xf32>
    %div3A_343 = arith.constant 1.000000e+00 : f32
    %div3A_344 = vector.broadcast %div3A_343 : f32 to vector<16xf32>
    %div3A_345 = arith.divf %div3A_344, %get3A_342 : vector<16xf32>
    %swap3A_346 = arith.constant 544 : index
    %swap3A_347 = tpu.vector_load %arg6[%swap3A_346] {strides = array<i32>} : memref<2048xf32, #tpu.memory_space<vmem>>, vector<16xf32>,
    %swap3A_348 = vector.shape_cast %swap3A_347 : vector<16xf32> to vector<16xf32>
    %swap3A_349 = vector.shape_cast %div3A_345 : vector<16xf32> to vector<16xf32>
    tpu.vector_store %arg6[%swap3A_346], %swap3A_349 {strides = array<i32>} : memref<2048xf32, #tpu.memory_space<vmem>>, vector<16xf32>,
    %get3A_350 = arith.constant 560 : index
    %get3A_351 = tpu.vector_load %arg5[%get3A_350] {strides = array<i32>} : memref<2048xf32, #tpu.memory_space<vmem>>, vector<16xf32>,
    %get3A_352 = vector.shape_cast %get3A_351 : vector<16xf32> to vector<16xf32>
    %div3A_353 = arith.constant 1.000000e+00 : f32
    %div3A_354 = vector.broadcast %div3A_353 : f32 to vector<16xf32>
    %div3A_355 = arith.divf %div3A_354, %get3A_352 : vector<16xf32>
    %swap3A_356 = arith.constant 560 : index
    %swap3A_357 = tpu.vector_load %arg6[%swap3A_356] {strides = array<i32>} : memref<2048xf32, #tpu.memory_space<vmem>>, vector<16xf32>,
    %swap3A_358 = vector.shape_cast %swap3A_357 : vector<16xf32> to vector<16xf32>
    %swap3A_359 = vector.shape_cast %div3A_355 : vector<16xf32> to vector<16xf32>
    tpu.vector_store %arg6[%swap3A_356], %swap3A_359 {strides = array<i32>} : memref<2048xf32, #tpu.memory_space<vmem>>, vector<16xf32>,
    %get3A_360 = arith.constant 576 : index
    %get3A_361 = tpu.vector_load %arg5[%get3A_360] {strides = array<i32>} : memref<2048xf32, #tpu.memory_space<vmem>>, vector<16xf32>,
    %get3A_362 = vector.shape_cast %get3A_361 : vector<16xf32> to vector<16xf32>
    %div3A_363 = arith.constant 1.000000e+00 : f32
    %div3A_364 = vector.broadcast %div3A_363 : f32 to vector<16xf32>
    %div3A_365 = arith.divf %div3A_364, %get3A_362 : vector<16xf32>
    %swap3A_366 = arith.constant 576 : index
    %swap3A_367 = tpu.vector_load %arg6[%swap3A_366] {strides = array<i32>} : memref<2048xf32, #tpu.memory_space<vmem>>, vector<16xf32>,
    %swap3A_368 = vector.shape_cast %swap3A_367 : vector<16xf32> to vector<16xf32>
    %swap3A_369 = vector.shape_cast %div3A_365 : vector<16xf32> to vector<16xf32>
    tpu.vector_store %arg6[%swap3A_366], %swap3A_369 {strides = array<i32>} : memref<2048xf32, #tpu.memory_space<vmem>>, vector<16xf32>,
    %get3A_370 = arith.constant 592 : index
    %get3A_371 = tpu.vector_load %arg5[%get3A_370] {strides = array<i32>} : memref<2048xf32, #tpu.memory_space<vmem>>, vector<16xf32>,
    %get3A_372 = vector.shape_cast %get3A_371 : vector<16xf32> to vector<16xf32>
    %div3A_373 = arith.constant 1.000000e+00 : f32
    %div3A_374 = vector.broadcast %div3A_373 : f32 to vector<16xf32>
    %div3A_375 = arith.divf %div3A_374, %get3A_372 : vector<16xf32>
    %swap3A_376 = arith.constant 592 : index
    %swap3A_377 = tpu.vector_load %arg6[%swap3A_376] {strides = array<i32>} : memref<2048xf32, #tpu.memory_space<vmem>>, vector<16xf32>,
    %swap3A_378 = vector.shape_cast %swap3A_377 : vector<16xf32> to vector<16xf32>
    %swap3A_379 = vector.shape_cast %div3A_375 : vector<16xf32> to vector<16xf32>
    tpu.vector_store %arg6[%swap3A_376], %swap3A_379 {strides = array<i32>} : memref<2048xf32, #tpu.memory_space<vmem>>, vector<16xf32>,
    %get3A_380 = arith.constant 608 : index
    %get3A_381 = tpu.vector_load %arg5[%get3A_380] {strides = array<i32>} : memref<2048xf32, #tpu.memory_space<vmem>>, vector<16xf32>,
    %get3A_382 = vector.shape_cast %get3A_381 : vector<16xf32> to vector<16xf32>
    %div3A_383 = arith.constant 1.000000e+00 : f32
    %div3A_384 = vector.broadcast %div3A_383 : f32 to vector<16xf32>
    %div3A_385 = arith.divf %div3A_384, %get3A_382 : vector<16xf32>
    %swap3A_386 = arith.constant 608 : index
    %swap3A_387 = tpu.vector_load %arg6[%swap3A_386] {strides = array<i32>} : memref<2048xf32, #tpu.memory_space<vmem>>, vector<16xf32>,
    %swap3A_388 = vector.shape_cast %swap3A_387 : vector<16xf32> to vector<16xf32>
    %swap3A_389 = vector.shape_cast %div3A_385 : vector<16xf32> to vector<16xf32>
    tpu.vector_store %arg6[%swap3A_386], %swap3A_389 {strides = array<i32>} : memref<2048xf32, #tpu.memory_space<vmem>>, vector<16xf32>,
    %get3A_390 = arith.constant 624 : index
    %get3A_391 = tpu.vector_load %arg5[%get3A_390] {strides = array<i32>} : memref<2048xf32, #tpu.memory_space<vmem>>, vector<16xf32>,
    %get3A_392 = vector.shape_cast %get3A_391 : vector<16xf32> to vector<16xf32>
    %div3A_393 = arith.constant 1.000000e+00 : f32
    %div3A_394 = vector.broadcast %div3A_393 : f32 to vector<16xf32>
    %div3A_395 = arith.divf %div3A_394, %get3A_392 : vector<16xf32>
    %swap3A_396 = arith.constant 624 : index
    %swap3A_397 = tpu.vector_load %arg6[%swap3A_396] {strides = array<i32>} : memref<2048xf32, #tpu.memory_space<vmem>>, vector<16xf32>,
    %swap3A_398 = vector.shape_cast %swap3A_397 : vector<16xf32> to vector<16xf32>
    %swap3A_399 = vector.shape_cast %div3A_395 : vector<16xf32> to vector<16xf32>
    tpu.vector_store %arg6[%swap3A_396], %swap3A_399 {strides = array<i32>} : memref<2048xf32, #tpu.memory_space<vmem>>, vector<16xf32>,
    %get3A_400 = arith.constant 640 : index
    %get3A_401 = tpu.vector_load %arg5[%get3A_400] {strides = array<i32>} : memref<2048xf32, #tpu.memory_space<vmem>>, vector<16xf32>,
    %get3A_402 = vector.shape_cast %get3A_401 : vector<16xf32> to vector<16xf32>
    %div3A_403 = arith.constant 1.000000e+00 : f32
    %div3A_404 = vector.broadcast %div3A_403 : f32 to vector<16xf32>
    %div3A_405 = arith.divf %div3A_404, %get3A_402 : vector<16xf32>
    %swap3A_406 = arith.constant 640 : index
    %swap3A_407 = tpu.vector_load %arg6[%swap3A_406] {strides = array<i32>} : memref<2048xf32, #tpu.memory_space<vmem>>, vector<16xf32>,
    %swap3A_408 = vector.shape_cast %swap3A_407 : vector<16xf32> to vector<16xf32>
    %swap3A_409 = vector.shape_cast %div3A_405 : vector<16xf32> to vector<16xf32>
    tpu.vector_store %arg6[%swap3A_406], %swap3A_409 {strides = array<i32>} : memref<2048xf32, #tpu.memory_space<vmem>>, vector<16xf32>,
    %get3A_410 = arith.constant 656 : index
    %get3A_411 = tpu.vector_load %arg5[%get3A_410] {strides = array<i32>} : memref<2048xf32, #tpu.memory_space<vmem>>, vector<16xf32>,
    %get3A_412 = vector.shape_cast %get3A_411 : vector<16xf32> to vector<16xf32>
    %div3A_413 = arith.constant 1.000000e+00 : f32
    %div3A_414 = vector.broadcast %div3A_413 : f32 to vector<16xf32>
    %div3A_415 = arith.divf %div3A_414, %get3A_412 : vector<16xf32>
    %swap3A_416 = arith.constant 656 : index
    %swap3A_417 = tpu.vector_load %arg6[%swap3A_416] {strides = array<i32>} : memref<2048xf32, #tpu.memory_space<vmem>>, vector<16xf32>,
    %swap3A_418 = vector.shape_cast %swap3A_417 : vector<16xf32> to vector<16xf32>
    %swap3A_419 = vector.shape_cast %div3A_415 : vector<16xf32> to vector<16xf32>
    tpu.vector_store %arg6[%swap3A_416], %swap3A_419 {strides = array<i32>} : memref<2048xf32, #tpu.memory_space<vmem>>, vector<16xf32>,
    %get3A_420 = arith.constant 672 : index
    %get3A_421 = tpu.vector_load %arg5[%get3A_420] {strides = array<i32>} : memref<2048xf32, #tpu.memory_space<vmem>>, vector<16xf32>,
    %get3A_422 = vector.shape_cast %get3A_421 : vector<16xf32> to vector<16xf32>
    %div3A_423 = arith.constant 1.000000e+00 : f32
    %div3A_424 = vector.broadcast %div3A_423 : f32 to vector<16xf32>
    %div3A_425 = arith.divf %div3A_424, %get3A_422 : vector<16xf32>
    %swap3A_426 = arith.constant 672 : index
    %swap3A_427 = tpu.vector_load %arg6[%swap3A_426] {strides = array<i32>} : memref<2048xf32, #tpu.memory_space<vmem>>, vector<16xf32>,
    %swap3A_428 = vector.shape_cast %swap3A_427 : vector<16xf32> to vector<16xf32>
    %swap3A_429 = vector.shape_cast %div3A_425 : vector<16xf32> to vector<16xf32>
    tpu.vector_store %arg6[%swap3A_426], %swap3A_429 {strides = array<i32>} : memref<2048xf32, #tpu.memory_space<vmem>>, vector<16xf32>,
    %get3A_430 = arith.constant 688 : index
    %get3A_431 = tpu.vector_load %arg5[%get3A_430] {strides = array<i32>} : memref<2048xf32, #tpu.memory_space<vmem>>, vector<16xf32>,
    %get3A_432 = vector.shape_cast %get3A_431 : vector<16xf32> to vector<16xf32>
    %div3A_433 = arith.constant 1.000000e+00 : f32
    %div3A_434 = vector.broadcast %div3A_433 : f32 to vector<16xf32>
    %div3A_435 = arith.divf %div3A_434, %get3A_432 : vector<16xf32>
    %swap3A_436 = arith.constant 688 : index
    %swap3A_437 = tpu.vector_load %arg6[%swap3A_436] {strides = array<i32>} : memref<2048xf32, #tpu.memory_space<vmem>>, vector<16xf32>,
    %swap3A_438 = vector.shape_cast %swap3A_437 : vector<16xf32> to vector<16xf32>
    %swap3A_439 = vector.shape_cast %div3A_435 : vector<16xf32> to vector<16xf32>
    tpu.vector_store %arg6[%swap3A_436], %swap3A_439 {strides = array<i32>} : memref<2048xf32, #tpu.memory_space<vmem>>, vector<16xf32>,
    %get3A_440 = arith.constant 704 : index
    %get3A_441 = tpu.vector_load %arg5[%get3A_440] {strides = array<i32>} : memref<2048xf32, #tpu.memory_space<vmem>>, vector<16xf32>,
    %get3A_442 = vector.shape_cast %get3A_441 : vector<16xf32> to vector<16xf32>
    %div3A_443 = arith.constant 1.000000e+00 : f32
    %div3A_444 = vector.broadcast %div3A_443 : f32 to vector<16xf32>
    %div3A_445 = arith.divf %div3A_444, %get3A_442 : vector<16xf32>
    %swap3A_446 = arith.constant 704 : index
    %swap3A_447 = tpu.vector_load %arg6[%swap3A_446] {strides = array<i32>} : memref<2048xf32, #tpu.memory_space<vmem>>, vector<16xf32>,
    %swap3A_448 = vector.shape_cast %swap3A_447 : vector<16xf32> to vector<16xf32>
    %swap3A_449 = vector.shape_cast %div3A_445 : vector<16xf32> to vector<16xf32>
    tpu.vector_store %arg6[%swap3A_446], %swap3A_449 {strides = array<i32>} : memref<2048xf32, #tpu.memory_space<vmem>>, vector<16xf32>,
    %get3A_450 = arith.constant 720 : index
    %get3A_451 = tpu.vector_load %arg5[%get3A_450] {strides = array<i32>} : memref<2048xf32, #tpu.memory_space<vmem>>, vector<16xf32>,
    %get3A_452 = vector.shape_cast %get3A_451 : vector<16xf32> to vector<16xf32>
    %div3A_453 = arith.constant 1.000000e+00 : f32
    %div3A_454 = vector.broadcast %div3A_453 : f32 to vector<16xf32>
    %div3A_455 = arith.divf %div3A_454, %get3A_452 : vector<16xf32>
    %swap3A_456 = arith.constant 720 : index
    %swap3A_457 = tpu.vector_load %arg6[%swap3A_456] {strides = array<i32>} : memref<2048xf32, #tpu.memory_space<vmem>>, vector<16xf32>,
    %swap3A_458 = vector.shape_cast %swap3A_457 : vector<16xf32> to vector<16xf32>
    %swap3A_459 = vector.shape_cast %div3A_455 : vector<16xf32> to vector<16xf32>
    tpu.vector_store %arg6[%swap3A_456], %swap3A_459 {strides = array<i32>} : memref<2048xf32, #tpu.memory_space<vmem>>, vector<16xf32>,
    %get3A_460 = arith.constant 736 : index
    %get3A_461 = tpu.vector_load %arg5[%get3A_460] {strides = array<i32>} : memref<2048xf32, #tpu.memory_space<vmem>>, vector<16xf32>,
    %get3A_462 = vector.shape_cast %get3A_461 : vector<16xf32> to vector<16xf32>
    %div3A_463 = arith.constant 1.000000e+00 : f32
    %div3A_464 = vector.broadcast %div3A_463 : f32 to vector<16xf32>
    %div3A_465 = arith.divf %div3A_464, %get3A_462 : vector<16xf32>
    %swap3A_466 = arith.constant 736 : index
    %swap3A_467 = tpu.vector_load %arg6[%swap3A_466] {strides = array<i32>} : memref<2048xf32, #tpu.memory_space<vmem>>, vector<16xf32>,
    %swap3A_468 = vector.shape_cast %swap3A_467 : vector<16xf32> to vector<16xf32>
    %swap3A_469 = vector.shape_cast %div3A_465 : vector<16xf32> to vector<16xf32>
    tpu.vector_store %arg6[%swap3A_466], %swap3A_469 {strides = array<i32>} : memref<2048xf32, #tpu.memory_space<vmem>>, vector<16xf32>,
    %get3A_470 = arith.constant 752 : index
    %get3A_471 = tpu.vector_load %arg5[%get3A_470] {strides = array<i32>} : memref<2048xf32, #tpu.memory_space<vmem>>, vector<16xf32>,
    %get3A_472 = vector.shape_cast %get3A_471 : vector<16xf32> to vector<16xf32>
    %div3A_473 = arith.constant 1.000000e+00 : f32
    %div3A_474 = vector.broadcast %div3A_473 : f32 to vector<16xf32>
    %div3A_475 = arith.divf %div3A_474, %get3A_472 : vector<16xf32>
    %swap3A_476 = arith.constant 752 : index
    %swap3A_477 = tpu.vector_load %arg6[%swap3A_476] {strides = array<i32>} : memref<2048xf32, #tpu.memory_space<vmem>>, vector<16xf32>,
    %swap3A_478 = vector.shape_cast %swap3A_477 : vector<16xf32> to vector<16xf32>
    %swap3A_479 = vector.shape_cast %div3A_475 : vector<16xf32> to vector<16xf32>
    tpu.vector_store %arg6[%swap3A_476], %swap3A_479 {strides = array<i32>} : memref<2048xf32, #tpu.memory_space<vmem>>, vector<16xf32>,
    %get3A_480 = arith.constant 768 : index
    %get3A_481 = tpu.vector_load %arg5[%get3A_480] {strides = array<i32>} : memref<2048xf32, #tpu.memory_space<vmem>>, vector<16xf32>,
    %get3A_482 = vector.shape_cast %get3A_481 : vector<16xf32> to vector<16xf32>
    %div3A_483 = arith.constant 1.000000e+00 : f32
    %div3A_484 = vector.broadcast %div3A_483 : f32 to vector<16xf32>
    %div3A_485 = arith.divf %div3A_484, %get3A_482 : vector<16xf32>
    %swap3A_486 = arith.constant 768 : index
    %swap3A_487 = tpu.vector_load %arg6[%swap3A_486] {strides = array<i32>} : memref<2048xf32, #tpu.memory_space<vmem>>, vector<16xf32>,
    %swap3A_488 = vector.shape_cast %swap3A_487 : vector<16xf32> to vector<16xf32>
    %swap3A_489 = vector.shape_cast %div3A_485 : vector<16xf32> to vector<16xf32>
    tpu.vector_store %arg6[%swap3A_486], %swap3A_489 {strides = array<i32>} : memref<2048xf32, #tpu.memory_space<vmem>>, vector<16xf32>,
    %get3A_490 = arith.constant 784 : index
    %get3A_491 = tpu.vector_load %arg5[%get3A_490] {strides = array<i32>} : memref<2048xf32, #tpu.memory_space<vmem>>, vector<16xf32>,
    %get3A_492 = vector.shape_cast %get3A_491 : vector<16xf32> to vector<16xf32>
    %div3A_493 = arith.constant 1.000000e+00 : f32
    %div3A_494 = vector.broadcast %div3A_493 : f32 to vector<16xf32>
    %div3A_495 = arith.divf %div3A_494, %get3A_492 : vector<16xf32>
    %swap3A_496 = arith.constant 784 : index
    %swap3A_497 = tpu.vector_load %arg6[%swap3A_496] {strides = array<i32>} : memref<2048xf32, #tpu.memory_space<vmem>>, vector<16xf32>,
    %swap3A_498 = vector.shape_cast %swap3A_497 : vector<16xf32> to vector<16xf32>
    %swap3A_499 = vector.shape_cast %div3A_495 : vector<16xf32> to vector<16xf32>
    tpu.vector_store %arg6[%swap3A_496], %swap3A_499 {strides = array<i32>} : memref<2048xf32, #tpu.memory_space<vmem>>, vector<16xf32>,
    %get3A_500 = arith.constant 800 : index
    %get3A_501 = tpu.vector_load %arg5[%get3A_500] {strides = array<i32>} : memref<2048xf32, #tpu.memory_space<vmem>>, vector<16xf32>,
    %get3A_502 = vector.shape_cast %get3A_501 : vector<16xf32> to vector<16xf32>
    %div3A_503 = arith.constant 1.000000e+00 : f32
    %div3A_504 = vector.broadcast %div3A_503 : f32 to vector<16xf32>
    %div3A_505 = arith.divf %div3A_504, %get3A_502 : vector<16xf32>
    %swap3A_506 = arith.constant 800 : index
    %swap3A_507 = tpu.vector_load %arg6[%swap3A_506] {strides = array<i32>} : memref<2048xf32, #tpu.memory_space<vmem>>, vector<16xf32>,
    %swap3A_508 = vector.shape_cast %swap3A_507 : vector<16xf32> to vector<16xf32>
    %swap3A_509 = vector.shape_cast %div3A_505 : vector<16xf32> to vector<16xf32>
    tpu.vector_store %arg6[%swap3A_506], %swap3A_509 {strides = array<i32>} : memref<2048xf32, #tpu.memory_space<vmem>>, vector<16xf32>,
    %get3A_510 = arith.constant 816 : index
    %get3A_511 = tpu.vector_load %arg5[%get3A_510] {strides = array<i32>} : memref<2048xf32, #tpu.memory_space<vmem>>, vector<16xf32>,
    %get3A_512 = vector.shape_cast %get3A_511 : vector<16xf32> to vector<16xf32>
    %div3A_513 = arith.constant 1.000000e+00 : f32
    %div3A_514 = vector.broadcast %div3A_513 : f32 to vector<16xf32>
    %div3A_515 = arith.divf %div3A_514, %get3A_512 : vector<16xf32>
    %swap3A_516 = arith.constant 816 : index
    %swap3A_517 = tpu.vector_load %arg6[%swap3A_516] {strides = array<i32>} : memref<2048xf32, #tpu.memory_space<vmem>>, vector<16xf32>,
    %swap3A_518 = vector.shape_cast %swap3A_517 : vector<16xf32> to vector<16xf32>
    %swap3A_519 = vector.shape_cast %div3A_515 : vector<16xf32> to vector<16xf32>
    tpu.vector_store %arg6[%swap3A_516], %swap3A_519 {strides = array<i32>} : memref<2048xf32, #tpu.memory_space<vmem>>, vector<16xf32>,
    %get3A_520 = arith.constant 832 : index
    %get3A_521 = tpu.vector_load %arg5[%get3A_520] {strides = array<i32>} : memref<2048xf32, #tpu.memory_space<vmem>>, vector<16xf32>,
    %get3A_522 = vector.shape_cast %get3A_521 : vector<16xf32> to vector<16xf32>
    %div3A_523 = arith.constant 1.000000e+00 : f32
    %div3A_524 = vector.broadcast %div3A_523 : f32 to vector<16xf32>
    %div3A_525 = arith.divf %div3A_524, %get3A_522 : vector<16xf32>
    %swap3A_526 = arith.constant 832 : index
    %swap3A_527 = tpu.vector_load %arg6[%swap3A_526] {strides = array<i32>} : memref<2048xf32, #tpu.memory_space<vmem>>, vector<16xf32>,
    %swap3A_528 = vector.shape_cast %swap3A_527 : vector<16xf32> to vector<16xf32>
    %swap3A_529 = vector.shape_cast %div3A_525 : vector<16xf32> to vector<16xf32>
    tpu.vector_store %arg6[%swap3A_526], %swap3A_529 {strides = array<i32>} : memref<2048xf32, #tpu.memory_space<vmem>>, vector<16xf32>,
    %get3A_530 = arith.constant 848 : index
    %get3A_531 = tpu.vector_load %arg5[%get3A_530] {strides = array<i32>} : memref<2048xf32, #tpu.memory_space<vmem>>, vector<16xf32>,
    %get3A_532 = vector.shape_cast %get3A_531 : vector<16xf32> to vector<16xf32>
    %div3A_533 = arith.constant 1.000000e+00 : f32
    %div3A_534 = vector.broadcast %div3A_533 : f32 to vector<16xf32>
    %div3A_535 = arith.divf %div3A_534, %get3A_532 : vector<16xf32>
    %swap3A_536 = arith.constant 848 : index
    %swap3A_537 = tpu.vector_load %arg6[%swap3A_536] {strides = array<i32>} : memref<2048xf32, #tpu.memory_space<vmem>>, vector<16xf32>,
    %swap3A_538 = vector.shape_cast %swap3A_537 : vector<16xf32> to vector<16xf32>
    %swap3A_539 = vector.shape_cast %div3A_535 : vector<16xf32> to vector<16xf32>
    tpu.vector_store %arg6[%swap3A_536], %swap3A_539 {strides = array<i32>} : memref<2048xf32, #tpu.memory_space<vmem>>, vector<16xf32>,
    %get3A_540 = arith.constant 864 : index
    %get3A_541 = tpu.vector_load %arg5[%get3A_540] {strides = array<i32>} : memref<2048xf32, #tpu.memory_space<vmem>>, vector<16xf32>,
    %get3A_542 = vector.shape_cast %get3A_541 : vector<16xf32> to vector<16xf32>
    %div3A_543 = arith.constant 1.000000e+00 : f32
    %div3A_544 = vector.broadcast %div3A_543 : f32 to vector<16xf32>
    %div3A_545 = arith.divf %div3A_544, %get3A_542 : vector<16xf32>
    %swap3A_546 = arith.constant 864 : index
    %swap3A_547 = tpu.vector_load %arg6[%swap3A_546] {strides = array<i32>} : memref<2048xf32, #tpu.memory_space<vmem>>, vector<16xf32>,
    %swap3A_548 = vector.shape_cast %swap3A_547 : vector<16xf32> to vector<16xf32>
    %swap3A_549 = vector.shape_cast %div3A_545 : vector<16xf32> to vector<16xf32>
    tpu.vector_store %arg6[%swap3A_546], %swap3A_549 {strides = array<i32>} : memref<2048xf32, #tpu.memory_space<vmem>>, vector<16xf32>,
    %get3A_550 = arith.constant 880 : index
    %get3A_551 = tpu.vector_load %arg5[%get3A_550] {strides = array<i32>} : memref<2048xf32, #tpu.memory_space<vmem>>, vector<16xf32>,
    %get3A_552 = vector.shape_cast %get3A_551 : vector<16xf32> to vector<16xf32>
    %div3A_553 = arith.constant 1.000000e+00 : f32
    %div3A_554 = vector.broadcast %div3A_553 : f32 to vector<16xf32>
    %div3A_555 = arith.divf %div3A_554, %get3A_552 : vector<16xf32>
    %swap3A_556 = arith.constant 880 : index
    %swap3A_557 = tpu.vector_load %arg6[%swap3A_556] {strides = array<i32>} : memref<2048xf32, #tpu.memory_space<vmem>>, vector<16xf32>,
    %swap3A_558 = vector.shape_cast %swap3A_557 : vector<16xf32> to vector<16xf32>
    %swap3A_559 = vector.shape_cast %div3A_555 : vector<16xf32> to vector<16xf32>
    tpu.vector_store %arg6[%swap3A_556], %swap3A_559 {strides = array<i32>} : memref<2048xf32, #tpu.memory_space<vmem>>, vector<16xf32>,
    %get3A_560 = arith.constant 896 : index
    %get3A_561 = tpu.vector_load %arg5[%get3A_560] {strides = array<i32>} : memref<2048xf32, #tpu.memory_space<vmem>>, vector<16xf32>,
    %get3A_562 = vector.shape_cast %get3A_561 : vector<16xf32> to vector<16xf32>
    %div3A_563 = arith.constant 1.000000e+00 : f32
    %div3A_564 = vector.broadcast %div3A_563 : f32 to vector<16xf32>
    %div3A_565 = arith.divf %div3A_564, %get3A_562 : vector<16xf32>
    %swap3A_566 = arith.constant 896 : index
    %swap3A_567 = tpu.vector_load %arg6[%swap3A_566] {strides = array<i32>} : memref<2048xf32, #tpu.memory_space<vmem>>, vector<16xf32>,
    %swap3A_568 = vector.shape_cast %swap3A_567 : vector<16xf32> to vector<16xf32>
    %swap3A_569 = vector.shape_cast %div3A_565 : vector<16xf32> to vector<16xf32>
    tpu.vector_store %arg6[%swap3A_566], %swap3A_569 {strides = array<i32>} : memref<2048xf32, #tpu.memory_space<vmem>>, vector<16xf32>,
    %get3A_570 = arith.constant 912 : index
    %get3A_571 = tpu.vector_load %arg5[%get3A_570] {strides = array<i32>} : memref<2048xf32, #tpu.memory_space<vmem>>, vector<16xf32>,
    %get3A_572 = vector.shape_cast %get3A_571 : vector<16xf32> to vector<16xf32>
    %div3A_573 = arith.constant 1.000000e+00 : f32
    %div3A_574 = vector.broadcast %div3A_573 : f32 to vector<16xf32>
    %div3A_575 = arith.divf %div3A_574, %get3A_572 : vector<16xf32>
    %swap3A_576 = arith.constant 912 : index
    %swap3A_577 = tpu.vector_load %arg6[%swap3A_576] {strides = array<i32>} : memref<2048xf32, #tpu.memory_space<vmem>>, vector<16xf32>,
    %swap3A_578 = vector.shape_cast %swap3A_577 : vector<16xf32> to vector<16xf32>
    %swap3A_579 = vector.shape_cast %div3A_575 : vector<16xf32> to vector<16xf32>
    tpu.vector_store %arg6[%swap3A_576], %swap3A_579 {strides = array<i32>} : memref<2048xf32, #tpu.memory_space<vmem>>, vector<16xf32>,
    %get3A_580 = arith.constant 928 : index
    %get3A_581 = tpu.vector_load %arg5[%get3A_580] {strides = array<i32>} : memref<2048xf32, #tpu.memory_space<vmem>>, vector<16xf32>,
    %get3A_582 = vector.shape_cast %get3A_581 : vector<16xf32> to vector<16xf32>
    %div3A_583 = arith.constant 1.000000e+00 : f32
    %div3A_584 = vector.broadcast %div3A_583 : f32 to vector<16xf32>
    %div3A_585 = arith.divf %div3A_584, %get3A_582 : vector<16xf32>
    %swap3A_586 = arith.constant 928 : index
    %swap3A_587 = tpu.vector_load %arg6[%swap3A_586] {strides = array<i32>} : memref<2048xf32, #tpu.memory_space<vmem>>, vector<16xf32>,
    %swap3A_588 = vector.shape_cast %swap3A_587 : vector<16xf32> to vector<16xf32>
    %swap3A_589 = vector.shape_cast %div3A_585 : vector<16xf32> to vector<16xf32>
    tpu.vector_store %arg6[%swap3A_586], %swap3A_589 {strides = array<i32>} : memref<2048xf32, #tpu.memory_space<vmem>>, vector<16xf32>,
    %get3A_590 = arith.constant 944 : index
    %get3A_591 = tpu.vector_load %arg5[%get3A_590] {strides = array<i32>} : memref<2048xf32, #tpu.memory_space<vmem>>, vector<16xf32>,
    %get3A_592 = vector.shape_cast %get3A_591 : vector<16xf32> to vector<16xf32>
    %div3A_593 = arith.constant 1.000000e+00 : f32
    %div3A_594 = vector.broadcast %div3A_593 : f32 to vector<16xf32>
    %div3A_595 = arith.divf %div3A_594, %get3A_592 : vector<16xf32>
    %swap3A_596 = arith.constant 944 : index
    %swap3A_597 = tpu.vector_load %arg6[%swap3A_596] {strides = array<i32>} : memref<2048xf32, #tpu.memory_space<vmem>>, vector<16xf32>,
    %swap3A_598 = vector.shape_cast %swap3A_597 : vector<16xf32> to vector<16xf32>
    %swap3A_599 = vector.shape_cast %div3A_595 : vector<16xf32> to vector<16xf32>
    tpu.vector_store %arg6[%swap3A_596], %swap3A_599 {strides = array<i32>} : memref<2048xf32, #tpu.memory_space<vmem>>, vector<16xf32>,
    %get3A_600 = arith.constant 960 : index
    %get3A_601 = tpu.vector_load %arg5[%get3A_600] {strides = array<i32>} : memref<2048xf32, #tpu.memory_space<vmem>>, vector<16xf32>,
    %get3A_602 = vector.shape_cast %get3A_601 : vector<16xf32> to vector<16xf32>
    %div3A_603 = arith.constant 1.000000e+00 : f32
    %div3A_604 = vector.broadcast %div3A_603 : f32 to vector<16xf32>
    %div3A_605 = arith.divf %div3A_604, %get3A_602 : vector<16xf32>
    %swap3A_606 = arith.constant 960 : index
    %swap3A_607 = tpu.vector_load %arg6[%swap3A_606] {strides = array<i32>} : memref<2048xf32, #tpu.memory_space<vmem>>, vector<16xf32>,
    %swap3A_608 = vector.shape_cast %swap3A_607 : vector<16xf32> to vector<16xf32>
    %swap3A_609 = vector.shape_cast %div3A_605 : vector<16xf32> to vector<16xf32>
    tpu.vector_store %arg6[%swap3A_606], %swap3A_609 {strides = array<i32>} : memref<2048xf32, #tpu.memory_space<vmem>>, vector<16xf32>,
    %get3A_610 = arith.constant 976 : index
    %get3A_611 = tpu.vector_load %arg5[%get3A_610] {strides = array<i32>} : memref<2048xf32, #tpu.memory_space<vmem>>, vector<16xf32>,
    %get3A_612 = vector.shape_cast %get3A_611 : vector<16xf32> to vector<16xf32>
    %div3A_613 = arith.constant 1.000000e+00 : f32
    %div3A_614 = vector.broadcast %div3A_613 : f32 to vector<16xf32>
    %div3A_615 = arith.divf %div3A_614, %get3A_612 : vector<16xf32>
    %swap3A_616 = arith.constant 976 : index
    %swap3A_617 = tpu.vector_load %arg6[%swap3A_616] {strides = array<i32>} : memref<2048xf32, #tpu.memory_space<vmem>>, vector<16xf32>,
    %swap3A_618 = vector.shape_cast %swap3A_617 : vector<16xf32> to vector<16xf32>
    %swap3A_619 = vector.shape_cast %div3A_615 : vector<16xf32> to vector<16xf32>
    tpu.vector_store %arg6[%swap3A_616], %swap3A_619 {strides = array<i32>} : memref<2048xf32, #tpu.memory_space<vmem>>, vector<16xf32>,
    %get3A_620 = arith.constant 992 : index
    %get3A_621 = tpu.vector_load %arg5[%get3A_620] {strides = array<i32>} : memref<2048xf32, #tpu.memory_space<vmem>>, vector<16xf32>,
    %get3A_622 = vector.shape_cast %get3A_621 : vector<16xf32> to vector<16xf32>
    %div3A_623 = arith.constant 1.000000e+00 : f32
    %div3A_624 = vector.broadcast %div3A_623 : f32 to vector<16xf32>
    %div3A_625 = arith.divf %div3A_624, %get3A_622 : vector<16xf32>
    %swap3A_626 = arith.constant 992 : index
    %swap3A_627 = tpu.vector_load %arg6[%swap3A_626] {strides = array<i32>} : memref<2048xf32, #tpu.memory_space<vmem>>, vector<16xf32>,
    %swap3A_628 = vector.shape_cast %swap3A_627 : vector<16xf32> to vector<16xf32>
    %swap3A_629 = vector.shape_cast %div3A_625 : vector<16xf32> to vector<16xf32>
    tpu.vector_store %arg6[%swap3A_626], %swap3A_629 {strides = array<i32>} : memref<2048xf32, #tpu.memory_space<vmem>>, vector<16xf32>,
    %get3A_630 = arith.constant 1008 : index
    %get3A_631 = tpu.vector_load %arg5[%get3A_630] {strides = array<i32>} : memref<2048xf32, #tpu.memory_space<vmem>>, vector<16xf32>,
    %get3A_632 = vector.shape_cast %get3A_631 : vector<16xf32> to vector<16xf32>
    %div3A_633 = arith.constant 1.000000e+00 : f32
    %div3A_634 = vector.broadcast %div3A_633 : f32 to vector<16xf32>
    %div3A_635 = arith.divf %div3A_634, %get3A_632 : vector<16xf32>
    %swap3A_636 = arith.constant 1008 : index
    %swap3A_637 = tpu.vector_load %arg6[%swap3A_636] {strides = array<i32>} : memref<2048xf32, #tpu.memory_space<vmem>>, vector<16xf32>,
    %swap3A_638 = vector.shape_cast %swap3A_637 : vector<16xf32> to vector<16xf32>
    %swap3A_639 = vector.shape_cast %div3A_635 : vector<16xf32> to vector<16xf32>
    tpu.vector_store %arg6[%swap3A_636], %swap3A_639 {strides = array<i32>} : memref<2048xf32, #tpu.memory_space<vmem>>, vector<16xf32>,
    %get3A_640 = arith.constant 1024 : index
    %get3A_641 = tpu.vector_load %arg5[%get3A_640] {strides = array<i32>} : memref<2048xf32, #tpu.memory_space<vmem>>, vector<16xf32>,
    %get3A_642 = vector.shape_cast %get3A_641 : vector<16xf32> to vector<16xf32>
    %div3A_643 = arith.constant 1.000000e+00 : f32
    %div3A_644 = vector.broadcast %div3A_643 : f32 to vector<16xf32>
    %div3A_645 = arith.divf %div3A_644, %get3A_642 : vector<16xf32>
    %swap3A_646 = arith.constant 1024 : index
    %swap3A_647 = tpu.vector_load %arg6[%swap3A_646] {strides = array<i32>} : memref<2048xf32, #tpu.memory_space<vmem>>, vector<16xf32>,
    %swap3A_648 = vector.shape_cast %swap3A_647 : vector<16xf32> to vector<16xf32>
    %swap3A_649 = vector.shape_cast %div3A_645 : vector<16xf32> to vector<16xf32>
    tpu.vector_store %arg6[%swap3A_646], %swap3A_649 {strides = array<i32>} : memref<2048xf32, #tpu.memory_space<vmem>>, vector<16xf32>,
    %get3A_650 = arith.constant 1040 : index
    %get3A_651 = tpu.vector_load %arg5[%get3A_650] {strides = array<i32>} : memref<2048xf32, #tpu.memory_space<vmem>>, vector<16xf32>,
    %get3A_652 = vector.shape_cast %get3A_651 : vector<16xf32> to vector<16xf32>
    %div3A_653 = arith.constant 1.000000e+00 : f32
    %div3A_654 = vector.broadcast %div3A_653 : f32 to vector<16xf32>
    %div3A_655 = arith.divf %div3A_654, %get3A_652 : vector<16xf32>
    %swap3A_656 = arith.constant 1040 : index
    %swap3A_657 = tpu.vector_load %arg6[%swap3A_656] {strides = array<i32>} : memref<2048xf32, #tpu.memory_space<vmem>>, vector<16xf32>,
    %swap3A_658 = vector.shape_cast %swap3A_657 : vector<16xf32> to vector<16xf32>
    %swap3A_659 = vector.shape_cast %div3A_655 : vector<16xf32> to vector<16xf32>
    tpu.vector_store %arg6[%swap3A_656], %swap3A_659 {strides = array<i32>} : memref<2048xf32, #tpu.memory_space<vmem>>, vector<16xf32>,
    %get3A_660 = arith.constant 1056 : index
    %get3A_661 = tpu.vector_load %arg5[%get3A_660] {strides = array<i32>} : memref<2048xf32, #tpu.memory_space<vmem>>, vector<16xf32>,
    %get3A_662 = vector.shape_cast %get3A_661 : vector<16xf32> to vector<16xf32>
    %div3A_663 = arith.constant 1.000000e+00 : f32
    %div3A_664 = vector.broadcast %div3A_663 : f32 to vector<16xf32>
    %div3A_665 = arith.divf %div3A_664, %get3A_662 : vector<16xf32>
    %swap3A_666 = arith.constant 1056 : index
    %swap3A_667 = tpu.vector_load %arg6[%swap3A_666] {strides = array<i32>} : memref<2048xf32, #tpu.memory_space<vmem>>, vector<16xf32>,
    %swap3A_668 = vector.shape_cast %swap3A_667 : vector<16xf32> to vector<16xf32>
    %swap3A_669 = vector.shape_cast %div3A_665 : vector<16xf32> to vector<16xf32>
    tpu.vector_store %arg6[%swap3A_666], %swap3A_669 {strides = array<i32>} : memref<2048xf32, #tpu.memory_space<vmem>>, vector<16xf32>,
    %get3A_670 = arith.constant 1072 : index
    %get3A_671 = tpu.vector_load %arg5[%get3A_670] {strides = array<i32>} : memref<2048xf32, #tpu.memory_space<vmem>>, vector<16xf32>,
    %get3A_672 = vector.shape_cast %get3A_671 : vector<16xf32> to vector<16xf32>
    %div3A_673 = arith.constant 1.000000e+00 : f32
    %div3A_674 = vector.broadcast %div3A_673 : f32 to vector<16xf32>
    %div3A_675 = arith.divf %div3A_674, %get3A_672 : vector<16xf32>
    %swap3A_676 = arith.constant 1072 : index
    %swap3A_677 = tpu.vector_load %arg6[%swap3A_676] {strides = array<i32>} : memref<2048xf32, #tpu.memory_space<vmem>>, vector<16xf32>,
    %swap3A_678 = vector.shape_cast %swap3A_677 : vector<16xf32> to vector<16xf32>
    %swap3A_679 = vector.shape_cast %div3A_675 : vector<16xf32> to vector<16xf32>
    tpu.vector_store %arg6[%swap3A_676], %swap3A_679 {strides = array<i32>} : memref<2048xf32, #tpu.memory_space<vmem>>, vector<16xf32>,
    %get3A_680 = arith.constant 1088 : index
    %get3A_681 = tpu.vector_load %arg5[%get3A_680] {strides = array<i32>} : memref<2048xf32, #tpu.memory_space<vmem>>, vector<16xf32>,
    %get3A_682 = vector.shape_cast %get3A_681 : vector<16xf32> to vector<16xf32>
    %div3A_683 = arith.constant 1.000000e+00 : f32
    %div3A_684 = vector.broadcast %div3A_683 : f32 to vector<16xf32>
    %div3A_685 = arith.divf %div3A_684, %get3A_682 : vector<16xf32>
    %swap3A_686 = arith.constant 1088 : index
    %swap3A_687 = tpu.vector_load %arg6[%swap3A_686] {strides = array<i32>} : memref<2048xf32, #tpu.memory_space<vmem>>, vector<16xf32>,
    %swap3A_688 = vector.shape_cast %swap3A_687 : vector<16xf32> to vector<16xf32>
    %swap3A_689 = vector.shape_cast %div3A_685 : vector<16xf32> to vector<16xf32>
    tpu.vector_store %arg6[%swap3A_686], %swap3A_689 {strides = array<i32>} : memref<2048xf32, #tpu.memory_space<vmem>>, vector<16xf32>,
    %get3A_690 = arith.constant 1104 : index
    %get3A_691 = tpu.vector_load %arg5[%get3A_690] {strides = array<i32>} : memref<2048xf32, #tpu.memory_space<vmem>>, vector<16xf32>,
    %get3A_692 = vector.shape_cast %get3A_691 : vector<16xf32> to vector<16xf32>
    %div3A_693 = arith.constant 1.000000e+00 : f32
    %div3A_694 = vector.broadcast %div3A_693 : f32 to vector<16xf32>
    %div3A_695 = arith.divf %div3A_694, %get3A_692 : vector<16xf32>
    %swap3A_696 = arith.constant 1104 : index
    %swap3A_697 = tpu.vector_load %arg6[%swap3A_696] {strides = array<i32>} : memref<2048xf32, #tpu.memory_space<vmem>>, vector<16xf32>,
    %swap3A_698 = vector.shape_cast %swap3A_697 : vector<16xf32> to vector<16xf32>
    %swap3A_699 = vector.shape_cast %div3A_695 : vector<16xf32> to vector<16xf32>
    tpu.vector_store %arg6[%swap3A_696], %swap3A_699 {strides = array<i32>} : memref<2048xf32, #tpu.memory_space<vmem>>, vector<16xf32>,
    %get3A_700 = arith.constant 1120 : index
    %get3A_701 = tpu.vector_load %arg5[%get3A_700] {strides = array<i32>} : memref<2048xf32, #tpu.memory_space<vmem>>, vector<16xf32>,
    %get3A_702 = vector.shape_cast %get3A_701 : vector<16xf32> to vector<16xf32>
    %div3A_703 = arith.constant 1.000000e+00 : f32
    %div3A_704 = vector.broadcast %div3A_703 : f32 to vector<16xf32>
    %div3A_705 = arith.divf %div3A_704, %get3A_702 : vector<16xf32>
    %swap3A_706 = arith.constant 1120 : index
    %swap3A_707 = tpu.vector_load %arg6[%swap3A_706] {strides = array<i32>} : memref<2048xf32, #tpu.memory_space<vmem>>, vector<16xf32>,
    %swap3A_708 = vector.shape_cast %swap3A_707 : vector<16xf32> to vector<16xf32>
    %swap3A_709 = vector.shape_cast %div3A_705 : vector<16xf32> to vector<16xf32>
    tpu.vector_store %arg6[%swap3A_706], %swap3A_709 {strides = array<i32>} : memref<2048xf32, #tpu.memory_space<vmem>>, vector<16xf32>,
    %get3A_710 = arith.constant 1136 : index
    %get3A_711 = tpu.vector_load %arg5[%get3A_710] {strides = array<i32>} : memref<2048xf32, #tpu.memory_space<vmem>>, vector<16xf32>,
    %get3A_712 = vector.shape_cast %get3A_711 : vector<16xf32> to vector<16xf32>
    %div3A_713 = arith.constant 1.000000e+00 : f32
    %div3A_714 = vector.broadcast %div3A_713 : f32 to vector<16xf32>
    %div3A_715 = arith.divf %div3A_714, %get3A_712 : vector<16xf32>
    %swap3A_716 = arith.constant 1136 : index
    %swap3A_717 = tpu.vector_load %arg6[%swap3A_716] {strides = array<i32>} : memref<2048xf32, #tpu.memory_space<vmem>>, vector<16xf32>,
    %swap3A_718 = vector.shape_cast %swap3A_717 : vector<16xf32> to vector<16xf32>
    %swap3A_719 = vector.shape_cast %div3A_715 : vector<16xf32> to vector<16xf32>
    tpu.vector_store %arg6[%swap3A_716], %swap3A_719 {strides = array<i32>} : memref<2048xf32, #tpu.memory_space<vmem>>, vector<16xf32>,
    %get3A_720 = arith.constant 1152 : index
    %get3A_721 = tpu.vector_load %arg5[%get3A_720] {strides = array<i32>} : memref<2048xf32, #tpu.memory_space<vmem>>, vector<16xf32>,
    %get3A_722 = vector.shape_cast %get3A_721 : vector<16xf32> to vector<16xf32>
    %div3A_723 = arith.constant 1.000000e+00 : f32
    %div3A_724 = vector.broadcast %div3A_723 : f32 to vector<16xf32>
    %div3A_725 = arith.divf %div3A_724, %get3A_722 : vector<16xf32>
    %swap3A_726 = arith.constant 1152 : index
    %swap3A_727 = tpu.vector_load %arg6[%swap3A_726] {strides = array<i32>} : memref<2048xf32, #tpu.memory_space<vmem>>, vector<16xf32>,
    %swap3A_728 = vector.shape_cast %swap3A_727 : vector<16xf32> to vector<16xf32>
    %swap3A_729 = vector.shape_cast %div3A_725 : vector<16xf32> to vector<16xf32>
    tpu.vector_store %arg6[%swap3A_726], %swap3A_729 {strides = array<i32>} : memref<2048xf32, #tpu.memory_space<vmem>>, vector<16xf32>,
    %get3A_730 = arith.constant 1168 : index
    %get3A_731 = tpu.vector_load %arg5[%get3A_730] {strides = array<i32>} : memref<2048xf32, #tpu.memory_space<vmem>>, vector<16xf32>,
    %get3A_732 = vector.shape_cast %get3A_731 : vector<16xf32> to vector<16xf32>
    %div3A_733 = arith.constant 1.000000e+00 : f32
    %div3A_734 = vector.broadcast %div3A_733 : f32 to vector<16xf32>
    %div3A_735 = arith.divf %div3A_734, %get3A_732 : vector<16xf32>
    %swap3A_736 = arith.constant 1168 : index
    %swap3A_737 = tpu.vector_load %arg6[%swap3A_736] {strides = array<i32>} : memref<2048xf32, #tpu.memory_space<vmem>>, vector<16xf32>,
    %swap3A_738 = vector.shape_cast %swap3A_737 : vector<16xf32> to vector<16xf32>
    %swap3A_739 = vector.shape_cast %div3A_735 : vector<16xf32> to vector<16xf32>
    tpu.vector_store %arg6[%swap3A_736], %swap3A_739 {strides = array<i32>} : memref<2048xf32, #tpu.memory_space<vmem>>, vector<16xf32>,
    %get3A_740 = arith.constant 1184 : index
    %get3A_741 = tpu.vector_load %arg5[%get3A_740] {strides = array<i32>} : memref<2048xf32, #tpu.memory_space<vmem>>, vector<16xf32>,
    %get3A_742 = vector.shape_cast %get3A_741 : vector<16xf32> to vector<16xf32>
    %div3A_743 = arith.constant 1.000000e+00 : f32
    %div3A_744 = vector.broadcast %div3A_743 : f32 to vector<16xf32>
    %div3A_745 = arith.divf %div3A_744, %get3A_742 : vector<16xf32>
    %swap3A_746 = arith.constant 1184 : index
    %swap3A_747 = tpu.vector_load %arg6[%swap3A_746] {strides = array<i32>} : memref<2048xf32, #tpu.memory_space<vmem>>, vector<16xf32>,
    %swap3A_748 = vector.shape_cast %swap3A_747 : vector<16xf32> to vector<16xf32>
    %swap3A_749 = vector.shape_cast %div3A_745 : vector<16xf32> to vector<16xf32>
    tpu.vector_store %arg6[%swap3A_746], %swap3A_749 {strides = array<i32>} : memref<2048xf32, #tpu.memory_space<vmem>>, vector<16xf32>,
    %get3A_750 = arith.constant 1200 : index
    %get3A_751 = tpu.vector_load %arg5[%get3A_750] {strides = array<i32>} : memref<2048xf32, #tpu.memory_space<vmem>>, vector<16xf32>,
    %get3A_752 = vector.shape_cast %get3A_751 : vector<16xf32> to vector<16xf32>
    %div3A_753 = arith.constant 1.000000e+00 : f32
    %div3A_754 = vector.broadcast %div3A_753 : f32 to vector<16xf32>
    %div3A_755 = arith.divf %div3A_754, %get3A_752 : vector<16xf32>
    %swap3A_756 = arith.constant 1200 : index
    %swap3A_757 = tpu.vector_load %arg6[%swap3A_756] {strides = array<i32>} : memref<2048xf32, #tpu.memory_space<vmem>>, vector<16xf32>,
    %swap3A_758 = vector.shape_cast %swap3A_757 : vector<16xf32> to vector<16xf32>
    %swap3A_759 = vector.shape_cast %div3A_755 : vector<16xf32> to vector<16xf32>
    tpu.vector_store %arg6[%swap3A_756], %swap3A_759 {strides = array<i32>} : memref<2048xf32, #tpu.memory_space<vmem>>, vector<16xf32>,
    %get3A_760 = arith.constant 1216 : index
    %get3A_761 = tpu.vector_load %arg5[%get3A_760] {strides = array<i32>} : memref<2048xf32, #tpu.memory_space<vmem>>, vector<16xf32>,
    %get3A_762 = vector.shape_cast %get3A_761 : vector<16xf32> to vector<16xf32>
    %div3A_763 = arith.constant 1.000000e+00 : f32
    %div3A_764 = vector.broadcast %div3A_763 : f32 to vector<16xf32>
    %div3A_765 = arith.divf %div3A_764, %get3A_762 : vector<16xf32>
    %swap3A_766 = arith.constant 1216 : index
    %swap3A_767 = tpu.vector_load %arg6[%swap3A_766] {strides = array<i32>} : memref<2048xf32, #tpu.memory_space<vmem>>, vector<16xf32>,
    %swap3A_768 = vector.shape_cast %swap3A_767 : vector<16xf32> to vector<16xf32>
    %swap3A_769 = vector.shape_cast %div3A_765 : vector<16xf32> to vector<16xf32>
    tpu.vector_store %arg6[%swap3A_766], %swap3A_769 {strides = array<i32>} : memref<2048xf32, #tpu.memory_space<vmem>>, vector<16xf32>,
    %get3A_770 = arith.constant 1232 : index
    %get3A_771 = tpu.vector_load %arg5[%get3A_770] {strides = array<i32>} : memref<2048xf32, #tpu.memory_space<vmem>>, vector<16xf32>,
    %get3A_772 = vector.shape_cast %get3A_771 : vector<16xf32> to vector<16xf32>
    %div3A_773 = arith.constant 1.000000e+00 : f32
    %div3A_774 = vector.broadcast %div3A_773 : f32 to vector<16xf32>
    %div3A_775 = arith.divf %div3A_774, %get3A_772 : vector<16xf32>
    %swap3A_776 = arith.constant 1232 : index
    %swap3A_777 = tpu.vector_load %arg6[%swap3A_776] {strides = array<i32>} : memref<2048xf32, #tpu.memory_space<vmem>>, vector<16xf32>,
    %swap3A_778 = vector.shape_cast %swap3A_777 : vector<16xf32> to vector<16xf32>
    %swap3A_779 = vector.shape_cast %div3A_775 : vector<16xf32> to vector<16xf32>
    tpu.vector_store %arg6[%swap3A_776], %swap3A_779 {strides = array<i32>} : memref<2048xf32, #tpu.memory_space<vmem>>, vector<16xf32>,
    %get3A_780 = arith.constant 1248 : index
    %get3A_781 = tpu.vector_load %arg5[%get3A_780] {strides = array<i32>} : memref<2048xf32, #tpu.memory_space<vmem>>, vector<16xf32>,
    %get3A_782 = vector.shape_cast %get3A_781 : vector<16xf32> to vector<16xf32>
    %div3A_783 = arith.constant 1.000000e+00 : f32
    %div3A_784 = vector.broadcast %div3A_783 : f32 to vector<16xf32>
    %div3A_785 = arith.divf %div3A_784, %get3A_782 : vector<16xf32>
    %swap3A_786 = arith.constant 1248 : index
    %swap3A_787 = tpu.vector_load %arg6[%swap3A_786] {strides = array<i32>} : memref<2048xf32, #tpu.memory_space<vmem>>, vector<16xf32>,
    %swap3A_788 = vector.shape_cast %swap3A_787 : vector<16xf32> to vector<16xf32>
    %swap3A_789 = vector.shape_cast %div3A_785 : vector<16xf32> to vector<16xf32>
    tpu.vector_store %arg6[%swap3A_786], %swap3A_789 {strides = array<i32>} : memref<2048xf32, #tpu.memory_space<vmem>>, vector<16xf32>,
    %get3A_790 = arith.constant 1264 : index
    %get3A_791 = tpu.vector_load %arg5[%get3A_790] {strides = array<i32>} : memref<2048xf32, #tpu.memory_space<vmem>>, vector<16xf32>,
    %get3A_792 = vector.shape_cast %get3A_791 : vector<16xf32> to vector<16xf32>
    %div3A_793 = arith.constant 1.000000e+00 : f32
    %div3A_794 = vector.broadcast %div3A_793 : f32 to vector<16xf32>
    %div3A_795 = arith.divf %div3A_794, %get3A_792 : vector<16xf32>
    %swap3A_796 = arith.constant 1264 : index
    %swap3A_797 = tpu.vector_load %arg6[%swap3A_796] {strides = array<i32>} : memref<2048xf32, #tpu.memory_space<vmem>>, vector<16xf32>,
    %swap3A_798 = vector.shape_cast %swap3A_797 : vector<16xf32> to vector<16xf32>
    %swap3A_799 = vector.shape_cast %div3A_795 : vector<16xf32> to vector<16xf32>
    tpu.vector_store %arg6[%swap3A_796], %swap3A_799 {strides = array<i32>} : memref<2048xf32, #tpu.memory_space<vmem>>, vector<16xf32>,
    %get3A_800 = arith.constant 1280 : index
    %get3A_801 = tpu.vector_load %arg5[%get3A_800] {strides = array<i32>} : memref<2048xf32, #tpu.memory_space<vmem>>, vector<16xf32>,
    %get3A_802 = vector.shape_cast %get3A_801 : vector<16xf32> to vector<16xf32>
    %div3A_803 = arith.constant 1.000000e+00 : f32
    %div3A_804 = vector.broadcast %div3A_803 : f32 to vector<16xf32>
    %div3A_805 = arith.divf %div3A_804, %get3A_802 : vector<16xf32>
    %swap3A_806 = arith.constant 1280 : index
    %swap3A_807 = tpu.vector_load %arg6[%swap3A_806] {strides = array<i32>} : memref<2048xf32, #tpu.memory_space<vmem>>, vector<16xf32>,
    %swap3A_808 = vector.shape_cast %swap3A_807 : vector<16xf32> to vector<16xf32>
    %swap3A_809 = vector.shape_cast %div3A_805 : vector<16xf32> to vector<16xf32>
    tpu.vector_store %arg6[%swap3A_806], %swap3A_809 {strides = array<i32>} : memref<2048xf32, #tpu.memory_space<vmem>>, vector<16xf32>,
    %get3A_810 = arith.constant 1296 : index
    %get3A_811 = tpu.vector_load %arg5[%get3A_810] {strides = array<i32>} : memref<2048xf32, #tpu.memory_space<vmem>>, vector<16xf32>,
    %get3A_812 = vector.shape_cast %get3A_811 : vector<16xf32> to vector<16xf32>
    %div3A_813 = arith.constant 1.000000e+00 : f32
    %div3A_814 = vector.broadcast %div3A_813 : f32 to vector<16xf32>
    %div3A_815 = arith.divf %div3A_814, %get3A_812 : vector<16xf32>
    %swap3A_816 = arith.constant 1296 : index
    %swap3A_817 = tpu.vector_load %arg6[%swap3A_816] {strides = array<i32>} : memref<2048xf32, #tpu.memory_space<vmem>>, vector<16xf32>,
    %swap3A_818 = vector.shape_cast %swap3A_817 : vector<16xf32> to vector<16xf32>
    %swap3A_819 = vector.shape_cast %div3A_815 : vector<16xf32> to vector<16xf32>
    tpu.vector_store %arg6[%swap3A_816], %swap3A_819 {strides = array<i32>} : memref<2048xf32, #tpu.memory_space<vmem>>, vector<16xf32>,
    %get3A_820 = arith.constant 1312 : index
    %get3A_821 = tpu.vector_load %arg5[%get3A_820] {strides = array<i32>} : memref<2048xf32, #tpu.memory_space<vmem>>, vector<16xf32>,
    %get3A_822 = vector.shape_cast %get3A_821 : vector<16xf32> to vector<16xf32>
    %div3A_823 = arith.constant 1.000000e+00 : f32
    %div3A_824 = vector.broadcast %div3A_823 : f32 to vector<16xf32>
    %div3A_825 = arith.divf %div3A_824, %get3A_822 : vector<16xf32>
    %swap3A_826 = arith.constant 1312 : index
    %swap3A_827 = tpu.vector_load %arg6[%swap3A_826] {strides = array<i32>} : memref<2048xf32, #tpu.memory_space<vmem>>, vector<16xf32>,
    %swap3A_828 = vector.shape_cast %swap3A_827 : vector<16xf32> to vector<16xf32>
    %swap3A_829 = vector.shape_cast %div3A_825 : vector<16xf32> to vector<16xf32>
    tpu.vector_store %arg6[%swap3A_826], %swap3A_829 {strides = array<i32>} : memref<2048xf32, #tpu.memory_space<vmem>>, vector<16xf32>,
    %get3A_830 = arith.constant 1328 : index
    %get3A_831 = tpu.vector_load %arg5[%get3A_830] {strides = array<i32>} : memref<2048xf32, #tpu.memory_space<vmem>>, vector<16xf32>,
    %get3A_832 = vector.shape_cast %get3A_831 : vector<16xf32> to vector<16xf32>
    %div3A_833 = arith.constant 1.000000e+00 : f32
    %div3A_834 = vector.broadcast %div3A_833 : f32 to vector<16xf32>
    %div3A_835 = arith.divf %div3A_834, %get3A_832 : vector<16xf32>
    %swap3A_836 = arith.constant 1328 : index
    %swap3A_837 = tpu.vector_load %arg6[%swap3A_836] {strides = array<i32>} : memref<2048xf32, #tpu.memory_space<vmem>>, vector<16xf32>,
    %swap3A_838 = vector.shape_cast %swap3A_837 : vector<16xf32> to vector<16xf32>
    %swap3A_839 = vector.shape_cast %div3A_835 : vector<16xf32> to vector<16xf32>
    tpu.vector_store %arg6[%swap3A_836], %swap3A_839 {strides = array<i32>} : memref<2048xf32, #tpu.memory_space<vmem>>, vector<16xf32>,
    %get3A_840 = arith.constant 1344 : index
    %get3A_841 = tpu.vector_load %arg5[%get3A_840] {strides = array<i32>} : memref<2048xf32, #tpu.memory_space<vmem>>, vector<16xf32>,
    %get3A_842 = vector.shape_cast %get3A_841 : vector<16xf32> to vector<16xf32>
    %div3A_843 = arith.constant 1.000000e+00 : f32
    %div3A_844 = vector.broadcast %div3A_843 : f32 to vector<16xf32>
    %div3A_845 = arith.divf %div3A_844, %get3A_842 : vector<16xf32>
    %swap3A_846 = arith.constant 1344 : index
    %swap3A_847 = tpu.vector_load %arg6[%swap3A_846] {strides = array<i32>} : memref<2048xf32, #tpu.memory_space<vmem>>, vector<16xf32>,
    %swap3A_848 = vector.shape_cast %swap3A_847 : vector<16xf32> to vector<16xf32>
    %swap3A_849 = vector.shape_cast %div3A_845 : vector<16xf32> to vector<16xf32>
    tpu.vector_store %arg6[%swap3A_846], %swap3A_849 {strides = array<i32>} : memref<2048xf32, #tpu.memory_space<vmem>>, vector<16xf32>,
    %get3A_850 = arith.constant 1360 : index
    %get3A_851 = tpu.vector_load %arg5[%get3A_850] {strides = array<i32>} : memref<2048xf32, #tpu.memory_space<vmem>>, vector<16xf32>,
    %get3A_852 = vector.shape_cast %get3A_851 : vector<16xf32> to vector<16xf32>
    %div3A_853 = arith.constant 1.000000e+00 : f32
    %div3A_854 = vector.broadcast %div3A_853 : f32 to vector<16xf32>
    %div3A_855 = arith.divf %div3A_854, %get3A_852 : vector<16xf32>
    %swap3A_856 = arith.constant 1360 : index
    %swap3A_857 = tpu.vector_load %arg6[%swap3A_856] {strides = array<i32>} : memref<2048xf32, #tpu.memory_space<vmem>>, vector<16xf32>,
    %swap3A_858 = vector.shape_cast %swap3A_857 : vector<16xf32> to vector<16xf32>
    %swap3A_859 = vector.shape_cast %div3A_855 : vector<16xf32> to vector<16xf32>
    tpu.vector_store %arg6[%swap3A_856], %swap3A_859 {strides = array<i32>} : memref<2048xf32, #tpu.memory_space<vmem>>, vector<16xf32>,
    %get3A_860 = arith.constant 1376 : index
    %get3A_861 = tpu.vector_load %arg5[%get3A_860] {strides = array<i32>} : memref<2048xf32, #tpu.memory_space<vmem>>, vector<16xf32>,
    %get3A_862 = vector.shape_cast %get3A_861 : vector<16xf32> to vector<16xf32>
    %div3A_863 = arith.constant 1.000000e+00 : f32
    %div3A_864 = vector.broadcast %div3A_863 : f32 to vector<16xf32>
    %div3A_865 = arith.divf %div3A_864, %get3A_862 : vector<16xf32>
    %swap3A_866 = arith.constant 1376 : index
    %swap3A_867 = tpu.vector_load %arg6[%swap3A_866] {strides = array<i32>} : memref<2048xf32, #tpu.memory_space<vmem>>, vector<16xf32>,
    %swap3A_868 = vector.shape_cast %swap3A_867 : vector<16xf32> to vector<16xf32>
    %swap3A_869 = vector.shape_cast %div3A_865 : vector<16xf32> to vector<16xf32>
    tpu.vector_store %arg6[%swap3A_866], %swap3A_869 {strides = array<i32>} : memref<2048xf32, #tpu.memory_space<vmem>>, vector<16xf32>,
    %get3A_870 = arith.constant 1392 : index
    %get3A_871 = tpu.vector_load %arg5[%get3A_870] {strides = array<i32>} : memref<2048xf32, #tpu.memory_space<vmem>>, vector<16xf32>,
    %get3A_872 = vector.shape_cast %get3A_871 : vector<16xf32> to vector<16xf32>
    %div3A_873 = arith.constant 1.000000e+00 : f32
    %div3A_874 = vector.broadcast %div3A_873 : f32 to vector<16xf32>
    %div3A_875 = arith.divf %div3A_874, %get3A_872 : vector<16xf32>
    %swap3A_876 = arith.constant 1392 : index
    %swap3A_877 = tpu.vector_load %arg6[%swap3A_876] {strides = array<i32>} : memref<2048xf32, #tpu.memory_space<vmem>>, vector<16xf32>,
    %swap3A_878 = vector.shape_cast %swap3A_877 : vector<16xf32> to vector<16xf32>
    %swap3A_879 = vector.shape_cast %div3A_875 : vector<16xf32> to vector<16xf32>
    tpu.vector_store %arg6[%swap3A_876], %swap3A_879 {strides = array<i32>} : memref<2048xf32, #tpu.memory_space<vmem>>, vector<16xf32>,
    %get3A_880 = arith.constant 1408 : index
    %get3A_881 = tpu.vector_load %arg5[%get3A_880] {strides = array<i32>} : memref<2048xf32, #tpu.memory_space<vmem>>, vector<16xf32>,
    %get3A_882 = vector.shape_cast %get3A_881 : vector<16xf32> to vector<16xf32>
    %div3A_883 = arith.constant 1.000000e+00 : f32
    %div3A_884 = vector.broadcast %div3A_883 : f32 to vector<16xf32>
    %div3A_885 = arith.divf %div3A_884, %get3A_882 : vector<16xf32>
    %swap3A_886 = arith.constant 1408 : index
    %swap3A_887 = tpu.vector_load %arg6[%swap3A_886] {strides = array<i32>} : memref<2048xf32, #tpu.memory_space<vmem>>, vector<16xf32>,
    %swap3A_888 = vector.shape_cast %swap3A_887 : vector<16xf32> to vector<16xf32>
    %swap3A_889 = vector.shape_cast %div3A_885 : vector<16xf32> to vector<16xf32>
    tpu.vector_store %arg6[%swap3A_886], %swap3A_889 {strides = array<i32>} : memref<2048xf32, #tpu.memory_space<vmem>>, vector<16xf32>,
    %get3A_890 = arith.constant 1424 : index
    %get3A_891 = tpu.vector_load %arg5[%get3A_890] {strides = array<i32>} : memref<2048xf32, #tpu.memory_space<vmem>>, vector<16xf32>,
    %get3A_892 = vector.shape_cast %get3A_891 : vector<16xf32> to vector<16xf32>
    %div3A_893 = arith.constant 1.000000e+00 : f32
    %div3A_894 = vector.broadcast %div3A_893 : f32 to vector<16xf32>
    %div3A_895 = arith.divf %div3A_894, %get3A_892 : vector<16xf32>
    %swap3A_896 = arith.constant 1424 : index
    %swap3A_897 = tpu.vector_load %arg6[%swap3A_896] {strides = array<i32>} : memref<2048xf32, #tpu.memory_space<vmem>>, vector<16xf32>,
    %swap3A_898 = vector.shape_cast %swap3A_897 : vector<16xf32> to vector<16xf32>
    %swap3A_899 = vector.shape_cast %div3A_895 : vector<16xf32> to vector<16xf32>
    tpu.vector_store %arg6[%swap3A_896], %swap3A_899 {strides = array<i32>} : memref<2048xf32, #tpu.memory_space<vmem>>, vector<16xf32>,
    %get3A_900 = arith.constant 1440 : index
    %get3A_901 = tpu.vector_load %arg5[%get3A_900] {strides = array<i32>} : memref<2048xf32, #tpu.memory_space<vmem>>, vector<16xf32>,
    %get3A_902 = vector.shape_cast %get3A_901 : vector<16xf32> to vector<16xf32>
    %div3A_903 = arith.constant 1.000000e+00 : f32
    %div3A_904 = vector.broadcast %div3A_903 : f32 to vector<16xf32>
    %div3A_905 = arith.divf %div3A_904, %get3A_902 : vector<16xf32>
    %swap3A_906 = arith.constant 1440 : index
    %swap3A_907 = tpu.vector_load %arg6[%swap3A_906] {strides = array<i32>} : memref<2048xf32, #tpu.memory_space<vmem>>, vector<16xf32>,
    %swap3A_908 = vector.shape_cast %swap3A_907 : vector<16xf32> to vector<16xf32>
    %swap3A_909 = vector.shape_cast %div3A_905 : vector<16xf32> to vector<16xf32>
    tpu.vector_store %arg6[%swap3A_906], %swap3A_909 {strides = array<i32>} : memref<2048xf32, #tpu.memory_space<vmem>>, vector<16xf32>,
    %get3A_910 = arith.constant 1456 : index
    %get3A_911 = tpu.vector_load %arg5[%get3A_910] {strides = array<i32>} : memref<2048xf32, #tpu.memory_space<vmem>>, vector<16xf32>,
    %get3A_912 = vector.shape_cast %get3A_911 : vector<16xf32> to vector<16xf32>
    %div3A_913 = arith.constant 1.000000e+00 : f32
    %div3A_914 = vector.broadcast %div3A_913 : f32 to vector<16xf32>
    %div3A_915 = arith.divf %div3A_914, %get3A_912 : vector<16xf32>
    %swap3A_916 = arith.constant 1456 : index
    %swap3A_917 = tpu.vector_load %arg6[%swap3A_916] {strides = array<i32>} : memref<2048xf32, #tpu.memory_space<vmem>>, vector<16xf32>,
    %swap3A_918 = vector.shape_cast %swap3A_917 : vector<16xf32> to vector<16xf32>
    %swap3A_919 = vector.shape_cast %div3A_915 : vector<16xf32> to vector<16xf32>
    tpu.vector_store %arg6[%swap3A_916], %swap3A_919 {strides = array<i32>} : memref<2048xf32, #tpu.memory_space<vmem>>, vector<16xf32>,
    %get3A_920 = arith.constant 1472 : index
    %get3A_921 = tpu.vector_load %arg5[%get3A_920] {strides = array<i32>} : memref<2048xf32, #tpu.memory_space<vmem>>, vector<16xf32>,
    %get3A_922 = vector.shape_cast %get3A_921 : vector<16xf32> to vector<16xf32>
    %div3A_923 = arith.constant 1.000000e+00 : f32
    %div3A_924 = vector.broadcast %div3A_923 : f32 to vector<16xf32>
    %div3A_925 = arith.divf %div3A_924, %get3A_922 : vector<16xf32>
    %swap3A_926 = arith.constant 1472 : index
    %swap3A_927 = tpu.vector_load %arg6[%swap3A_926] {strides = array<i32>} : memref<2048xf32, #tpu.memory_space<vmem>>, vector<16xf32>,
    %swap3A_928 = vector.shape_cast %swap3A_927 : vector<16xf32> to vector<16xf32>
    %swap3A_929 = vector.shape_cast %div3A_925 : vector<16xf32> to vector<16xf32>
    tpu.vector_store %arg6[%swap3A_926], %swap3A_929 {strides = array<i32>} : memref<2048xf32, #tpu.memory_space<vmem>>, vector<16xf32>,
    %get3A_930 = arith.constant 1488 : index
    %get3A_931 = tpu.vector_load %arg5[%get3A_930] {strides = array<i32>} : memref<2048xf32, #tpu.memory_space<vmem>>, vector<16xf32>,
    %get3A_932 = vector.shape_cast %get3A_931 : vector<16xf32> to vector<16xf32>
    %div3A_933 = arith.constant 1.000000e+00 : f32
    %div3A_934 = vector.broadcast %div3A_933 : f32 to vector<16xf32>
    %div3A_935 = arith.divf %div3A_934, %get3A_932 : vector<16xf32>
    %swap3A_936 = arith.constant 1488 : index
    %swap3A_937 = tpu.vector_load %arg6[%swap3A_936] {strides = array<i32>} : memref<2048xf32, #tpu.memory_space<vmem>>, vector<16xf32>,
    %swap3A_938 = vector.shape_cast %swap3A_937 : vector<16xf32> to vector<16xf32>
    %swap3A_939 = vector.shape_cast %div3A_935 : vector<16xf32> to vector<16xf32>
    tpu.vector_store %arg6[%swap3A_936], %swap3A_939 {strides = array<i32>} : memref<2048xf32, #tpu.memory_space<vmem>>, vector<16xf32>,
    %get3A_940 = arith.constant 1504 : index
    %get3A_941 = tpu.vector_load %arg5[%get3A_940] {strides = array<i32>} : memref<2048xf32, #tpu.memory_space<vmem>>, vector<16xf32>,
    %get3A_942 = vector.shape_cast %get3A_941 : vector<16xf32> to vector<16xf32>
    %div3A_943 = arith.constant 1.000000e+00 : f32
    %div3A_944 = vector.broadcast %div3A_943 : f32 to vector<16xf32>
    %div3A_945 = arith.divf %div3A_944, %get3A_942 : vector<16xf32>
    %swap3A_946 = arith.constant 1504 : index
    %swap3A_947 = tpu.vector_load %arg6[%swap3A_946] {strides = array<i32>} : memref<2048xf32, #tpu.memory_space<vmem>>, vector<16xf32>,
    %swap3A_948 = vector.shape_cast %swap3A_947 : vector<16xf32> to vector<16xf32>
    %swap3A_949 = vector.shape_cast %div3A_945 : vector<16xf32> to vector<16xf32>
    tpu.vector_store %arg6[%swap3A_946], %swap3A_949 {strides = array<i32>} : memref<2048xf32, #tpu.memory_space<vmem>>, vector<16xf32>,
    %get3A_950 = arith.constant 1520 : index
    %get3A_951 = tpu.vector_load %arg5[%get3A_950] {strides = array<i32>} : memref<2048xf32, #tpu.memory_space<vmem>>, vector<16xf32>,
    %get3A_952 = vector.shape_cast %get3A_951 : vector<16xf32> to vector<16xf32>
    %div3A_953 = arith.constant 1.000000e+00 : f32
    %div3A_954 = vector.broadcast %div3A_953 : f32 to vector<16xf32>
    %div3A_955 = arith.divf %div3A_954, %get3A_952 : vector<16xf32>
    %swap3A_956 = arith.constant 1520 : index
    %swap3A_957 = tpu.vector_load %arg6[%swap3A_956] {strides = array<i32>} : memref<2048xf32, #tpu.memory_space<vmem>>, vector<16xf32>,
    %swap3A_958 = vector.shape_cast %swap3A_957 : vector<16xf32> to vector<16xf32>
    %swap3A_959 = vector.shape_cast %div3A_955 : vector<16xf32> to vector<16xf32>
    tpu.vector_store %arg6[%swap3A_956], %swap3A_959 {strides = array<i32>} : memref<2048xf32, #tpu.memory_space<vmem>>, vector<16xf32>,
    %get3A_960 = arith.constant 1536 : index
    %get3A_961 = tpu.vector_load %arg5[%get3A_960] {strides = array<i32>} : memref<2048xf32, #tpu.memory_space<vmem>>, vector<16xf32>,
    %get3A_962 = vector.shape_cast %get3A_961 : vector<16xf32> to vector<16xf32>
    %div3A_963 = arith.constant 1.000000e+00 : f32
    %div3A_964 = vector.broadcast %div3A_963 : f32 to vector<16xf32>
    %div3A_965 = arith.divf %div3A_964, %get3A_962 : vector<16xf32>
    %swap3A_966 = arith.constant 1536 : index
    %swap3A_967 = tpu.vector_load %arg6[%swap3A_966] {strides = array<i32>} : memref<2048xf32, #tpu.memory_space<vmem>>, vector<16xf32>,
    %swap3A_968 = vector.shape_cast %swap3A_967 : vector<16xf32> to vector<16xf32>
    %swap3A_969 = vector.shape_cast %div3A_965 : vector<16xf32> to vector<16xf32>
    tpu.vector_store %arg6[%swap3A_966], %swap3A_969 {strides = array<i32>} : memref<2048xf32, #tpu.memory_space<vmem>>, vector<16xf32>,
    %get3A_970 = arith.constant 1552 : index
    %get3A_971 = tpu.vector_load %arg5[%get3A_970] {strides = array<i32>} : memref<2048xf32, #tpu.memory_space<vmem>>, vector<16xf32>,
    %get3A_972 = vector.shape_cast %get3A_971 : vector<16xf32> to vector<16xf32>
    %div3A_973 = arith.constant 1.000000e+00 : f32
    %div3A_974 = vector.broadcast %div3A_973 : f32 to vector<16xf32>
    %div3A_975 = arith.divf %div3A_974, %get3A_972 : vector<16xf32>
    %swap3A_976 = arith.constant 1552 : index
    %swap3A_977 = tpu.vector_load %arg6[%swap3A_976] {strides = array<i32>} : memref<2048xf32, #tpu.memory_space<vmem>>, vector<16xf32>,
    %swap3A_978 = vector.shape_cast %swap3A_977 : vector<16xf32> to vector<16xf32>
    %swap3A_979 = vector.shape_cast %div3A_975 : vector<16xf32> to vector<16xf32>
    tpu.vector_store %arg6[%swap3A_976], %swap3A_979 {strides = array<i32>} : memref<2048xf32, #tpu.memory_space<vmem>>, vector<16xf32>,
    %get3A_980 = arith.constant 1568 : index
    %get3A_981 = tpu.vector_load %arg5[%get3A_980] {strides = array<i32>} : memref<2048xf32, #tpu.memory_space<vmem>>, vector<16xf32>,
    %get3A_982 = vector.shape_cast %get3A_981 : vector<16xf32> to vector<16xf32>
    %div3A_983 = arith.constant 1.000000e+00 : f32
    %div3A_984 = vector.broadcast %div3A_983 : f32 to vector<16xf32>
    %div3A_985 = arith.divf %div3A_984, %get3A_982 : vector<16xf32>
    %swap3A_986 = arith.constant 1568 : index
    %swap3A_987 = tpu.vector_load %arg6[%swap3A_986] {strides = array<i32>} : memref<2048xf32, #tpu.memory_space<vmem>>, vector<16xf32>,
    %swap3A_988 = vector.shape_cast %swap3A_987 : vector<16xf32> to vector<16xf32>
    %swap3A_989 = vector.shape_cast %div3A_985 : vector<16xf32> to vector<16xf32>
    tpu.vector_store %arg6[%swap3A_986], %swap3A_989 {strides = array<i32>} : memref<2048xf32, #tpu.memory_space<vmem>>, vector<16xf32>,
    %get3A_990 = arith.constant 1584 : index
    %get3A_991 = tpu.vector_load %arg5[%get3A_990] {strides = array<i32>} : memref<2048xf32, #tpu.memory_space<vmem>>, vector<16xf32>,
    %get3A_992 = vector.shape_cast %get3A_991 : vector<16xf32> to vector<16xf32>
    %div3A_993 = arith.constant 1.000000e+00 : f32
    %div3A_994 = vector.broadcast %div3A_993 : f32 to vector<16xf32>
    %div3A_995 = arith.divf %div3A_994, %get3A_992 : vector<16xf32>
    %swap3A_996 = arith.constant 1584 : index
    %swap3A_997 = tpu.vector_load %arg6[%swap3A_996] {strides = array<i32>} : memref<2048xf32, #tpu.memory_space<vmem>>, vector<16xf32>,
    %swap3A_998 = vector.shape_cast %swap3A_997 : vector<16xf32> to vector<16xf32>
    %swap3A_999 = vector.shape_cast %div3A_995 : vector<16xf32> to vector<16xf32>
    tpu.vector_store %arg6[%swap3A_996], %swap3A_999 {strides = array<i32>} : memref<2048xf32, #tpu.memory_space<vmem>>, vector<16xf32>,
    %get3A_1000 = arith.constant 1600 : index
    %get3A_1001 = tpu.vector_load %arg5[%get3A_1000] {strides = array<i32>} : memref<2048xf32, #tpu.memory_space<vmem>>, vector<16xf32>,
    %get3A_1002 = vector.shape_cast %get3A_1001 : vector<16xf32> to vector<16xf32>
    %div3A_1003 = arith.constant 1.000000e+00 : f32
    %div3A_1004 = vector.broadcast %div3A_1003 : f32 to vector<16xf32>
    %div3A_1005 = arith.divf %div3A_1004, %get3A_1002 : vector<16xf32>
    %swap3A_1006 = arith.constant 1600 : index
    %swap3A_1007 = tpu.vector_load %arg6[%swap3A_1006] {strides = array<i32>} : memref<2048xf32, #tpu.memory_space<vmem>>, vector<16xf32>,
    %swap3A_1008 = vector.shape_cast %swap3A_1007 : vector<16xf32> to vector<16xf32>
    %swap3A_1009 = vector.shape_cast %div3A_1005 : vector<16xf32> to vector<16xf32>
    tpu.vector_store %arg6[%swap3A_1006], %swap3A_1009 {strides = array<i32>} : memref<2048xf32, #tpu.memory_space<vmem>>, vector<16xf32>,
    %get3A_1010 = arith.constant 1616 : index
    %get3A_1011 = tpu.vector_load %arg5[%get3A_1010] {strides = array<i32>} : memref<2048xf32, #tpu.memory_space<vmem>>, vector<16xf32>,
    %get3A_1012 = vector.shape_cast %get3A_1011 : vector<16xf32> to vector<16xf32>
    %div3A_1013 = arith.constant 1.000000e+00 : f32
    %div3A_1014 = vector.broadcast %div3A_1013 : f32 to vector<16xf32>
    %div3A_1015 = arith.divf %div3A_1014, %get3A_1012 : vector<16xf32>
    %swap3A_1016 = arith.constant 1616 : index
    %swap3A_1017 = tpu.vector_load %arg6[%swap3A_1016] {strides = array<i32>} : memref<2048xf32, #tpu.memory_space<vmem>>, vector<16xf32>,
    %swap3A_1018 = vector.shape_cast %swap3A_1017 : vector<16xf32> to vector<16xf32>
    %swap3A_1019 = vector.shape_cast %div3A_1015 : vector<16xf32> to vector<16xf32>
    tpu.vector_store %arg6[%swap3A_1016], %swap3A_1019 {strides = array<i32>} : memref<2048xf32, #tpu.memory_space<vmem>>, vector<16xf32>,
    %get3A_1020 = arith.constant 1632 : index
    %get3A_1021 = tpu.vector_load %arg5[%get3A_1020] {strides = array<i32>} : memref<2048xf32, #tpu.memory_space<vmem>>, vector<16xf32>,
    %get3A_1022 = vector.shape_cast %get3A_1021 : vector<16xf32> to vector<16xf32>
    %div3A_1023 = arith.constant 1.000000e+00 : f32
    %div3A_1024 = vector.broadcast %div3A_1023 : f32 to vector<16xf32>
    %div3A_1025 = arith.divf %div3A_1024, %get3A_1022 : vector<16xf32>
    %swap3A_1026 = arith.constant 1632 : index
    %swap3A_1027 = tpu.vector_load %arg6[%swap3A_1026] {strides = array<i32>} : memref<2048xf32, #tpu.memory_space<vmem>>, vector<16xf32>,
    %swap3A_1028 = vector.shape_cast %swap3A_1027 : vector<16xf32> to vector<16xf32>
    %swap3A_1029 = vector.shape_cast %div3A_1025 : vector<16xf32> to vector<16xf32>
    tpu.vector_store %arg6[%swap3A_1026], %swap3A_1029 {strides = array<i32>} : memref<2048xf32, #tpu.memory_space<vmem>>, vector<16xf32>,
    %get3A_1030 = arith.constant 1648 : index
    %get3A_1031 = tpu.vector_load %arg5[%get3A_1030] {strides = array<i32>} : memref<2048xf32, #tpu.memory_space<vmem>>, vector<16xf32>,
    %get3A_1032 = vector.shape_cast %get3A_1031 : vector<16xf32> to vector<16xf32>
    %div3A_1033 = arith.constant 1.000000e+00 : f32
    %div3A_1034 = vector.broadcast %div3A_1033 : f32 to vector<16xf32>
    %div3A_1035 = arith.divf %div3A_1034, %get3A_1032 : vector<16xf32>
    %swap3A_1036 = arith.constant 1648 : index
    %swap3A_1037 = tpu.vector_load %arg6[%swap3A_1036] {strides = array<i32>} : memref<2048xf32, #tpu.memory_space<vmem>>, vector<16xf32>,
    %swap3A_1038 = vector.shape_cast %swap3A_1037 : vector<16xf32> to vector<16xf32>
    %swap3A_1039 = vector.shape_cast %div3A_1035 : vector<16xf32> to vector<16xf32>
    tpu.vector_store %arg6[%swap3A_1036], %swap3A_1039 {strides = array<i32>} : memref<2048xf32, #tpu.memory_space<vmem>>, vector<16xf32>,
    %get3A_1040 = arith.constant 1664 : index
    %get3A_1041 = tpu.vector_load %arg5[%get3A_1040] {strides = array<i32>} : memref<2048xf32, #tpu.memory_space<vmem>>, vector<16xf32>,
    %get3A_1042 = vector.shape_cast %get3A_1041 : vector<16xf32> to vector<16xf32>
    %div3A_1043 = arith.constant 1.000000e+00 : f32
    %div3A_1044 = vector.broadcast %div3A_1043 : f32 to vector<16xf32>
    %div3A_1045 = arith.divf %div3A_1044, %get3A_1042 : vector<16xf32>
    %swap3A_1046 = arith.constant 1664 : index
    %swap3A_1047 = tpu.vector_load %arg6[%swap3A_1046] {strides = array<i32>} : memref<2048xf32, #tpu.memory_space<vmem>>, vector<16xf32>,
    %swap3A_1048 = vector.shape_cast %swap3A_1047 : vector<16xf32> to vector<16xf32>
    %swap3A_1049 = vector.shape_cast %div3A_1045 : vector<16xf32> to vector<16xf32>
    tpu.vector_store %arg6[%swap3A_1046], %swap3A_1049 {strides = array<i32>} : memref<2048xf32, #tpu.memory_space<vmem>>, vector<16xf32>,
    %get3A_1050 = arith.constant 1680 : index
    %get3A_1051 = tpu.vector_load %arg5[%get3A_1050] {strides = array<i32>} : memref<2048xf32, #tpu.memory_space<vmem>>, vector<16xf32>,
    %get3A_1052 = vector.shape_cast %get3A_1051 : vector<16xf32> to vector<16xf32>
    %div3A_1053 = arith.constant 1.000000e+00 : f32
    %div3A_1054 = vector.broadcast %div3A_1053 : f32 to vector<16xf32>
    %div3A_1055 = arith.divf %div3A_1054, %get3A_1052 : vector<16xf32>
    %swap3A_1056 = arith.constant 1680 : index
    %swap3A_1057 = tpu.vector_load %arg6[%swap3A_1056] {strides = array<i32>} : memref<2048xf32, #tpu.memory_space<vmem>>, vector<16xf32>,
    %swap3A_1058 = vector.shape_cast %swap3A_1057 : vector<16xf32> to vector<16xf32>
    %swap3A_1059 = vector.shape_cast %div3A_1055 : vector<16xf32> to vector<16xf32>
    tpu.vector_store %arg6[%swap3A_1056], %swap3A_1059 {strides = array<i32>} : memref<2048xf32, #tpu.memory_space<vmem>>, vector<16xf32>,
    %get3A_1060 = arith.constant 1696 : index
    %get3A_1061 = tpu.vector_load %arg5[%get3A_1060] {strides = array<i32>} : memref<2048xf32, #tpu.memory_space<vmem>>, vector<16xf32>,
    %get3A_1062 = vector.shape_cast %get3A_1061 : vector<16xf32> to vector<16xf32>
    %div3A_1063 = arith.constant 1.000000e+00 : f32
    %div3A_1064 = vector.broadcast %div3A_1063 : f32 to vector<16xf32>
    %div3A_1065 = arith.divf %div3A_1064, %get3A_1062 : vector<16xf32>
    %swap3A_1066 = arith.constant 1696 : index
    %swap3A_1067 = tpu.vector_load %arg6[%swap3A_1066] {strides = array<i32>} : memref<2048xf32, #tpu.memory_space<vmem>>, vector<16xf32>,
    %swap3A_1068 = vector.shape_cast %swap3A_1067 : vector<16xf32> to vector<16xf32>
    %swap3A_1069 = vector.shape_cast %div3A_1065 : vector<16xf32> to vector<16xf32>
    tpu.vector_store %arg6[%swap3A_1066], %swap3A_1069 {strides = array<i32>} : memref<2048xf32, #tpu.memory_space<vmem>>, vector<16xf32>,
    %get3A_1070 = arith.constant 1712 : index
    %get3A_1071 = tpu.vector_load %arg5[%get3A_1070] {strides = array<i32>} : memref<2048xf32, #tpu.memory_space<vmem>>, vector<16xf32>,
    %get3A_1072 = vector.shape_cast %get3A_1071 : vector<16xf32> to vector<16xf32>
    %div3A_1073 = arith.constant 1.000000e+00 : f32
    %div3A_1074 = vector.broadcast %div3A_1073 : f32 to vector<16xf32>
    %div3A_1075 = arith.divf %div3A_1074, %get3A_1072 : vector<16xf32>
    %swap3A_1076 = arith.constant 1712 : index
    %swap3A_1077 = tpu.vector_load %arg6[%swap3A_1076] {strides = array<i32>} : memref<2048xf32, #tpu.memory_space<vmem>>, vector<16xf32>,
    %swap3A_1078 = vector.shape_cast %swap3A_1077 : vector<16xf32> to vector<16xf32>
    %swap3A_1079 = vector.shape_cast %div3A_1075 : vector<16xf32> to vector<16xf32>
    tpu.vector_store %arg6[%swap3A_1076], %swap3A_1079 {strides = array<i32>} : memref<2048xf32, #tpu.memory_space<vmem>>, vector<16xf32>,
    %get3A_1080 = arith.constant 1728 : index
    %get3A_1081 = tpu.vector_load %arg5[%get3A_1080] {strides = array<i32>} : memref<2048xf32, #tpu.memory_space<vmem>>, vector<16xf32>,
    %get3A_1082 = vector.shape_cast %get3A_1081 : vector<16xf32> to vector<16xf32>
    %div3A_1083 = arith.constant 1.000000e+00 : f32
    %div3A_1084 = vector.broadcast %div3A_1083 : f32 to vector<16xf32>
    %div3A_1085 = arith.divf %div3A_1084, %get3A_1082 : vector<16xf32>
    %swap3A_1086 = arith.constant 1728 : index
    %swap3A_1087 = tpu.vector_load %arg6[%swap3A_1086] {strides = array<i32>} : memref<2048xf32, #tpu.memory_space<vmem>>, vector<16xf32>,
    %swap3A_1088 = vector.shape_cast %swap3A_1087 : vector<16xf32> to vector<16xf32>
    %swap3A_1089 = vector.shape_cast %div3A_1085 : vector<16xf32> to vector<16xf32>
    tpu.vector_store %arg6[%swap3A_1086], %swap3A_1089 {strides = array<i32>} : memref<2048xf32, #tpu.memory_space<vmem>>, vector<16xf32>,
    %get3A_1090 = arith.constant 1744 : index
    %get3A_1091 = tpu.vector_load %arg5[%get3A_1090] {strides = array<i32>} : memref<2048xf32, #tpu.memory_space<vmem>>, vector<16xf32>,
    %get3A_1092 = vector.shape_cast %get3A_1091 : vector<16xf32> to vector<16xf32>
    %div3A_1093 = arith.constant 1.000000e+00 : f32
    %div3A_1094 = vector.broadcast %div3A_1093 : f32 to vector<16xf32>
    %div3A_1095 = arith.divf %div3A_1094, %get3A_1092 : vector<16xf32>
    %swap3A_1096 = arith.constant 1744 : index
    %swap3A_1097 = tpu.vector_load %arg6[%swap3A_1096] {strides = array<i32>} : memref<2048xf32, #tpu.memory_space<vmem>>, vector<16xf32>,
    %swap3A_1098 = vector.shape_cast %swap3A_1097 : vector<16xf32> to vector<16xf32>
    %swap3A_1099 = vector.shape_cast %div3A_1095 : vector<16xf32> to vector<16xf32>
    tpu.vector_store %arg6[%swap3A_1096], %swap3A_1099 {strides = array<i32>} : memref<2048xf32, #tpu.memory_space<vmem>>, vector<16xf32>,
    %get3A_1100 = arith.constant 1760 : index
    %get3A_1101 = tpu.vector_load %arg5[%get3A_1100] {strides = array<i32>} : memref<2048xf32, #tpu.memory_space<vmem>>, vector<16xf32>,
    %get3A_1102 = vector.shape_cast %get3A_1101 : vector<16xf32> to vector<16xf32>
    %div3A_1103 = arith.constant 1.000000e+00 : f32
    %div3A_1104 = vector.broadcast %div3A_1103 : f32 to vector<16xf32>
    %div3A_1105 = arith.divf %div3A_1104, %get3A_1102 : vector<16xf32>
    %swap3A_1106 = arith.constant 1760 : index
    %swap3A_1107 = tpu.vector_load %arg6[%swap3A_1106] {strides = array<i32>} : memref<2048xf32, #tpu.memory_space<vmem>>, vector<16xf32>,
    %swap3A_1108 = vector.shape_cast %swap3A_1107 : vector<16xf32> to vector<16xf32>
    %swap3A_1109 = vector.shape_cast %div3A_1105 : vector<16xf32> to vector<16xf32>
    tpu.vector_store %arg6[%swap3A_1106], %swap3A_1109 {strides = array<i32>} : memref<2048xf32, #tpu.memory_space<vmem>>, vector<16xf32>,
    %get3A_1110 = arith.constant 1776 : index
    %get3A_1111 = tpu.vector_load %arg5[%get3A_1110] {strides = array<i32>} : memref<2048xf32, #tpu.memory_space<vmem>>, vector<16xf32>,
    %get3A_1112 = vector.shape_cast %get3A_1111 : vector<16xf32> to vector<16xf32>
    %div3A_1113 = arith.constant 1.000000e+00 : f32
    %div3A_1114 = vector.broadcast %div3A_1113 : f32 to vector<16xf32>
    %div3A_1115 = arith.divf %div3A_1114, %get3A_1112 : vector<16xf32>
    %swap3A_1116 = arith.constant 1776 : index
    %swap3A_1117 = tpu.vector_load %arg6[%swap3A_1116] {strides = array<i32>} : memref<2048xf32, #tpu.memory_space<vmem>>, vector<16xf32>,
    %swap3A_1118 = vector.shape_cast %swap3A_1117 : vector<16xf32> to vector<16xf32>
    %swap3A_1119 = vector.shape_cast %div3A_1115 : vector<16xf32> to vector<16xf32>
    tpu.vector_store %arg6[%swap3A_1116], %swap3A_1119 {strides = array<i32>} : memref<2048xf32, #tpu.memory_space<vmem>>, vector<16xf32>,
    %get3A_1120 = arith.constant 1792 : index
    %get3A_1121 = tpu.vector_load %arg5[%get3A_1120] {strides = array<i32>} : memref<2048xf32, #tpu.memory_space<vmem>>, vector<16xf32>,
    %get3A_1122 = vector.shape_cast %get3A_1121 : vector<16xf32> to vector<16xf32>
    %div3A_1123 = arith.constant 1.000000e+00 : f32
    %div3A_1124 = vector.broadcast %div3A_1123 : f32 to vector<16xf32>
    %div3A_1125 = arith.divf %div3A_1124, %get3A_1122 : vector<16xf32>
    %swap3A_1126 = arith.constant 1792 : index
    %swap3A_1127 = tpu.vector_load %arg6[%swap3A_1126] {strides = array<i32>} : memref<2048xf32, #tpu.memory_space<vmem>>, vector<16xf32>,
    %swap3A_1128 = vector.shape_cast %swap3A_1127 : vector<16xf32> to vector<16xf32>
    %swap3A_1129 = vector.shape_cast %div3A_1125 : vector<16xf32> to vector<16xf32>
    tpu.vector_store %arg6[%swap3A_1126], %swap3A_1129 {strides = array<i32>} : memref<2048xf32, #tpu.memory_space<vmem>>, vector<16xf32>,
    %get3A_1130 = arith.constant 1808 : index
    %get3A_1131 = tpu.vector_load %arg5[%get3A_1130] {strides = array<i32>} : memref<2048xf32, #tpu.memory_space<vmem>>, vector<16xf32>,
    %get3A_1132 = vector.shape_cast %get3A_1131 : vector<16xf32> to vector<16xf32>
    %div3A_1133 = arith.constant 1.000000e+00 : f32
    %div3A_1134 = vector.broadcast %div3A_1133 : f32 to vector<16xf32>
    %div3A_1135 = arith.divf %div3A_1134, %get3A_1132 : vector<16xf32>
    %swap3A_1136 = arith.constant 1808 : index
    %swap3A_1137 = tpu.vector_load %arg6[%swap3A_1136] {strides = array<i32>} : memref<2048xf32, #tpu.memory_space<vmem>>, vector<16xf32>,
    %swap3A_1138 = vector.shape_cast %swap3A_1137 : vector<16xf32> to vector<16xf32>
    %swap3A_1139 = vector.shape_cast %div3A_1135 : vector<16xf32> to vector<16xf32>
    tpu.vector_store %arg6[%swap3A_1136], %swap3A_1139 {strides = array<i32>} : memref<2048xf32, #tpu.memory_space<vmem>>, vector<16xf32>,
    %get3A_1140 = arith.constant 1824 : index
    %get3A_1141 = tpu.vector_load %arg5[%get3A_1140] {strides = array<i32>} : memref<2048xf32, #tpu.memory_space<vmem>>, vector<16xf32>,
    %get3A_1142 = vector.shape_cast %get3A_1141 : vector<16xf32> to vector<16xf32>
    %div3A_1143 = arith.constant 1.000000e+00 : f32
    %div3A_1144 = vector.broadcast %div3A_1143 : f32 to vector<16xf32>
    %div3A_1145 = arith.divf %div3A_1144, %get3A_1142 : vector<16xf32>
    %swap3A_1146 = arith.constant 1824 : index
    %swap3A_1147 = tpu.vector_load %arg6[%swap3A_1146] {strides = array<i32>} : memref<2048xf32, #tpu.memory_space<vmem>>, vector<16xf32>,
    %swap3A_1148 = vector.shape_cast %swap3A_1147 : vector<16xf32> to vector<16xf32>
    %swap3A_1149 = vector.shape_cast %div3A_1145 : vector<16xf32> to vector<16xf32>
    tpu.vector_store %arg6[%swap3A_1146], %swap3A_1149 {strides = array<i32>} : memref<2048xf32, #tpu.memory_space<vmem>>, vector<16xf32>,
    %get3A_1150 = arith.constant 1840 : index
    %get3A_1151 = tpu.vector_load %arg5[%get3A_1150] {strides = array<i32>} : memref<2048xf32, #tpu.memory_space<vmem>>, vector<16xf32>,
    %get3A_1152 = vector.shape_cast %get3A_1151 : vector<16xf32> to vector<16xf32>
    %div3A_1153 = arith.constant 1.000000e+00 : f32
    %div3A_1154 = vector.broadcast %div3A_1153 : f32 to vector<16xf32>
    %div3A_1155 = arith.divf %div3A_1154, %get3A_1152 : vector<16xf32>
    %swap3A_1156 = arith.constant 1840 : index
    %swap3A_1157 = tpu.vector_load %arg6[%swap3A_1156] {strides = array<i32>} : memref<2048xf32, #tpu.memory_space<vmem>>, vector<16xf32>,
    %swap3A_1158 = vector.shape_cast %swap3A_1157 : vector<16xf32> to vector<16xf32>
    %swap3A_1159 = vector.shape_cast %div3A_1155 : vector<16xf32> to vector<16xf32>
    tpu.vector_store %arg6[%swap3A_1156], %swap3A_1159 {strides = array<i32>} : memref<2048xf32, #tpu.memory_space<vmem>>, vector<16xf32>,
    %get3A_1160 = arith.constant 1856 : index
    %get3A_1161 = tpu.vector_load %arg5[%get3A_1160] {strides = array<i32>} : memref<2048xf32, #tpu.memory_space<vmem>>, vector<16xf32>,
    %get3A_1162 = vector.shape_cast %get3A_1161 : vector<16xf32> to vector<16xf32>
    %div3A_1163 = arith.constant 1.000000e+00 : f32
    %div3A_1164 = vector.broadcast %div3A_1163 : f32 to vector<16xf32>
    %div3A_1165 = arith.divf %div3A_1164, %get3A_1162 : vector<16xf32>
    %swap3A_1166 = arith.constant 1856 : index
    %swap3A_1167 = tpu.vector_load %arg6[%swap3A_1166] {strides = array<i32>} : memref<2048xf32, #tpu.memory_space<vmem>>, vector<16xf32>,
    %swap3A_1168 = vector.shape_cast %swap3A_1167 : vector<16xf32> to vector<16xf32>
    %swap3A_1169 = vector.shape_cast %div3A_1165 : vector<16xf32> to vector<16xf32>
    tpu.vector_store %arg6[%swap3A_1166], %swap3A_1169 {strides = array<i32>} : memref<2048xf32, #tpu.memory_space<vmem>>, vector<16xf32>,
    %get3A_1170 = arith.constant 1872 : index
    %get3A_1171 = tpu.vector_load %arg5[%get3A_1170] {strides = array<i32>} : memref<2048xf32, #tpu.memory_space<vmem>>, vector<16xf32>,
    %get3A_1172 = vector.shape_cast %get3A_1171 : vector<16xf32> to vector<16xf32>
    %div3A_1173 = arith.constant 1.000000e+00 : f32
    %div3A_1174 = vector.broadcast %div3A_1173 : f32 to vector<16xf32>
    %div3A_1175 = arith.divf %div3A_1174, %get3A_1172 : vector<16xf32>
    %swap3A_1176 = arith.constant 1872 : index
    %swap3A_1177 = tpu.vector_load %arg6[%swap3A_1176] {strides = array<i32>} : memref<2048xf32, #tpu.memory_space<vmem>>, vector<16xf32>,
    %swap3A_1178 = vector.shape_cast %swap3A_1177 : vector<16xf32> to vector<16xf32>
    %swap3A_1179 = vector.shape_cast %div3A_1175 : vector<16xf32> to vector<16xf32>
    tpu.vector_store %arg6[%swap3A_1176], %swap3A_1179 {strides = array<i32>} : memref<2048xf32, #tpu.memory_space<vmem>>, vector<16xf32>,
    %get3A_1180 = arith.constant 1888 : index
    %get3A_1181 = tpu.vector_load %arg5[%get3A_1180] {strides = array<i32>} : memref<2048xf32, #tpu.memory_space<vmem>>, vector<16xf32>,
    %get3A_1182 = vector.shape_cast %get3A_1181 : vector<16xf32> to vector<16xf32>
    %div3A_1183 = arith.constant 1.000000e+00 : f32
    %div3A_1184 = vector.broadcast %div3A_1183 : f32 to vector<16xf32>
    %div3A_1185 = arith.divf %div3A_1184, %get3A_1182 : vector<16xf32>
    %swap3A_1186 = arith.constant 1888 : index
    %swap3A_1187 = tpu.vector_load %arg6[%swap3A_1186] {strides = array<i32>} : memref<2048xf32, #tpu.memory_space<vmem>>, vector<16xf32>,
    %swap3A_1188 = vector.shape_cast %swap3A_1187 : vector<16xf32> to vector<16xf32>
    %swap3A_1189 = vector.shape_cast %div3A_1185 : vector<16xf32> to vector<16xf32>
    tpu.vector_store %arg6[%swap3A_1186], %swap3A_1189 {strides = array<i32>} : memref<2048xf32, #tpu.memory_space<vmem>>, vector<16xf32>,
    %get3A_1190 = arith.constant 1904 : index
    %get3A_1191 = tpu.vector_load %arg5[%get3A_1190] {strides = array<i32>} : memref<2048xf32, #tpu.memory_space<vmem>>, vector<16xf32>,
    %get3A_1192 = vector.shape_cast %get3A_1191 : vector<16xf32> to vector<16xf32>
    %div3A_1193 = arith.constant 1.000000e+00 : f32
    %div3A_1194 = vector.broadcast %div3A_1193 : f32 to vector<16xf32>
    %div3A_1195 = arith.divf %div3A_1194, %get3A_1192 : vector<16xf32>
    %swap3A_1196 = arith.constant 1904 : index
    %swap3A_1197 = tpu.vector_load %arg6[%swap3A_1196] {strides = array<i32>} : memref<2048xf32, #tpu.memory_space<vmem>>, vector<16xf32>,
    %swap3A_1198 = vector.shape_cast %swap3A_1197 : vector<16xf32> to vector<16xf32>
    %swap3A_1199 = vector.shape_cast %div3A_1195 : vector<16xf32> to vector<16xf32>
    tpu.vector_store %arg6[%swap3A_1196], %swap3A_1199 {strides = array<i32>} : memref<2048xf32, #tpu.memory_space<vmem>>, vector<16xf32>,
    %get3A_1200 = arith.constant 1920 : index
    %get3A_1201 = tpu.vector_load %arg5[%get3A_1200] {strides = array<i32>} : memref<2048xf32, #tpu.memory_space<vmem>>, vector<16xf32>,
    %get3A_1202 = vector.shape_cast %get3A_1201 : vector<16xf32> to vector<16xf32>
    %div3A_1203 = arith.constant 1.000000e+00 : f32
    %div3A_1204 = vector.broadcast %div3A_1203 : f32 to vector<16xf32>
    %div3A_1205 = arith.divf %div3A_1204, %get3A_1202 : vector<16xf32>
    %swap3A_1206 = arith.constant 1920 : index
    %swap3A_1207 = tpu.vector_load %arg6[%swap3A_1206] {strides = array<i32>} : memref<2048xf32, #tpu.memory_space<vmem>>, vector<16xf32>,
    %swap3A_1208 = vector.shape_cast %swap3A_1207 : vector<16xf32> to vector<16xf32>
    %swap3A_1209 = vector.shape_cast %div3A_1205 : vector<16xf32> to vector<16xf32>
    tpu.vector_store %arg6[%swap3A_1206], %swap3A_1209 {strides = array<i32>} : memref<2048xf32, #tpu.memory_space<vmem>>, vector<16xf32>,
    %get3A_1210 = arith.constant 1936 : index
    %get3A_1211 = tpu.vector_load %arg5[%get3A_1210] {strides = array<i32>} : memref<2048xf32, #tpu.memory_space<vmem>>, vector<16xf32>,
    %get3A_1212 = vector.shape_cast %get3A_1211 : vector<16xf32> to vector<16xf32>
    %div3A_1213 = arith.constant 1.000000e+00 : f32
    %div3A_1214 = vector.broadcast %div3A_1213 : f32 to vector<16xf32>
    %div3A_1215 = arith.divf %div3A_1214, %get3A_1212 : vector<16xf32>
    %swap3A_1216 = arith.constant 1936 : index
    %swap3A_1217 = tpu.vector_load %arg6[%swap3A_1216] {strides = array<i32>} : memref<2048xf32, #tpu.memory_space<vmem>>, vector<16xf32>,
    %swap3A_1218 = vector.shape_cast %swap3A_1217 : vector<16xf32> to vector<16xf32>
    %swap3A_1219 = vector.shape_cast %div3A_1215 : vector<16xf32> to vector<16xf32>
    tpu.vector_store %arg6[%swap3A_1216], %swap3A_1219 {strides = array<i32>} : memref<2048xf32, #tpu.memory_space<vmem>>, vector<16xf32>,
    %get3A_1220 = arith.constant 1952 : index
    %get3A_1221 = tpu.vector_load %arg5[%get3A_1220] {strides = array<i32>} : memref<2048xf32, #tpu.memory_space<vmem>>, vector<16xf32>,
    %get3A_1222 = vector.shape_cast %get3A_1221 : vector<16xf32> to vector<16xf32>
    %div3A_1223 = arith.constant 1.000000e+00 : f32
    %div3A_1224 = vector.broadcast %div3A_1223 : f32 to vector<16xf32>
    %div3A_1225 = arith.divf %div3A_1224, %get3A_1222 : vector<16xf32>
    %swap3A_1226 = arith.constant 1952 : index
    %swap3A_1227 = tpu.vector_load %arg6[%swap3A_1226] {strides = array<i32>} : memref<2048xf32, #tpu.memory_space<vmem>>, vector<16xf32>,
    %swap3A_1228 = vector.shape_cast %swap3A_1227 : vector<16xf32> to vector<16xf32>
    %swap3A_1229 = vector.shape_cast %div3A_1225 : vector<16xf32> to vector<16xf32>
    tpu.vector_store %arg6[%swap3A_1226], %swap3A_1229 {strides = array<i32>} : memref<2048xf32, #tpu.memory_space<vmem>>, vector<16xf32>,
    %get3A_1230 = arith.constant 1968 : index
    %get3A_1231 = tpu.vector_load %arg5[%get3A_1230] {strides = array<i32>} : memref<2048xf32, #tpu.memory_space<vmem>>, vector<16xf32>,
    %get3A_1232 = vector.shape_cast %get3A_1231 : vector<16xf32> to vector<16xf32>
    %div3A_1233 = arith.constant 1.000000e+00 : f32
    %div3A_1234 = vector.broadcast %div3A_1233 : f32 to vector<16xf32>
    %div3A_1235 = arith.divf %div3A_1234, %get3A_1232 : vector<16xf32>
    %swap3A_1236 = arith.constant 1968 : index
    %swap3A_1237 = tpu.vector_load %arg6[%swap3A_1236] {strides = array<i32>} : memref<2048xf32, #tpu.memory_space<vmem>>, vector<16xf32>,
    %swap3A_1238 = vector.shape_cast %swap3A_1237 : vector<16xf32> to vector<16xf32>
    %swap3A_1239 = vector.shape_cast %div3A_1235 : vector<16xf32> to vector<16xf32>
    tpu.vector_store %arg6[%swap3A_1236], %swap3A_1239 {strides = array<i32>} : memref<2048xf32, #tpu.memory_space<vmem>>, vector<16xf32>,
    %get3A_1240 = arith.constant 1984 : index
    %get3A_1241 = tpu.vector_load %arg5[%get3A_1240] {strides = array<i32>} : memref<2048xf32, #tpu.memory_space<vmem>>, vector<16xf32>,
    %get3A_1242 = vector.shape_cast %get3A_1241 : vector<16xf32> to vector<16xf32>
    %div3A_1243 = arith.constant 1.000000e+00 : f32
    %div3A_1244 = vector.broadcast %div3A_1243 : f32 to vector<16xf32>
    %div3A_1245 = arith.divf %div3A_1244, %get3A_1242 : vector<16xf32>
    %swap3A_1246 = arith.constant 1984 : index
    %swap3A_1247 = tpu.vector_load %arg6[%swap3A_1246] {strides = array<i32>} : memref<2048xf32, #tpu.memory_space<vmem>>, vector<16xf32>,
    %swap3A_1248 = vector.shape_cast %swap3A_1247 : vector<16xf32> to vector<16xf32>
    %swap3A_1249 = vector.shape_cast %div3A_1245 : vector<16xf32> to vector<16xf32>
    tpu.vector_store %arg6[%swap3A_1246], %swap3A_1249 {strides = array<i32>} : memref<2048xf32, #tpu.memory_space<vmem>>, vector<16xf32>,
    %get3A_1250 = arith.constant 2000 : index
    %get3A_1251 = tpu.vector_load %arg5[%get3A_1250] {strides = array<i32>} : memref<2048xf32, #tpu.memory_space<vmem>>, vector<16xf32>,
    %get3A_1252 = vector.shape_cast %get3A_1251 : vector<16xf32> to vector<16xf32>
    %div3A_1253 = arith.constant 1.000000e+00 : f32
    %div3A_1254 = vector.broadcast %div3A_1253 : f32 to vector<16xf32>
    %div3A_1255 = arith.divf %div3A_1254, %get3A_1252 : vector<16xf32>
    %swap3A_1256 = arith.constant 2000 : index
    %swap3A_1257 = tpu.vector_load %arg6[%swap3A_1256] {strides = array<i32>} : memref<2048xf32, #tpu.memory_space<vmem>>, vector<16xf32>,
    %swap3A_1258 = vector.shape_cast %swap3A_1257 : vector<16xf32> to vector<16xf32>
    %swap3A_1259 = vector.shape_cast %div3A_1255 : vector<16xf32> to vector<16xf32>
    tpu.vector_store %arg6[%swap3A_1256], %swap3A_1259 {strides = array<i32>} : memref<2048xf32, #tpu.memory_space<vmem>>, vector<16xf32>,
    %get3A_1260 = arith.constant 2016 : index
    %get3A_1261 = tpu.vector_load %arg5[%get3A_1260] {strides = array<i32>} : memref<2048xf32, #tpu.memory_space<vmem>>, vector<16xf32>,
    %get3A_1262 = vector.shape_cast %get3A_1261 : vector<16xf32> to vector<16xf32>
    %div3A_1263 = arith.constant 1.000000e+00 : f32
    %div3A_1264 = vector.broadcast %div3A_1263 : f32 to vector<16xf32>
    %div3A_1265 = arith.divf %div3A_1264, %get3A_1262 : vector<16xf32>
    %swap3A_1266 = arith.constant 2016 : index
    %swap3A_1267 = tpu.vector_load %arg6[%swap3A_1266] {strides = array<i32>} : memref<2048xf32, #tpu.memory_space<vmem>>, vector<16xf32>,
    %swap3A_1268 = vector.shape_cast %swap3A_1267 : vector<16xf32> to vector<16xf32>
    %swap3A_1269 = vector.shape_cast %div3A_1265 : vector<16xf32> to vector<16xf32>
    tpu.vector_store %arg6[%swap3A_1266], %swap3A_1269 {strides = array<i32>} : memref<2048xf32, #tpu.memory_space<vmem>>, vector<16xf32>,
    %get3A_1270 = arith.constant 2032 : index
    %get3A_1271 = tpu.vector_load %arg5[%get3A_1270] {strides = array<i32>} : memref<2048xf32, #tpu.memory_space<vmem>>, vector<16xf32>,
    %get3A_1272 = vector.shape_cast %get3A_1271 : vector<16xf32> to vector<16xf32>
    %div3A_1273 = arith.constant 1.000000e+00 : f32
    %div3A_1274 = vector.broadcast %div3A_1273 : f32 to vector<16xf32>
    %div3A_1275 = arith.divf %div3A_1274, %get3A_1272 : vector<16xf32>
    %swap3A_1276 = arith.constant 2032 : index
    %swap3A_1277 = tpu.vector_load %arg6[%swap3A_1276] {strides = array<i32>} : memref<2048xf32, #tpu.memory_space<vmem>>, vector<16xf32>,
    %swap3A_1278 = vector.shape_cast %swap3A_1277 : vector<16xf32> to vector<16xf32>
    %swap3A_1279 = vector.shape_cast %div3A_1275 : vector<16xf32> to vector<16xf32>
    tpu.vector_store %arg6[%swap3A_1276], %swap3A_1279 {strides = array<i32>} : memref<2048xf32, #tpu.memory_space<vmem>>, vector<16xf32>,
    %add3A_1280 = arith.constant 0 : i32
    %add3A_1281 = arith.addi %mul3A_2, %add3A_1280 : i32
    %dma_start3A = arith.constant 0 : i32
    %dma_start3A_1282 = arith.constant 0 : i32
    %dma_start3A_1283 = arith.constant 0 : i32
    %dma_start3A_1284 = tpu.memref_slice %arg7[%dma_start3A, %dma_start3A_1282, %dma_start3A_1283] : memref<2x8x2048xf32, #tpu.memory_space<vmem>> -> memref<1x8x2048xf32, #tpu.memory_space<vmem>>
    %dma_start3A_1285 = tpu.memref_squeeze %dma_start3A_1284 : memref<1x8x2048xf32, #tpu.memory_space<vmem>> -> memref<8x2048xf32, #tpu.memory_space<vmem>>
    %dma_start3A_1286 = arith.constant 0 : i32
    %dma_start3A_1287 = tpu.memref_slice %arg2[%add3A_1281, %dma_start3A_1286] : memref<2048x2048xf32, #tpu.memory_space<hbm>> -> memref<8x2048xf32, #tpu.memory_space<hbm>>
    %dma_start3A_1288 = arith.constant 0 : i32
    %dma_start3A_1289 = arith.constant 0 : i32
    %dma_start3A_1290 = tpu.memref_slice %arg7[%dma_start3A, %dma_start3A_1288, %dma_start3A_1289] : memref<2x8x2048xf32, #tpu.memory_space<vmem>> -> memref<1x8x2048xf32, #tpu.memory_space<vmem>>
    %dma_start3A_1291 = tpu.memref_squeeze %dma_start3A_1290 : memref<1x8x2048xf32, #tpu.memory_space<vmem>> -> memref<8x2048xf32, #tpu.memory_space<vmem>>
    %dma_start3A_1292 = arith.constant 0 : i32
    %dma_start3A_1293 = tpu.memref_slice %arg2[%add3A_1281, %dma_start3A_1292] : memref<2048x2048xf32, #tpu.memory_space<hbm>> -> memref<8x2048xf32, #tpu.memory_space<hbm>>
    tpu.enqueue_dma source(%dma_start3A_1293 : memref<8x2048xf32, #tpu.memory_space<hbm>>) target(%dma_start3A_1291 : memref<8x2048xf32, #tpu.memory_space<vmem>>) target_semaphore(%arg9 : memref<!tpu.dma_semaphore, #tpu.memory_space<semaphore_mem>>)
    %add3A_1294 = arith.constant 0 : i32
    %add3A_1295 = arith.addi %mul3A_2, %add3A_1294 : i32
    %dma_wait3A = arith.constant 0 : i32
    %dma_wait3A_1296 = arith.constant 0 : i32
    %dma_wait3A_1297 = arith.constant 0 : i32
    %dma_wait3A_1298 = tpu.memref_slice %arg7[%dma_wait3A, %dma_wait3A_1296, %dma_wait3A_1297] : memref<2x8x2048xf32, #tpu.memory_space<vmem>> -> memref<1x8x2048xf32, #tpu.memory_space<vmem>>
    %dma_wait3A_1299 = tpu.memref_squeeze %dma_wait3A_1298 : memref<1x8x2048xf32, #tpu.memory_space<vmem>> -> memref<8x2048xf32, #tpu.memory_space<vmem>>
    %dma_wait3A_1300 = arith.constant 0 : i32
    %dma_wait3A_1301 = tpu.memref_slice %arg2[%add3A_1295, %dma_wait3A_1300] : memref<2048x2048xf32, #tpu.memory_space<hbm>> -> memref<8x2048xf32, #tpu.memory_space<hbm>>
    %dma_wait3A_1302 = arith.constant 0 : i32
    %dma_wait3A_1303 = arith.constant 0 : i32
    %dma_wait3A_1304 = tpu.memref_slice %arg7[%dma_wait3A, %dma_wait3A_1302, %dma_wait3A_1303] : memref<2x8x2048xf32, #tpu.memory_space<vmem>> -> memref<1x8x2048xf32, #tpu.memory_space<vmem>>
    %dma_wait3A_1305 = tpu.memref_squeeze %dma_wait3A_1304 : memref<1x8x2048xf32, #tpu.memory_space<vmem>> -> memref<8x2048xf32, #tpu.memory_space<vmem>>
    %dma_wait3A_1306 = arith.constant 0 : i32
    %dma_wait3A_1307 = tpu.memref_slice %arg2[%add3A_1295, %dma_wait3A_1306] : memref<2048x2048xf32, #tpu.memory_space<hbm>> -> memref<8x2048xf32, #tpu.memory_space<hbm>>
    tpu.wait_dma2 semaphore(%arg9 : memref<!tpu.dma_semaphore, #tpu.memory_space<semaphore_mem>>) src(%dma_wait3A_1307 : memref<8x2048xf32, #tpu.memory_space<hbm>>) dst(%dma_wait3A_1305 : memref<8x2048xf32, #tpu.memory_space<vmem>>)
    %parallel_loop3A = arith.constant 0 : i32
    %parallel_loop3A_1308 = arith.constant 128 : i32
    %parallel_loop3A_1309 = arith.constant 1 : i32
    scf.for %parallel_loop3A_1340 = %parallel_loop3A to %parallel_loop3A_1308 step %parallel_loop3A_1309  : i32 {
      %parallel_loop3A_1341 = arith.constant 16 : i32
      %parallel_loop3A_1342 = arith.muli %parallel_loop3A_1340, %parallel_loop3A_1341 : i32
      %parallel_loop3A_1343 = arith.index_cast %parallel_loop3A_1342 : i32 to index
      %parallel_loop3A_1344 = tpu.vector_load %arg6[%parallel_loop3A_1343] {strides = array<i32>} : memref<2048xf32, #tpu.memory_space<vmem>>, vector<16xf32>,
      %parallel_loop3A_1345 = vector.shape_cast %parallel_loop3A_1344 : vector<16xf32> to vector<16xf32>
      %parallel_loop3A_1346 = arith.index_cast %parallel_loop3A_1342 : i32 to index
      %parallel_loop3A_1347 = tpu.vector_load %arg5[%parallel_loop3A_1346] {strides = array<i32>} : memref<2048xf32, #tpu.memory_space<vmem>>, vector<16xf32>,
      %parallel_loop3A_1348 = vector.shape_cast %parallel_loop3A_1347 : vector<16xf32> to vector<16xf32>
      %parallel_loop3A_1349 = arith.constant 0 : i32
      %parallel_loop3A_1350 = arith.constant 0 : i32
      %parallel_loop3A_1351 = arith.index_cast %parallel_loop3A_1349 : i32 to index
      %parallel_loop3A_1352 = arith.index_cast %parallel_loop3A_1350 : i32 to index
      %parallel_loop3A_1353 = arith.index_cast %parallel_loop3A_1342 : i32 to index
      %parallel_loop3A_1354 = tpu.vector_load %arg7[%parallel_loop3A_1351, %parallel_loop3A_1352, %parallel_loop3A_1353] {strides = array<i32>} : memref<2x8x2048xf32, #tpu.memory_space<vmem>>, vector<1x1x16xf32>,
      %parallel_loop3A_1355 = vector.shape_cast %parallel_loop3A_1354 : vector<1x1x16xf32> to vector<16xf32>
      %parallel_loop3A_1356 = math.absf %parallel_loop3A_1355 : vector<16xf32>
      %parallel_loop3A_1357 = arith.mulf %parallel_loop3A_1356, %parallel_loop3A_1345 : vector<16xf32>
      %parallel_loop3A_1358 = arith.addf %parallel_loop3A_1357, %parallel_loop3A_1357 : vector<16xf32>
      %parallel_loop3A_1359 = arith.constant 0x4B400000 : f32
      %parallel_loop3A_1360 = vector.broadcast %parallel_loop3A_1359 : f32 to vector<16xf32>
      %parallel_loop3A_1361 = arith.addf %parallel_loop3A_1358, %parallel_loop3A_1360 : vector<16xf32>
      %parallel_loop3A_1362 = arith.constant 0x4B400000 : f32
      %parallel_loop3A_1363 = vector.broadcast %parallel_loop3A_1362 : f32 to vector<16xf32>
      %parallel_loop3A_1364 = arith.subf %parallel_loop3A_1361, %parallel_loop3A_1363 : vector<16xf32>
      %parallel_loop3A_1365 = arith.constant 4.000000e+00 : f32
      %parallel_loop3A_1366 = vector.broadcast %parallel_loop3A_1365 : f32 to vector<16xf32>
      %parallel_loop3A_1367 = arith.minimumf %parallel_loop3A_1364, %parallel_loop3A_1366 : vector<16xf32>
      %parallel_loop3A_1368 = arith.constant 5.000000e-01 : f32
      %parallel_loop3A_1369 = vector.broadcast %parallel_loop3A_1368 : f32 to vector<16xf32>
      %parallel_loop3A_1370 = arith.mulf %parallel_loop3A_1367, %parallel_loop3A_1369 : vector<16xf32>
      %parallel_loop3A_1371 = arith.constant 5.000000e+00 : f32
      %parallel_loop3A_1372 = vector.broadcast %parallel_loop3A_1371 : f32 to vector<16xf32>
      %parallel_loop3A_1373 = arith.cmpf olt, %parallel_loop3A_1357, %parallel_loop3A_1372 : vector<16xf32>
      %parallel_loop3A_1374 = arith.constant 4.000000e+00 : f32
      %parallel_loop3A_1375 = vector.broadcast %parallel_loop3A_1374 : f32 to vector<16xf32>
      %parallel_loop3A_1376 = arith.minimumf %parallel_loop3A_1357, %parallel_loop3A_1375 : vector<16xf32>
      %parallel_loop3A_1377 = arith.constant 0x4B400000 : f32
      %parallel_loop3A_1378 = vector.broadcast %parallel_loop3A_1377 : f32 to vector<16xf32>
      %parallel_loop3A_1379 = arith.addf %parallel_loop3A_1376, %parallel_loop3A_1378 : vector<16xf32>
      %parallel_loop3A_1380 = arith.constant 0x4B400000 : f32
      %parallel_loop3A_1381 = vector.broadcast %parallel_loop3A_1380 : f32 to vector<16xf32>
      %parallel_loop3A_1382 = arith.subf %parallel_loop3A_1379, %parallel_loop3A_1381 : vector<16xf32>
      %parallel_loop3A_1383 = arith.constant 6.000000e+00 : f32
      %parallel_loop3A_1384 = vector.broadcast %parallel_loop3A_1383 : f32 to vector<16xf32>
      %parallel_loop3A_1385 = arith.select %parallel_loop3A_1373, %parallel_loop3A_1382, %parallel_loop3A_1384 : vector<16xi1>, vector<16xf32>
      %parallel_loop3A_1386 = arith.constant 2.500000e+00 : f32
      %parallel_loop3A_1387 = vector.broadcast %parallel_loop3A_1386 : f32 to vector<16xf32>
      %parallel_loop3A_1388 = arith.cmpf olt, %parallel_loop3A_1357, %parallel_loop3A_1387 : vector<16xf32>
      %parallel_loop3A_1389 = arith.select %parallel_loop3A_1388, %parallel_loop3A_1370, %parallel_loop3A_1385 : vector<16xi1>, vector<16xf32>
      %parallel_loop3A_1390 = arith.mulf %parallel_loop3A_1389, %parallel_loop3A_1348 : vector<16xf32>
      %parallel_loop3A_1391 = arith.constant 0.000000e+00 : f32
      %parallel_loop3A_1392 = vector.broadcast %parallel_loop3A_1391 : f32 to vector<16xf32>
      %parallel_loop3A_1393 = arith.cmpf olt, %parallel_loop3A_1355, %parallel_loop3A_1392 : vector<16xf32>
      %parallel_loop3A_1394 = arith.constant 0.000000e+00 : f32
      %parallel_loop3A_1395 = vector.broadcast %parallel_loop3A_1394 : f32 to vector<16xf32>
      %parallel_loop3A_1396 = arith.subf %parallel_loop3A_1395, %parallel_loop3A_1390 : vector<16xf32>
      %parallel_loop3A_1397 = arith.select %parallel_loop3A_1393, %parallel_loop3A_1396, %parallel_loop3A_1390 : vector<16xi1>, vector<16xf32>
      %parallel_loop3A_1398 = arith.constant 0 : i32
      %parallel_loop3A_1399 = arith.constant 0 : i32
      %parallel_loop3A_1400 = arith.index_cast %parallel_loop3A_1398 : i32 to index
      %parallel_loop3A_1401 = arith.index_cast %parallel_loop3A_1399 : i32 to index
      %parallel_loop3A_1402 = arith.index_cast %parallel_loop3A_1342 : i32 to index
      %parallel_loop3A_1403 = tpu.vector_load %arg8[%parallel_loop3A_1400, %parallel_loop3A_1401, %parallel_loop3A_1402] {strides = array<i32>} : memref<2x8x2048xf32, #tpu.memory_space<vmem>>, vector<1x1x16xf32>,
      %parallel_loop3A_1404 = vector.shape_cast %parallel_loop3A_1403 : vector<1x1x16xf32> to vector<16xf32>
      %parallel_loop3A_1405 = vector.shape_cast %parallel_loop3A_1397 : vector<16xf32> to vector<1x1x16xf32>
      tpu.vector_store %arg8[%parallel_loop3A_1400, %parallel_loop3A_1401, %parallel_loop3A_1402], %parallel_loop3A_1405 {strides = array<i32>} : memref<2x8x2048xf32, #tpu.memory_space<vmem>>, vector<1x1x16xf32>,
      %parallel_loop3A_1406 = arith.constant 0 : i32
      %parallel_loop3A_1407 = arith.constant 1 : i32
      %parallel_loop3A_1408 = arith.index_cast %parallel_loop3A_1406 : i32 to index
      %parallel_loop3A_1409 = arith.index_cast %parallel_loop3A_1407 : i32 to index
      %parallel_loop3A_1410 = arith.index_cast %parallel_loop3A_1342 : i32 to index
      %parallel_loop3A_1411 = tpu.vector_load %arg7[%parallel_loop3A_1408, %parallel_loop3A_1409, %parallel_loop3A_1410] {strides = array<i32>} : memref<2x8x2048xf32, #tpu.memory_space<vmem>>, vector<1x1x16xf32>,
      %parallel_loop3A_1412 = vector.shape_cast %parallel_loop3A_1411 : vector<1x1x16xf32> to vector<16xf32>
      %parallel_loop3A_1413 = math.absf %parallel_loop3A_1412 : vector<16xf32>
      %parallel_loop3A_1414 = arith.mulf %parallel_loop3A_1413, %parallel_loop3A_1345 : vector<16xf32>
      %parallel_loop3A_1415 = arith.addf %parallel_loop3A_1414, %parallel_loop3A_1414 : vector<16xf32>
      %parallel_loop3A_1416 = arith.constant 0x4B400000 : f32
      %parallel_loop3A_1417 = vector.broadcast %parallel_loop3A_1416 : f32 to vector<16xf32>
      %parallel_loop3A_1418 = arith.addf %parallel_loop3A_1415, %parallel_loop3A_1417 : vector<16xf32>
      %parallel_loop3A_1419 = arith.constant 0x4B400000 : f32
      %parallel_loop3A_1420 = vector.broadcast %parallel_loop3A_1419 : f32 to vector<16xf32>
      %parallel_loop3A_1421 = arith.subf %parallel_loop3A_1418, %parallel_loop3A_1420 : vector<16xf32>
      %parallel_loop3A_1422 = arith.constant 4.000000e+00 : f32
      %parallel_loop3A_1423 = vector.broadcast %parallel_loop3A_1422 : f32 to vector<16xf32>
      %parallel_loop3A_1424 = arith.minimumf %parallel_loop3A_1421, %parallel_loop3A_1423 : vector<16xf32>
      %parallel_loop3A_1425 = arith.constant 5.000000e-01 : f32
      %parallel_loop3A_1426 = vector.broadcast %parallel_loop3A_1425 : f32 to vector<16xf32>
      %parallel_loop3A_1427 = arith.mulf %parallel_loop3A_1424, %parallel_loop3A_1426 : vector<16xf32>
      %parallel_loop3A_1428 = arith.constant 5.000000e+00 : f32
      %parallel_loop3A_1429 = vector.broadcast %parallel_loop3A_1428 : f32 to vector<16xf32>
      %parallel_loop3A_1430 = arith.cmpf olt, %parallel_loop3A_1414, %parallel_loop3A_1429 : vector<16xf32>
      %parallel_loop3A_1431 = arith.constant 4.000000e+00 : f32
      %parallel_loop3A_1432 = vector.broadcast %parallel_loop3A_1431 : f32 to vector<16xf32>
      %parallel_loop3A_1433 = arith.minimumf %parallel_loop3A_1414, %parallel_loop3A_1432 : vector<16xf32>
      %parallel_loop3A_1434 = arith.constant 0x4B400000 : f32
      %parallel_loop3A_1435 = vector.broadcast %parallel_loop3A_1434 : f32 to vector<16xf32>
      %parallel_loop3A_1436 = arith.addf %parallel_loop3A_1433, %parallel_loop3A_1435 : vector<16xf32>
      %parallel_loop3A_1437 = arith.constant 0x4B400000 : f32
      %parallel_loop3A_1438 = vector.broadcast %parallel_loop3A_1437 : f32 to vector<16xf32>
      %parallel_loop3A_1439 = arith.subf %parallel_loop3A_1436, %parallel_loop3A_1438 : vector<16xf32>
      %parallel_loop3A_1440 = arith.constant 6.000000e+00 : f32
      %parallel_loop3A_1441 = vector.broadcast %parallel_loop3A_1440 : f32 to vector<16xf32>
      %parallel_loop3A_1442 = arith.select %parallel_loop3A_1430, %parallel_loop3A_1439, %parallel_loop3A_1441 : vector<16xi1>, vector<16xf32>
      %parallel_loop3A_1443 = arith.constant 2.500000e+00 : f32
      %parallel_loop3A_1444 = vector.broadcast %parallel_loop3A_1443 : f32 to vector<16xf32>
      %parallel_loop3A_1445 = arith.cmpf olt, %parallel_loop3A_1414, %parallel_loop3A_1444 : vector<16xf32>
      %parallel_loop3A_1446 = arith.select %parallel_loop3A_1445, %parallel_loop3A_1427, %parallel_loop3A_1442 : vector<16xi1>, vector<16xf32>
      %parallel_loop3A_1447 = arith.mulf %parallel_loop3A_1446, %parallel_loop3A_1348 : vector<16xf32>
      %parallel_loop3A_1448 = arith.constant 0.000000e+00 : f32
      %parallel_loop3A_1449 = vector.broadcast %parallel_loop3A_1448 : f32 to vector<16xf32>
      %parallel_loop3A_1450 = arith.cmpf olt, %parallel_loop3A_1412, %parallel_loop3A_1449 : vector<16xf32>
      %parallel_loop3A_1451 = arith.constant 0.000000e+00 : f32
      %parallel_loop3A_1452 = vector.broadcast %parallel_loop3A_1451 : f32 to vector<16xf32>
      %parallel_loop3A_1453 = arith.subf %parallel_loop3A_1452, %parallel_loop3A_1447 : vector<16xf32>
      %parallel_loop3A_1454 = arith.select %parallel_loop3A_1450, %parallel_loop3A_1453, %parallel_loop3A_1447 : vector<16xi1>, vector<16xf32>
      %parallel_loop3A_1455 = arith.constant 0 : i32
      %parallel_loop3A_1456 = arith.constant 1 : i32
      %parallel_loop3A_1457 = arith.index_cast %parallel_loop3A_1455 : i32 to index
      %parallel_loop3A_1458 = arith.index_cast %parallel_loop3A_1456 : i32 to index
      %parallel_loop3A_1459 = arith.index_cast %parallel_loop3A_1342 : i32 to index
      %parallel_loop3A_1460 = tpu.vector_load %arg8[%parallel_loop3A_1457, %parallel_loop3A_1458, %parallel_loop3A_1459] {strides = array<i32>} : memref<2x8x2048xf32, #tpu.memory_space<vmem>>, vector<1x1x16xf32>,
      %parallel_loop3A_1461 = vector.shape_cast %parallel_loop3A_1460 : vector<1x1x16xf32> to vector<16xf32>
      %parallel_loop3A_1462 = vector.shape_cast %parallel_loop3A_1454 : vector<16xf32> to vector<1x1x16xf32>
      tpu.vector_store %arg8[%parallel_loop3A_1457, %parallel_loop3A_1458, %parallel_loop3A_1459], %parallel_loop3A_1462 {strides = array<i32>} : memref<2x8x2048xf32, #tpu.memory_space<vmem>>, vector<1x1x16xf32>,
      %parallel_loop3A_1463 = arith.constant 0 : i32
      %parallel_loop3A_1464 = arith.constant 2 : i32
      %parallel_loop3A_1465 = arith.index_cast %parallel_loop3A_1463 : i32 to index
      %parallel_loop3A_1466 = arith.index_cast %parallel_loop3A_1464 : i32 to index
      %parallel_loop3A_1467 = arith.index_cast %parallel_loop3A_1342 : i32 to index
      %parallel_loop3A_1468 = tpu.vector_load %arg7[%parallel_loop3A_1465, %parallel_loop3A_1466, %parallel_loop3A_1467] {strides = array<i32>} : memref<2x8x2048xf32, #tpu.memory_space<vmem>>, vector<1x1x16xf32>,
      %parallel_loop3A_1469 = vector.shape_cast %parallel_loop3A_1468 : vector<1x1x16xf32> to vector<16xf32>
      %parallel_loop3A_1470 = math.absf %parallel_loop3A_1469 : vector<16xf32>
      %parallel_loop3A_1471 = arith.mulf %parallel_loop3A_1470, %parallel_loop3A_1345 : vector<16xf32>
      %parallel_loop3A_1472 = arith.addf %parallel_loop3A_1471, %parallel_loop3A_1471 : vector<16xf32>
      %parallel_loop3A_1473 = arith.constant 0x4B400000 : f32
      %parallel_loop3A_1474 = vector.broadcast %parallel_loop3A_1473 : f32 to vector<16xf32>
      %parallel_loop3A_1475 = arith.addf %parallel_loop3A_1472, %parallel_loop3A_1474 : vector<16xf32>
      %parallel_loop3A_1476 = arith.constant 0x4B400000 : f32
      %parallel_loop3A_1477 = vector.broadcast %parallel_loop3A_1476 : f32 to vector<16xf32>
      %parallel_loop3A_1478 = arith.subf %parallel_loop3A_1475, %parallel_loop3A_1477 : vector<16xf32>
      %parallel_loop3A_1479 = arith.constant 4.000000e+00 : f32
      %parallel_loop3A_1480 = vector.broadcast %parallel_loop3A_1479 : f32 to vector<16xf32>
      %parallel_loop3A_1481 = arith.minimumf %parallel_loop3A_1478, %parallel_loop3A_1480 : vector<16xf32>
      %parallel_loop3A_1482 = arith.constant 5.000000e-01 : f32
      %parallel_loop3A_1483 = vector.broadcast %parallel_loop3A_1482 : f32 to vector<16xf32>
      %parallel_loop3A_1484 = arith.mulf %parallel_loop3A_1481, %parallel_loop3A_1483 : vector<16xf32>
      %parallel_loop3A_1485 = arith.constant 5.000000e+00 : f32
      %parallel_loop3A_1486 = vector.broadcast %parallel_loop3A_1485 : f32 to vector<16xf32>
      %parallel_loop3A_1487 = arith.cmpf olt, %parallel_loop3A_1471, %parallel_loop3A_1486 : vector<16xf32>
      %parallel_loop3A_1488 = arith.constant 4.000000e+00 : f32
      %parallel_loop3A_1489 = vector.broadcast %parallel_loop3A_1488 : f32 to vector<16xf32>
      %parallel_loop3A_1490 = arith.minimumf %parallel_loop3A_1471, %parallel_loop3A_1489 : vector<16xf32>
      %parallel_loop3A_1491 = arith.constant 0x4B400000 : f32
      %parallel_loop3A_1492 = vector.broadcast %parallel_loop3A_1491 : f32 to vector<16xf32>
      %parallel_loop3A_1493 = arith.addf %parallel_loop3A_1490, %parallel_loop3A_1492 : vector<16xf32>
      %parallel_loop3A_1494 = arith.constant 0x4B400000 : f32
      %parallel_loop3A_1495 = vector.broadcast %parallel_loop3A_1494 : f32 to vector<16xf32>
      %parallel_loop3A_1496 = arith.subf %parallel_loop3A_1493, %parallel_loop3A_1495 : vector<16xf32>
      %parallel_loop3A_1497 = arith.constant 6.000000e+00 : f32
      %parallel_loop3A_1498 = vector.broadcast %parallel_loop3A_1497 : f32 to vector<16xf32>
      %parallel_loop3A_1499 = arith.select %parallel_loop3A_1487, %parallel_loop3A_1496, %parallel_loop3A_1498 : vector<16xi1>, vector<16xf32>
      %parallel_loop3A_1500 = arith.constant 2.500000e+00 : f32
      %parallel_loop3A_1501 = vector.broadcast %parallel_loop3A_1500 : f32 to vector<16xf32>
      %parallel_loop3A_1502 = arith.cmpf olt, %parallel_loop3A_1471, %parallel_loop3A_1501 : vector<16xf32>
      %parallel_loop3A_1503 = arith.select %parallel_loop3A_1502, %parallel_loop3A_1484, %parallel_loop3A_1499 : vector<16xi1>, vector<16xf32>
      %parallel_loop3A_1504 = arith.mulf %parallel_loop3A_1503, %parallel_loop3A_1348 : vector<16xf32>
      %parallel_loop3A_1505 = arith.constant 0.000000e+00 : f32
      %parallel_loop3A_1506 = vector.broadcast %parallel_loop3A_1505 : f32 to vector<16xf32>
      %parallel_loop3A_1507 = arith.cmpf olt, %parallel_loop3A_1469, %parallel_loop3A_1506 : vector<16xf32>
      %parallel_loop3A_1508 = arith.constant 0.000000e+00 : f32
      %parallel_loop3A_1509 = vector.broadcast %parallel_loop3A_1508 : f32 to vector<16xf32>
      %parallel_loop3A_1510 = arith.subf %parallel_loop3A_1509, %parallel_loop3A_1504 : vector<16xf32>
      %parallel_loop3A_1511 = arith.select %parallel_loop3A_1507, %parallel_loop3A_1510, %parallel_loop3A_1504 : vector<16xi1>, vector<16xf32>
      %parallel_loop3A_1512 = arith.constant 0 : i32
      %parallel_loop3A_1513 = arith.constant 2 : i32
      %parallel_loop3A_1514 = arith.index_cast %parallel_loop3A_1512 : i32 to index
      %parallel_loop3A_1515 = arith.index_cast %parallel_loop3A_1513 : i32 to index
      %parallel_loop3A_1516 = arith.index_cast %parallel_loop3A_1342 : i32 to index
      %parallel_loop3A_1517 = tpu.vector_load %arg8[%parallel_loop3A_1514, %parallel_loop3A_1515, %parallel_loop3A_1516] {strides = array<i32>} : memref<2x8x2048xf32, #tpu.memory_space<vmem>>, vector<1x1x16xf32>,
      %parallel_loop3A_1518 = vector.shape_cast %parallel_loop3A_1517 : vector<1x1x16xf32> to vector<16xf32>
      %parallel_loop3A_1519 = vector.shape_cast %parallel_loop3A_1511 : vector<16xf32> to vector<1x1x16xf32>
      tpu.vector_store %arg8[%parallel_loop3A_1514, %parallel_loop3A_1515, %parallel_loop3A_1516], %parallel_loop3A_1519 {strides = array<i32>} : memref<2x8x2048xf32, #tpu.memory_space<vmem>>, vector<1x1x16xf32>,
      %parallel_loop3A_1520 = arith.constant 0 : i32
      %parallel_loop3A_1521 = arith.constant 3 : i32
      %parallel_loop3A_1522 = arith.index_cast %parallel_loop3A_1520 : i32 to index
      %parallel_loop3A_1523 = arith.index_cast %parallel_loop3A_1521 : i32 to index
      %parallel_loop3A_1524 = arith.index_cast %parallel_loop3A_1342 : i32 to index
      %parallel_loop3A_1525 = tpu.vector_load %arg7[%parallel_loop3A_1522, %parallel_loop3A_1523, %parallel_loop3A_1524] {strides = array<i32>} : memref<2x8x2048xf32, #tpu.memory_space<vmem>>, vector<1x1x16xf32>,
      %parallel_loop3A_1526 = vector.shape_cast %parallel_loop3A_1525 : vector<1x1x16xf32> to vector<16xf32>
      %parallel_loop3A_1527 = math.absf %parallel_loop3A_1526 : vector<16xf32>
      %parallel_loop3A_1528 = arith.mulf %parallel_loop3A_1527, %parallel_loop3A_1345 : vector<16xf32>
      %parallel_loop3A_1529 = arith.addf %parallel_loop3A_1528, %parallel_loop3A_1528 : vector<16xf32>
      %parallel_loop3A_1530 = arith.constant 0x4B400000 : f32
      %parallel_loop3A_1531 = vector.broadcast %parallel_loop3A_1530 : f32 to vector<16xf32>
      %parallel_loop3A_1532 = arith.addf %parallel_loop3A_1529, %parallel_loop3A_1531 : vector<16xf32>
      %parallel_loop3A_1533 = arith.constant 0x4B400000 : f32
      %parallel_loop3A_1534 = vector.broadcast %parallel_loop3A_1533 : f32 to vector<16xf32>
      %parallel_loop3A_1535 = arith.subf %parallel_loop3A_1532, %parallel_loop3A_1534 : vector<16xf32>
      %parallel_loop3A_1536 = arith.constant 4.000000e+00 : f32
      %parallel_loop3A_1537 = vector.broadcast %parallel_loop3A_1536 : f32 to vector<16xf32>
      %parallel_loop3A_1538 = arith.minimumf %parallel_loop3A_1535, %parallel_loop3A_1537 : vector<16xf32>
      %parallel_loop3A_1539 = arith.constant 5.000000e-01 : f32
      %parallel_loop3A_1540 = vector.broadcast %parallel_loop3A_1539 : f32 to vector<16xf32>
      %parallel_loop3A_1541 = arith.mulf %parallel_loop3A_1538, %parallel_loop3A_1540 : vector<16xf32>
      %parallel_loop3A_1542 = arith.constant 5.000000e+00 : f32
      %parallel_loop3A_1543 = vector.broadcast %parallel_loop3A_1542 : f32 to vector<16xf32>
      %parallel_loop3A_1544 = arith.cmpf olt, %parallel_loop3A_1528, %parallel_loop3A_1543 : vector<16xf32>
      %parallel_loop3A_1545 = arith.constant 4.000000e+00 : f32
      %parallel_loop3A_1546 = vector.broadcast %parallel_loop3A_1545 : f32 to vector<16xf32>
      %parallel_loop3A_1547 = arith.minimumf %parallel_loop3A_1528, %parallel_loop3A_1546 : vector<16xf32>
      %parallel_loop3A_1548 = arith.constant 0x4B400000 : f32
      %parallel_loop3A_1549 = vector.broadcast %parallel_loop3A_1548 : f32 to vector<16xf32>
      %parallel_loop3A_1550 = arith.addf %parallel_loop3A_1547, %parallel_loop3A_1549 : vector<16xf32>
      %parallel_loop3A_1551 = arith.constant 0x4B400000 : f32
      %parallel_loop3A_1552 = vector.broadcast %parallel_loop3A_1551 : f32 to vector<16xf32>
      %parallel_loop3A_1553 = arith.subf %parallel_loop3A_1550, %parallel_loop3A_1552 : vector<16xf32>
      %parallel_loop3A_1554 = arith.constant 6.000000e+00 : f32
      %parallel_loop3A_1555 = vector.broadcast %parallel_loop3A_1554 : f32 to vector<16xf32>
      %parallel_loop3A_1556 = arith.select %parallel_loop3A_1544, %parallel_loop3A_1553, %parallel_loop3A_1555 : vector<16xi1>, vector<16xf32>
      %parallel_loop3A_1557 = arith.constant 2.500000e+00 : f32
      %parallel_loop3A_1558 = vector.broadcast %parallel_loop3A_1557 : f32 to vector<16xf32>
      %parallel_loop3A_1559 = arith.cmpf olt, %parallel_loop3A_1528, %parallel_loop3A_1558 : vector<16xf32>
      %parallel_loop3A_1560 = arith.select %parallel_loop3A_1559, %parallel_loop3A_1541, %parallel_loop3A_1556 : vector<16xi1>, vector<16xf32>
      %parallel_loop3A_1561 = arith.mulf %parallel_loop3A_1560, %parallel_loop3A_1348 : vector<16xf32>
      %parallel_loop3A_1562 = arith.constant 0.000000e+00 : f32
      %parallel_loop3A_1563 = vector.broadcast %parallel_loop3A_1562 : f32 to vector<16xf32>
      %parallel_loop3A_1564 = arith.cmpf olt, %parallel_loop3A_1526, %parallel_loop3A_1563 : vector<16xf32>
      %parallel_loop3A_1565 = arith.constant 0.000000e+00 : f32
      %parallel_loop3A_1566 = vector.broadcast %parallel_loop3A_1565 : f32 to vector<16xf32>
      %parallel_loop3A_1567 = arith.subf %parallel_loop3A_1566, %parallel_loop3A_1561 : vector<16xf32>
      %parallel_loop3A_1568 = arith.select %parallel_loop3A_1564, %parallel_loop3A_1567, %parallel_loop3A_1561 : vector<16xi1>, vector<16xf32>
      %parallel_loop3A_1569 = arith.constant 0 : i32
      %parallel_loop3A_1570 = arith.constant 3 : i32
      %parallel_loop3A_1571 = arith.index_cast %parallel_loop3A_1569 : i32 to index
      %parallel_loop3A_1572 = arith.index_cast %parallel_loop3A_1570 : i32 to index
      %parallel_loop3A_1573 = arith.index_cast %parallel_loop3A_1342 : i32 to index
      %parallel_loop3A_1574 = tpu.vector_load %arg8[%parallel_loop3A_1571, %parallel_loop3A_1572, %parallel_loop3A_1573] {strides = array<i32>} : memref<2x8x2048xf32, #tpu.memory_space<vmem>>, vector<1x1x16xf32>,
      %parallel_loop3A_1575 = vector.shape_cast %parallel_loop3A_1574 : vector<1x1x16xf32> to vector<16xf32>
      %parallel_loop3A_1576 = vector.shape_cast %parallel_loop3A_1568 : vector<16xf32> to vector<1x1x16xf32>
      tpu.vector_store %arg8[%parallel_loop3A_1571, %parallel_loop3A_1572, %parallel_loop3A_1573], %parallel_loop3A_1576 {strides = array<i32>} : memref<2x8x2048xf32, #tpu.memory_space<vmem>>, vector<1x1x16xf32>,
      %parallel_loop3A_1577 = arith.constant 0 : i32
      %parallel_loop3A_1578 = arith.constant 4 : i32
      %parallel_loop3A_1579 = arith.index_cast %parallel_loop3A_1577 : i32 to index
      %parallel_loop3A_1580 = arith.index_cast %parallel_loop3A_1578 : i32 to index
      %parallel_loop3A_1581 = arith.index_cast %parallel_loop3A_1342 : i32 to index
      %parallel_loop3A_1582 = tpu.vector_load %arg7[%parallel_loop3A_1579, %parallel_loop3A_1580, %parallel_loop3A_1581] {strides = array<i32>} : memref<2x8x2048xf32, #tpu.memory_space<vmem>>, vector<1x1x16xf32>,
      %parallel_loop3A_1583 = vector.shape_cast %parallel_loop3A_1582 : vector<1x1x16xf32> to vector<16xf32>
      %parallel_loop3A_1584 = math.absf %parallel_loop3A_1583 : vector<16xf32>
      %parallel_loop3A_1585 = arith.mulf %parallel_loop3A_1584, %parallel_loop3A_1345 : vector<16xf32>
      %parallel_loop3A_1586 = arith.addf %parallel_loop3A_1585, %parallel_loop3A_1585 : vector<16xf32>
      %parallel_loop3A_1587 = arith.constant 0x4B400000 : f32
      %parallel_loop3A_1588 = vector.broadcast %parallel_loop3A_1587 : f32 to vector<16xf32>
      %parallel_loop3A_1589 = arith.addf %parallel_loop3A_1586, %parallel_loop3A_1588 : vector<16xf32>
      %parallel_loop3A_1590 = arith.constant 0x4B400000 : f32
      %parallel_loop3A_1591 = vector.broadcast %parallel_loop3A_1590 : f32 to vector<16xf32>
      %parallel_loop3A_1592 = arith.subf %parallel_loop3A_1589, %parallel_loop3A_1591 : vector<16xf32>
      %parallel_loop3A_1593 = arith.constant 4.000000e+00 : f32
      %parallel_loop3A_1594 = vector.broadcast %parallel_loop3A_1593 : f32 to vector<16xf32>
      %parallel_loop3A_1595 = arith.minimumf %parallel_loop3A_1592, %parallel_loop3A_1594 : vector<16xf32>
      %parallel_loop3A_1596 = arith.constant 5.000000e-01 : f32
      %parallel_loop3A_1597 = vector.broadcast %parallel_loop3A_1596 : f32 to vector<16xf32>
      %parallel_loop3A_1598 = arith.mulf %parallel_loop3A_1595, %parallel_loop3A_1597 : vector<16xf32>
      %parallel_loop3A_1599 = arith.constant 5.000000e+00 : f32
      %parallel_loop3A_1600 = vector.broadcast %parallel_loop3A_1599 : f32 to vector<16xf32>
      %parallel_loop3A_1601 = arith.cmpf olt, %parallel_loop3A_1585, %parallel_loop3A_1600 : vector<16xf32>
      %parallel_loop3A_1602 = arith.constant 4.000000e+00 : f32
      %parallel_loop3A_1603 = vector.broadcast %parallel_loop3A_1602 : f32 to vector<16xf32>
      %parallel_loop3A_1604 = arith.minimumf %parallel_loop3A_1585, %parallel_loop3A_1603 : vector<16xf32>
      %parallel_loop3A_1605 = arith.constant 0x4B400000 : f32
      %parallel_loop3A_1606 = vector.broadcast %parallel_loop3A_1605 : f32 to vector<16xf32>
      %parallel_loop3A_1607 = arith.addf %parallel_loop3A_1604, %parallel_loop3A_1606 : vector<16xf32>
      %parallel_loop3A_1608 = arith.constant 0x4B400000 : f32
      %parallel_loop3A_1609 = vector.broadcast %parallel_loop3A_1608 : f32 to vector<16xf32>
      %parallel_loop3A_1610 = arith.subf %parallel_loop3A_1607, %parallel_loop3A_1609 : vector<16xf32>
      %parallel_loop3A_1611 = arith.constant 6.000000e+00 : f32
      %parallel_loop3A_1612 = vector.broadcast %parallel_loop3A_1611 : f32 to vector<16xf32>
      %parallel_loop3A_1613 = arith.select %parallel_loop3A_1601, %parallel_loop3A_1610, %parallel_loop3A_1612 : vector<16xi1>, vector<16xf32>
      %parallel_loop3A_1614 = arith.constant 2.500000e+00 : f32
      %parallel_loop3A_1615 = vector.broadcast %parallel_loop3A_1614 : f32 to vector<16xf32>
      %parallel_loop3A_1616 = arith.cmpf olt, %parallel_loop3A_1585, %parallel_loop3A_1615 : vector<16xf32>
      %parallel_loop3A_1617 = arith.select %parallel_loop3A_1616, %parallel_loop3A_1598, %parallel_loop3A_1613 : vector<16xi1>, vector<16xf32>
      %parallel_loop3A_1618 = arith.mulf %parallel_loop3A_1617, %parallel_loop3A_1348 : vector<16xf32>
      %parallel_loop3A_1619 = arith.constant 0.000000e+00 : f32
      %parallel_loop3A_1620 = vector.broadcast %parallel_loop3A_1619 : f32 to vector<16xf32>
      %parallel_loop3A_1621 = arith.cmpf olt, %parallel_loop3A_1583, %parallel_loop3A_1620 : vector<16xf32>
      %parallel_loop3A_1622 = arith.constant 0.000000e+00 : f32
      %parallel_loop3A_1623 = vector.broadcast %parallel_loop3A_1622 : f32 to vector<16xf32>
      %parallel_loop3A_1624 = arith.subf %parallel_loop3A_1623, %parallel_loop3A_1618 : vector<16xf32>
      %parallel_loop3A_1625 = arith.select %parallel_loop3A_1621, %parallel_loop3A_1624, %parallel_loop3A_1618 : vector<16xi1>, vector<16xf32>
      %parallel_loop3A_1626 = arith.constant 0 : i32
      %parallel_loop3A_1627 = arith.constant 4 : i32
      %parallel_loop3A_1628 = arith.index_cast %parallel_loop3A_1626 : i32 to index
      %parallel_loop3A_1629 = arith.index_cast %parallel_loop3A_1627 : i32 to index
      %parallel_loop3A_1630 = arith.index_cast %parallel_loop3A_1342 : i32 to index
      %parallel_loop3A_1631 = tpu.vector_load %arg8[%parallel_loop3A_1628, %parallel_loop3A_1629, %parallel_loop3A_1630] {strides = array<i32>} : memref<2x8x2048xf32, #tpu.memory_space<vmem>>, vector<1x1x16xf32>,
      %parallel_loop3A_1632 = vector.shape_cast %parallel_loop3A_1631 : vector<1x1x16xf32> to vector<16xf32>
      %parallel_loop3A_1633 = vector.shape_cast %parallel_loop3A_1625 : vector<16xf32> to vector<1x1x16xf32>
      tpu.vector_store %arg8[%parallel_loop3A_1628, %parallel_loop3A_1629, %parallel_loop3A_1630], %parallel_loop3A_1633 {strides = array<i32>} : memref<2x8x2048xf32, #tpu.memory_space<vmem>>, vector<1x1x16xf32>,
      %parallel_loop3A_1634 = arith.constant 0 : i32
      %parallel_loop3A_1635 = arith.constant 5 : i32
      %parallel_loop3A_1636 = arith.index_cast %parallel_loop3A_1634 : i32 to index
      %parallel_loop3A_1637 = arith.index_cast %parallel_loop3A_1635 : i32 to index
      %parallel_loop3A_1638 = arith.index_cast %parallel_loop3A_1342 : i32 to index
      %parallel_loop3A_1639 = tpu.vector_load %arg7[%parallel_loop3A_1636, %parallel_loop3A_1637, %parallel_loop3A_1638] {strides = array<i32>} : memref<2x8x2048xf32, #tpu.memory_space<vmem>>, vector<1x1x16xf32>,
      %parallel_loop3A_1640 = vector.shape_cast %parallel_loop3A_1639 : vector<1x1x16xf32> to vector<16xf32>
      %parallel_loop3A_1641 = math.absf %parallel_loop3A_1640 : vector<16xf32>
      %parallel_loop3A_1642 = arith.mulf %parallel_loop3A_1641, %parallel_loop3A_1345 : vector<16xf32>
      %parallel_loop3A_1643 = arith.addf %parallel_loop3A_1642, %parallel_loop3A_1642 : vector<16xf32>
      %parallel_loop3A_1644 = arith.constant 0x4B400000 : f32
      %parallel_loop3A_1645 = vector.broadcast %parallel_loop3A_1644 : f32 to vector<16xf32>
      %parallel_loop3A_1646 = arith.addf %parallel_loop3A_1643, %parallel_loop3A_1645 : vector<16xf32>
      %parallel_loop3A_1647 = arith.constant 0x4B400000 : f32
      %parallel_loop3A_1648 = vector.broadcast %parallel_loop3A_1647 : f32 to vector<16xf32>
      %parallel_loop3A_1649 = arith.subf %parallel_loop3A_1646, %parallel_loop3A_1648 : vector<16xf32>
      %parallel_loop3A_1650 = arith.constant 4.000000e+00 : f32
      %parallel_loop3A_1651 = vector.broadcast %parallel_loop3A_1650 : f32 to vector<16xf32>
      %parallel_loop3A_1652 = arith.minimumf %parallel_loop3A_1649, %parallel_loop3A_1651 : vector<16xf32>
      %parallel_loop3A_1653 = arith.constant 5.000000e-01 : f32
      %parallel_loop3A_1654 = vector.broadcast %parallel_loop3A_1653 : f32 to vector<16xf32>
      %parallel_loop3A_1655 = arith.mulf %parallel_loop3A_1652, %parallel_loop3A_1654 : vector<16xf32>
      %parallel_loop3A_1656 = arith.constant 5.000000e+00 : f32
      %parallel_loop3A_1657 = vector.broadcast %parallel_loop3A_1656 : f32 to vector<16xf32>
      %parallel_loop3A_1658 = arith.cmpf olt, %parallel_loop3A_1642, %parallel_loop3A_1657 : vector<16xf32>
      %parallel_loop3A_1659 = arith.constant 4.000000e+00 : f32
      %parallel_loop3A_1660 = vector.broadcast %parallel_loop3A_1659 : f32 to vector<16xf32>
      %parallel_loop3A_1661 = arith.minimumf %parallel_loop3A_1642, %parallel_loop3A_1660 : vector<16xf32>
      %parallel_loop3A_1662 = arith.constant 0x4B400000 : f32
      %parallel_loop3A_1663 = vector.broadcast %parallel_loop3A_1662 : f32 to vector<16xf32>
      %parallel_loop3A_1664 = arith.addf %parallel_loop3A_1661, %parallel_loop3A_1663 : vector<16xf32>
      %parallel_loop3A_1665 = arith.constant 0x4B400000 : f32
      %parallel_loop3A_1666 = vector.broadcast %parallel_loop3A_1665 : f32 to vector<16xf32>
      %parallel_loop3A_1667 = arith.subf %parallel_loop3A_1664, %parallel_loop3A_1666 : vector<16xf32>
      %parallel_loop3A_1668 = arith.constant 6.000000e+00 : f32
      %parallel_loop3A_1669 = vector.broadcast %parallel_loop3A_1668 : f32 to vector<16xf32>
      %parallel_loop3A_1670 = arith.select %parallel_loop3A_1658, %parallel_loop3A_1667, %parallel_loop3A_1669 : vector<16xi1>, vector<16xf32>
      %parallel_loop3A_1671 = arith.constant 2.500000e+00 : f32
      %parallel_loop3A_1672 = vector.broadcast %parallel_loop3A_1671 : f32 to vector<16xf32>
      %parallel_loop3A_1673 = arith.cmpf olt, %parallel_loop3A_1642, %parallel_loop3A_1672 : vector<16xf32>
      %parallel_loop3A_1674 = arith.select %parallel_loop3A_1673, %parallel_loop3A_1655, %parallel_loop3A_1670 : vector<16xi1>, vector<16xf32>
      %parallel_loop3A_1675 = arith.mulf %parallel_loop3A_1674, %parallel_loop3A_1348 : vector<16xf32>
      %parallel_loop3A_1676 = arith.constant 0.000000e+00 : f32
      %parallel_loop3A_1677 = vector.broadcast %parallel_loop3A_1676 : f32 to vector<16xf32>
      %parallel_loop3A_1678 = arith.cmpf olt, %parallel_loop3A_1640, %parallel_loop3A_1677 : vector<16xf32>
      %parallel_loop3A_1679 = arith.constant 0.000000e+00 : f32
      %parallel_loop3A_1680 = vector.broadcast %parallel_loop3A_1679 : f32 to vector<16xf32>
      %parallel_loop3A_1681 = arith.subf %parallel_loop3A_1680, %parallel_loop3A_1675 : vector<16xf32>
      %parallel_loop3A_1682 = arith.select %parallel_loop3A_1678, %parallel_loop3A_1681, %parallel_loop3A_1675 : vector<16xi1>, vector<16xf32>
      %parallel_loop3A_1683 = arith.constant 0 : i32
      %parallel_loop3A_1684 = arith.constant 5 : i32
      %parallel_loop3A_1685 = arith.index_cast %parallel_loop3A_1683 : i32 to index
      %parallel_loop3A_1686 = arith.index_cast %parallel_loop3A_1684 : i32 to index
      %parallel_loop3A_1687 = arith.index_cast %parallel_loop3A_1342 : i32 to index
      %parallel_loop3A_1688 = tpu.vector_load %arg8[%parallel_loop3A_1685, %parallel_loop3A_1686, %parallel_loop3A_1687] {strides = array<i32>} : memref<2x8x2048xf32, #tpu.memory_space<vmem>>, vector<1x1x16xf32>,
      %parallel_loop3A_1689 = vector.shape_cast %parallel_loop3A_1688 : vector<1x1x16xf32> to vector<16xf32>
      %parallel_loop3A_1690 = vector.shape_cast %parallel_loop3A_1682 : vector<16xf32> to vector<1x1x16xf32>
      tpu.vector_store %arg8[%parallel_loop3A_1685, %parallel_loop3A_1686, %parallel_loop3A_1687], %parallel_loop3A_1690 {strides = array<i32>} : memref<2x8x2048xf32, #tpu.memory_space<vmem>>, vector<1x1x16xf32>,
      %parallel_loop3A_1691 = arith.constant 0 : i32
      %parallel_loop3A_1692 = arith.constant 6 : i32
      %parallel_loop3A_1693 = arith.index_cast %parallel_loop3A_1691 : i32 to index
      %parallel_loop3A_1694 = arith.index_cast %parallel_loop3A_1692 : i32 to index
      %parallel_loop3A_1695 = arith.index_cast %parallel_loop3A_1342 : i32 to index
      %parallel_loop3A_1696 = tpu.vector_load %arg7[%parallel_loop3A_1693, %parallel_loop3A_1694, %parallel_loop3A_1695] {strides = array<i32>} : memref<2x8x2048xf32, #tpu.memory_space<vmem>>, vector<1x1x16xf32>,
      %parallel_loop3A_1697 = vector.shape_cast %parallel_loop3A_1696 : vector<1x1x16xf32> to vector<16xf32>
      %parallel_loop3A_1698 = math.absf %parallel_loop3A_1697 : vector<16xf32>
      %parallel_loop3A_1699 = arith.mulf %parallel_loop3A_1698, %parallel_loop3A_1345 : vector<16xf32>
      %parallel_loop3A_1700 = arith.addf %parallel_loop3A_1699, %parallel_loop3A_1699 : vector<16xf32>
      %parallel_loop3A_1701 = arith.constant 0x4B400000 : f32
      %parallel_loop3A_1702 = vector.broadcast %parallel_loop3A_1701 : f32 to vector<16xf32>
      %parallel_loop3A_1703 = arith.addf %parallel_loop3A_1700, %parallel_loop3A_1702 : vector<16xf32>
      %parallel_loop3A_1704 = arith.constant 0x4B400000 : f32
      %parallel_loop3A_1705 = vector.broadcast %parallel_loop3A_1704 : f32 to vector<16xf32>
      %parallel_loop3A_1706 = arith.subf %parallel_loop3A_1703, %parallel_loop3A_1705 : vector<16xf32>
      %parallel_loop3A_1707 = arith.constant 4.000000e+00 : f32
      %parallel_loop3A_1708 = vector.broadcast %parallel_loop3A_1707 : f32 to vector<16xf32>
      %parallel_loop3A_1709 = arith.minimumf %parallel_loop3A_1706, %parallel_loop3A_1708 : vector<16xf32>
      %parallel_loop3A_1710 = arith.constant 5.000000e-01 : f32
      %parallel_loop3A_1711 = vector.broadcast %parallel_loop3A_1710 : f32 to vector<16xf32>
      %parallel_loop3A_1712 = arith.mulf %parallel_loop3A_1709, %parallel_loop3A_1711 : vector<16xf32>
      %parallel_loop3A_1713 = arith.constant 5.000000e+00 : f32
      %parallel_loop3A_1714 = vector.broadcast %parallel_loop3A_1713 : f32 to vector<16xf32>
      %parallel_loop3A_1715 = arith.cmpf olt, %parallel_loop3A_1699, %parallel_loop3A_1714 : vector<16xf32>
      %parallel_loop3A_1716 = arith.constant 4.000000e+00 : f32
      %parallel_loop3A_1717 = vector.broadcast %parallel_loop3A_1716 : f32 to vector<16xf32>
      %parallel_loop3A_1718 = arith.minimumf %parallel_loop3A_1699, %parallel_loop3A_1717 : vector<16xf32>
      %parallel_loop3A_1719 = arith.constant 0x4B400000 : f32
      %parallel_loop3A_1720 = vector.broadcast %parallel_loop3A_1719 : f32 to vector<16xf32>
      %parallel_loop3A_1721 = arith.addf %parallel_loop3A_1718, %parallel_loop3A_1720 : vector<16xf32>
      %parallel_loop3A_1722 = arith.constant 0x4B400000 : f32
      %parallel_loop3A_1723 = vector.broadcast %parallel_loop3A_1722 : f32 to vector<16xf32>
      %parallel_loop3A_1724 = arith.subf %parallel_loop3A_1721, %parallel_loop3A_1723 : vector<16xf32>
      %parallel_loop3A_1725 = arith.constant 6.000000e+00 : f32
      %parallel_loop3A_1726 = vector.broadcast %parallel_loop3A_1725 : f32 to vector<16xf32>
      %parallel_loop3A_1727 = arith.select %parallel_loop3A_1715, %parallel_loop3A_1724, %parallel_loop3A_1726 : vector<16xi1>, vector<16xf32>
      %parallel_loop3A_1728 = arith.constant 2.500000e+00 : f32
      %parallel_loop3A_1729 = vector.broadcast %parallel_loop3A_1728 : f32 to vector<16xf32>
      %parallel_loop3A_1730 = arith.cmpf olt, %parallel_loop3A_1699, %parallel_loop3A_1729 : vector<16xf32>
      %parallel_loop3A_1731 = arith.select %parallel_loop3A_1730, %parallel_loop3A_1712, %parallel_loop3A_1727 : vector<16xi1>, vector<16xf32>
      %parallel_loop3A_1732 = arith.mulf %parallel_loop3A_1731, %parallel_loop3A_1348 : vector<16xf32>
      %parallel_loop3A_1733 = arith.constant 0.000000e+00 : f32
      %parallel_loop3A_1734 = vector.broadcast %parallel_loop3A_1733 : f32 to vector<16xf32>
      %parallel_loop3A_1735 = arith.cmpf olt, %parallel_loop3A_1697, %parallel_loop3A_1734 : vector<16xf32>
      %parallel_loop3A_1736 = arith.constant 0.000000e+00 : f32
      %parallel_loop3A_1737 = vector.broadcast %parallel_loop3A_1736 : f32 to vector<16xf32>
      %parallel_loop3A_1738 = arith.subf %parallel_loop3A_1737, %parallel_loop3A_1732 : vector<16xf32>
      %parallel_loop3A_1739 = arith.select %parallel_loop3A_1735, %parallel_loop3A_1738, %parallel_loop3A_1732 : vector<16xi1>, vector<16xf32>
      %parallel_loop3A_1740 = arith.constant 0 : i32
      %parallel_loop3A_1741 = arith.constant 6 : i32
      %parallel_loop3A_1742 = arith.index_cast %parallel_loop3A_1740 : i32 to index
      %parallel_loop3A_1743 = arith.index_cast %parallel_loop3A_1741 : i32 to index
      %parallel_loop3A_1744 = arith.index_cast %parallel_loop3A_1342 : i32 to index
      %parallel_loop3A_1745 = tpu.vector_load %arg8[%parallel_loop3A_1742, %parallel_loop3A_1743, %parallel_loop3A_1744] {strides = array<i32>} : memref<2x8x2048xf32, #tpu.memory_space<vmem>>, vector<1x1x16xf32>,
      %parallel_loop3A_1746 = vector.shape_cast %parallel_loop3A_1745 : vector<1x1x16xf32> to vector<16xf32>
      %parallel_loop3A_1747 = vector.shape_cast %parallel_loop3A_1739 : vector<16xf32> to vector<1x1x16xf32>
      tpu.vector_store %arg8[%parallel_loop3A_1742, %parallel_loop3A_1743, %parallel_loop3A_1744], %parallel_loop3A_1747 {strides = array<i32>} : memref<2x8x2048xf32, #tpu.memory_space<vmem>>, vector<1x1x16xf32>,
      %parallel_loop3A_1748 = arith.constant 0 : i32
      %parallel_loop3A_1749 = arith.constant 7 : i32
      %parallel_loop3A_1750 = arith.index_cast %parallel_loop3A_1748 : i32 to index
      %parallel_loop3A_1751 = arith.index_cast %parallel_loop3A_1749 : i32 to index
      %parallel_loop3A_1752 = arith.index_cast %parallel_loop3A_1342 : i32 to index
      %parallel_loop3A_1753 = tpu.vector_load %arg7[%parallel_loop3A_1750, %parallel_loop3A_1751, %parallel_loop3A_1752] {strides = array<i32>} : memref<2x8x2048xf32, #tpu.memory_space<vmem>>, vector<1x1x16xf32>,
      %parallel_loop3A_1754 = vector.shape_cast %parallel_loop3A_1753 : vector<1x1x16xf32> to vector<16xf32>
      %parallel_loop3A_1755 = math.absf %parallel_loop3A_1754 : vector<16xf32>
      %parallel_loop3A_1756 = arith.mulf %parallel_loop3A_1755, %parallel_loop3A_1345 : vector<16xf32>
      %parallel_loop3A_1757 = arith.addf %parallel_loop3A_1756, %parallel_loop3A_1756 : vector<16xf32>
      %parallel_loop3A_1758 = arith.constant 0x4B400000 : f32
      %parallel_loop3A_1759 = vector.broadcast %parallel_loop3A_1758 : f32 to vector<16xf32>
      %parallel_loop3A_1760 = arith.addf %parallel_loop3A_1757, %parallel_loop3A_1759 : vector<16xf32>
      %parallel_loop3A_1761 = arith.constant 0x4B400000 : f32
      %parallel_loop3A_1762 = vector.broadcast %parallel_loop3A_1761 : f32 to vector<16xf32>
      %parallel_loop3A_1763 = arith.subf %parallel_loop3A_1760, %parallel_loop3A_1762 : vector<16xf32>
      %parallel_loop3A_1764 = arith.constant 4.000000e+00 : f32
      %parallel_loop3A_1765 = vector.broadcast %parallel_loop3A_1764 : f32 to vector<16xf32>
      %parallel_loop3A_1766 = arith.minimumf %parallel_loop3A_1763, %parallel_loop3A_1765 : vector<16xf32>
      %parallel_loop3A_1767 = arith.constant 5.000000e-01 : f32
      %parallel_loop3A_1768 = vector.broadcast %parallel_loop3A_1767 : f32 to vector<16xf32>
      %parallel_loop3A_1769 = arith.mulf %parallel_loop3A_1766, %parallel_loop3A_1768 : vector<16xf32>
      %parallel_loop3A_1770 = arith.constant 5.000000e+00 : f32
      %parallel_loop3A_1771 = vector.broadcast %parallel_loop3A_1770 : f32 to vector<16xf32>
      %parallel_loop3A_1772 = arith.cmpf olt, %parallel_loop3A_1756, %parallel_loop3A_1771 : vector<16xf32>
      %parallel_loop3A_1773 = arith.constant 4.000000e+00 : f32
      %parallel_loop3A_1774 = vector.broadcast %parallel_loop3A_1773 : f32 to vector<16xf32>
      %parallel_loop3A_1775 = arith.minimumf %parallel_loop3A_1756, %parallel_loop3A_1774 : vector<16xf32>
      %parallel_loop3A_1776 = arith.constant 0x4B400000 : f32
      %parallel_loop3A_1777 = vector.broadcast %parallel_loop3A_1776 : f32 to vector<16xf32>
      %parallel_loop3A_1778 = arith.addf %parallel_loop3A_1775, %parallel_loop3A_1777 : vector<16xf32>
      %parallel_loop3A_1779 = arith.constant 0x4B400000 : f32
      %parallel_loop3A_1780 = vector.broadcast %parallel_loop3A_1779 : f32 to vector<16xf32>
      %parallel_loop3A_1781 = arith.subf %parallel_loop3A_1778, %parallel_loop3A_1780 : vector<16xf32>
      %parallel_loop3A_1782 = arith.constant 6.000000e+00 : f32
      %parallel_loop3A_1783 = vector.broadcast %parallel_loop3A_1782 : f32 to vector<16xf32>
      %parallel_loop3A_1784 = arith.select %parallel_loop3A_1772, %parallel_loop3A_1781, %parallel_loop3A_1783 : vector<16xi1>, vector<16xf32>
      %parallel_loop3A_1785 = arith.constant 2.500000e+00 : f32
      %parallel_loop3A_1786 = vector.broadcast %parallel_loop3A_1785 : f32 to vector<16xf32>
      %parallel_loop3A_1787 = arith.cmpf olt, %parallel_loop3A_1756, %parallel_loop3A_1786 : vector<16xf32>
      %parallel_loop3A_1788 = arith.select %parallel_loop3A_1787, %parallel_loop3A_1769, %parallel_loop3A_1784 : vector<16xi1>, vector<16xf32>
      %parallel_loop3A_1789 = arith.mulf %parallel_loop3A_1788, %parallel_loop3A_1348 : vector<16xf32>
      %parallel_loop3A_1790 = arith.constant 0.000000e+00 : f32
      %parallel_loop3A_1791 = vector.broadcast %parallel_loop3A_1790 : f32 to vector<16xf32>
      %parallel_loop3A_1792 = arith.cmpf olt, %parallel_loop3A_1754, %parallel_loop3A_1791 : vector<16xf32>
      %parallel_loop3A_1793 = arith.constant 0.000000e+00 : f32
      %parallel_loop3A_1794 = vector.broadcast %parallel_loop3A_1793 : f32 to vector<16xf32>
      %parallel_loop3A_1795 = arith.subf %parallel_loop3A_1794, %parallel_loop3A_1789 : vector<16xf32>
      %parallel_loop3A_1796 = arith.select %parallel_loop3A_1792, %parallel_loop3A_1795, %parallel_loop3A_1789 : vector<16xi1>, vector<16xf32>
      %parallel_loop3A_1797 = arith.constant 0 : i32
      %parallel_loop3A_1798 = arith.constant 7 : i32
      %parallel_loop3A_1799 = arith.index_cast %parallel_loop3A_1797 : i32 to index
      %parallel_loop3A_1800 = arith.index_cast %parallel_loop3A_1798 : i32 to index
      %parallel_loop3A_1801 = arith.index_cast %parallel_loop3A_1342 : i32 to index
      %parallel_loop3A_1802 = tpu.vector_load %arg8[%parallel_loop3A_1799, %parallel_loop3A_1800, %parallel_loop3A_1801] {strides = array<i32>} : memref<2x8x2048xf32, #tpu.memory_space<vmem>>, vector<1x1x16xf32>,
      %parallel_loop3A_1803 = vector.shape_cast %parallel_loop3A_1802 : vector<1x1x16xf32> to vector<16xf32>
      %parallel_loop3A_1804 = vector.shape_cast %parallel_loop3A_1796 : vector<16xf32> to vector<1x1x16xf32>
      tpu.vector_store %arg8[%parallel_loop3A_1799, %parallel_loop3A_1800, %parallel_loop3A_1801], %parallel_loop3A_1804 {strides = array<i32>} : memref<2x8x2048xf32, #tpu.memory_space<vmem>>, vector<1x1x16xf32>,
    } {sc.loop_unroll_factor = 2 : i64, sc.parallel_access}
    %add3A_1310 = arith.constant 0 : i32
    %add3A_1311 = arith.addi %mul3A_2, %add3A_1310 : i32
    %dma_start3A_1312 = arith.constant 0 : i32
    %dma_start3A_1313 = arith.constant 0 : i32
    %dma_start3A_1314 = arith.constant 0 : i32
    %dma_start3A_1315 = tpu.memref_slice %arg8[%dma_start3A_1312, %dma_start3A_1313, %dma_start3A_1314] : memref<2x8x2048xf32, #tpu.memory_space<vmem>> -> memref<1x8x2048xf32, #tpu.memory_space<vmem>>
    %dma_start3A_1316 = tpu.memref_squeeze %dma_start3A_1315 : memref<1x8x2048xf32, #tpu.memory_space<vmem>> -> memref<8x2048xf32, #tpu.memory_space<vmem>>
    %dma_start3A_1317 = arith.constant 0 : i32
    %dma_start3A_1318 = tpu.memref_slice %arg4[%add3A_1311, %dma_start3A_1317] : memref<2048x2048xf32, #tpu.memory_space<hbm>> -> memref<8x2048xf32, #tpu.memory_space<hbm>>
    %dma_start3A_1319 = arith.constant 0 : i32
    %dma_start3A_1320 = tpu.memref_slice %arg4[%add3A_1311, %dma_start3A_1319] : memref<2048x2048xf32, #tpu.memory_space<hbm>> -> memref<8x2048xf32, #tpu.memory_space<hbm>>
    %dma_start3A_1321 = arith.constant 0 : i32
    %dma_start3A_1322 = arith.constant 0 : i32
    %dma_start3A_1323 = tpu.memref_slice %arg8[%dma_start3A_1312, %dma_start3A_1321, %dma_start3A_1322] : memref<2x8x2048xf32, #tpu.memory_space<vmem>> -> memref<1x8x2048xf32, #tpu.memory_space<vmem>>
    %dma_start3A_1324 = tpu.memref_squeeze %dma_start3A_1323 : memref<1x8x2048xf32, #tpu.memory_space<vmem>> -> memref<8x2048xf32, #tpu.memory_space<vmem>>
    tpu.enqueue_dma source(%dma_start3A_1324 : memref<8x2048xf32, #tpu.memory_space<vmem>>) target(%dma_start3A_1320 : memref<8x2048xf32, #tpu.memory_space<hbm>>) target_semaphore(%arg11 : memref<!tpu.dma_semaphore, #tpu.memory_space<semaphore_mem>>)
    %add3A_1325 = arith.constant 0 : i32
    %add3A_1326 = arith.addi %mul3A_2, %add3A_1325 : i32
    %dma_wait3A_1327 = arith.constant 0 : i32
    %dma_wait3A_1328 = arith.constant 0 : i32
    %dma_wait3A_1329 = arith.constant 0 : i32
    %dma_wait3A_1330 = tpu.memref_slice %arg8[%dma_wait3A_1327, %dma_wait3A_1328, %dma_wait3A_1329] : memref<2x8x2048xf32, #tpu.memory_space<vmem>> -> memref<1x8x2048xf32, #tpu.memory_space<vmem>>
    %dma_wait3A_1331 = tpu.memref_squeeze %dma_wait3A_1330 : memref<1x8x2048xf32, #tpu.memory_space<vmem>> -> memref<8x2048xf32, #tpu.memory_space<vmem>>
    %dma_wait3A_1332 = arith.constant 0 : i32
    %dma_wait3A_1333 = tpu.memref_slice %arg4[%add3A_1326, %dma_wait3A_1332] : memref<2048x2048xf32, #tpu.memory_space<hbm>> -> memref<8x2048xf32, #tpu.memory_space<hbm>>
    %dma_wait3A_1334 = arith.constant 0 : i32
    %dma_wait3A_1335 = tpu.memref_slice %arg4[%add3A_1326, %dma_wait3A_1334] : memref<2048x2048xf32, #tpu.memory_space<hbm>> -> memref<8x2048xf32, #tpu.memory_space<hbm>>
    %dma_wait3A_1336 = arith.constant 0 : i32
    %dma_wait3A_1337 = arith.constant 0 : i32
    %dma_wait3A_1338 = tpu.memref_slice %arg8[%dma_wait3A_1327, %dma_wait3A_1336, %dma_wait3A_1337] : memref<2x8x2048xf32, #tpu.memory_space<vmem>> -> memref<1x8x2048xf32, #tpu.memory_space<vmem>>
    %dma_wait3A_1339 = tpu.memref_squeeze %dma_wait3A_1338 : memref<1x8x2048xf32, #tpu.memory_space<vmem>> -> memref<8x2048xf32, #tpu.memory_space<vmem>>
    tpu.wait_dma2 semaphore(%arg11 : memref<!tpu.dma_semaphore, #tpu.memory_space<semaphore_mem>>) src(%dma_wait3A_1339 : memref<8x2048xf32, #tpu.memory_space<vmem>>) dst(%dma_wait3A_1335 : memref<8x2048xf32, #tpu.memory_space<hbm>>)
    return
  }
}

module attributes {stable_mosaic.version = 14 : i64} {
  func.func @_tc_body(%arg0: i32, %arg1: memref<256x2048xf32, #tpu.memory_space<vmem>>, %arg2: memref<1x2048xf32, #tpu.memory_space<vmem>>, %arg3: memref<8x128xf32, #tpu.memory_space<vmem>>, %arg4: memref<256x2048xf32, #tpu.memory_space<vmem>>) attributes {dimension_semantics = [#tpu.dimension_semantics<arbitrary>], iteration_bounds = array<i64: 7>, scalar_prefetch = 0 : i64, scratch_operands = 0 : i64, tpu.core_type = #tpu.core_type<tc>, window_params = [{transform_indices = @transform_0, window_bounds = array<i64: 256, 2048>}, {pipeline_mode = #tpu.pipeline_mode<synchronous>, transform_indices = @transform_1, window_bounds = array<i64: 1, 2048>}, {transform_indices = @transform_2, window_bounds = array<i64: 8, 128>}, {transform_indices = @transform_3, window_bounds = array<i64: 256, 2048>}]} {
    %get3A = arith.constant 0 : index
    %get3A_0 = arith.constant 0 : index
    %get3A_1 = vector.load %arg1[%get3A, %get3A_0] : memref<256x2048xf32, #tpu.memory_space<vmem>>, vector<256x2048xf32>
    %get3A_2 = arith.constant 0 : index
    %get3A_3 = arith.constant 0 : index
    %get3A_4 = vector.load %arg2[%get3A_2, %get3A_3] : memref<1x2048xf32, #tpu.memory_space<vmem>>, vector<1x2048xf32>
    %div3A = arith.constant 1.000000e+00 : f32
    %div3A_5 = vector.broadcast %div3A : f32 to vector<1x2048xf32>
    %div3A_6 = arith.divf %div3A_5, %get3A_4 : vector<1x2048xf32>
    %mul3A = vector.broadcast %div3A_6 : vector<1x2048xf32> to vector<256x2048xf32>
    %mul3A_7 = arith.mulf %get3A_1, %mul3A : vector<256x2048xf32>
    %abs3A = math.absf %mul3A_7 : vector<256x2048xf32>
    %add3A = arith.addf %abs3A, %abs3A : vector<256x2048xf32>
    %round3A = math.roundeven %add3A : vector<256x2048xf32>
    %min3A = arith.constant 4.000000e+00 : f32
    %min3A_8 = vector.broadcast %min3A : f32 to vector<256x2048xf32>
    %min3A_9 = arith.minimumf %round3A, %min3A_8 : vector<256x2048xf32>
    %mul3A_10 = arith.constant 5.000000e-01 : f32
    %mul3A_11 = vector.broadcast %mul3A_10 : f32 to vector<256x2048xf32>
    %mul3A_12 = arith.mulf %min3A_9, %mul3A_11 : vector<256x2048xf32>
    %lt3A = arith.constant 5.000000e+00 : f32
    %lt3A_13 = vector.broadcast %lt3A : f32 to vector<256x2048xf32>
    %lt3A_14 = arith.cmpf olt, %abs3A, %lt3A_13 : vector<256x2048xf32>
    %min3A_15 = arith.constant 4.000000e+00 : f32
    %min3A_16 = vector.broadcast %min3A_15 : f32 to vector<256x2048xf32>
    %min3A_17 = arith.minimumf %abs3A, %min3A_16 : vector<256x2048xf32>
    %round3A_18 = math.roundeven %min3A_17 : vector<256x2048xf32>
    %jit3A = arith.constant 6.000000e+00 : f32
    %broadcast_in_dim3A = vector.broadcast %jit3A : f32 to vector<256x2048xf32>
    %select_n3A = arith.select %lt3A_14, %round3A_18, %broadcast_in_dim3A : vector<256x2048xi1>, vector<256x2048xf32>
    %lt3A_19 = arith.constant 2.500000e+00 : f32
    %lt3A_20 = vector.broadcast %lt3A_19 : f32 to vector<256x2048xf32>
    %lt3A_21 = arith.cmpf olt, %abs3A, %lt3A_20 : vector<256x2048xf32>
    %select_n3A_22 = arith.select %lt3A_21, %mul3A_12, %select_n3A : vector<256x2048xi1>, vector<256x2048xf32>
    %lt3A_23 = arith.constant 0.000000e+00 : f32
    %lt3A_24 = vector.broadcast %lt3A_23 : f32 to vector<256x2048xf32>
    %lt3A_25 = arith.cmpf olt, %mul3A_7, %lt3A_24 : vector<256x2048xf32>
    %neg3A = arith.constant 0.000000e+00 : f32
    %neg3A_26 = vector.broadcast %neg3A : f32 to vector<256x2048xf32>
    %neg3A_27 = arith.subf %neg3A_26, %select_n3A_22 : vector<256x2048xf32>
    %select_n3A_28 = arith.select %lt3A_25, %neg3A_27, %select_n3A_22 : vector<256x2048xi1>, vector<256x2048xf32>
    %mul3A_29 = vector.broadcast %get3A_4 : vector<1x2048xf32> to vector<256x2048xf32>
    %mul3A_30 = arith.mulf %select_n3A_28, %mul3A_29 : vector<256x2048xf32>
    %swap3A = arith.constant 0 : index
    %swap3A_31 = arith.constant 0 : index
    %swap3A_32 = vector.load %arg4[%swap3A, %swap3A_31] : memref<256x2048xf32, #tpu.memory_space<vmem>>, vector<256x2048xf32>
    tpu.vector_store %arg4[%swap3A, %swap3A_31], %mul3A_30 {strides = array<i32>} : memref<256x2048xf32, #tpu.memory_space<vmem>>, vector<256x2048xf32>,
    return
  }
  func.func @transform_0(%arg0: i32) -> (i32, i32) {
    %add3A = arith.constant 1 : i32
    %add3A_0 = arith.addi %arg0, %add3A : i32
    %c0_i32 = arith.constant 0 : i32
    %c0_i32_1 = arith.constant 0 : i32
    return %add3A_0, %c0_i32 : i32, i32
  }
  func.func @transform_1(%arg0: i32) -> (i32, i32) {
    %c0_i32 = arith.constant 0 : i32
    %c0_i32_0 = arith.constant 0 : i32
    %c0_i32_1 = arith.constant 0 : i32
    return %c0_i32, %c0_i32_0 : i32, i32
  }
  func.func @transform_2(%arg0: i32) -> (i32, i32) {
    %c0_i32 = arith.constant 0 : i32
    %c0_i32_0 = arith.constant 0 : i32
    %c0_i32_1 = arith.constant 0 : i32
    return %c0_i32, %c0_i32_0 : i32, i32
  }
  func.func @transform_3(%arg0: i32) -> (i32, i32) {
    %add3A = arith.constant 1 : i32
    %add3A_0 = arith.addi %arg0, %add3A : i32
    %c0_i32 = arith.constant 0 : i32
    %c0_i32_1 = arith.constant 0 : i32
    return %add3A_0, %c0_i32 : i32, i32
  }
}

</mosaic_0001>

<sc_bundles>
// kernel: kernel.4.cloned.1.call-start
scs
__scs_entry_jumppad:
0x0: {  	(pc) =	sbr.rel $0x88, $3  }
0x1: {  	(tag) =	ssettag $0x0;
	lr =	simm.s32 $0x1  }
0x2: {  	[smem:$0x3F9F] =	sst lr;
	_ =	strace $0xD0000000  }
0x3: {  	_ = 	snop  }
0x4: {  	_ = 	snop  }
0x5: {  	_ = 	snop  }
0x6: {  	_ = 	snop  }
0x7: {  	_ = 	snop  }
__scs_overlays_trampoline_lowered:
0x8: {  	[smem:$0x3FAE] =	sst s0  }
0x9: {  	[smem:$0x3FAF] =	sst s1  }
0xa: {  	[smem:$0x3FB0] =	sst s2  }
0xb: {  	[smem:$0x3FB1] =	sst s3  }
0xc: {  	[smem:$0x3FB2] =	sst s4  }
0xd: {  	[smem:$0x3FB3] =	sst s5  }
0xe: {  	[smem:$0x3FB4] =	sst s6  }
0xf: {  	[smem:$0x3FB5] =	sst s7  }
0x10: {  	[smem:$0x3FB6] =	sst s8  }
0x11: {  	[smem:$0x3FB7] =	sst s9;
	s0 =	simm.s32 @!p0 $0x0  }
0x12: {  	s1 =	sld [smem:$0x3F9D];
	s0 =	simm.s32 @p0 $0x1  }
0x13: {  	[smem:$0x3FB8] =	sst s0;
	s0 =	simm.s32 @!p1 $0x0  }
0x14: {  	s2 =	sld [smem:$0x3F9C];
	s0 =	simm.s32 @p1 $0x1  }
0x15: {  	[smem:$0x3FB9] =	sst s0;
	s0 =	simm.s32 @!p2 $0x0  }
0x16: {  	s3 =	sld [smem:$0x3FDB];
	s0 =	simm.s32 @p2 $0x1  }
0x17: {  	s4 =	simm.s32 $0x1BF5;
	[smem:$0x3FBB] =	sst s0  }
0x18: {  	s0 =	sld [smem:$0x3F9E];
	_ =	swait.ge [sflag:s4], $0x0  }
0x19: {  	s7 =	sld [smem:$0x3F9F]  }
0x1a: {  	s8 =	sadd.s32 $0xFFFFE003, lr  }
0x1b: {  	s9 =	sadd.s32 $0xFFFFFEF7, lr;
	s5 =	simm.s32 $0xFFFFFFFF;
	p2 =	slt.u32 s8, $0xFFFFF086  }
0x1c: {  	p1 =	slt.u32 s9, $0xF7A;
	s5 =	simm.s32 @!p2 $0x0  }
0x1d: {  	s5 =	simm.s32 @p1 $0x1;
	p0 =	seq.s32 s7, s2  }
0x1e: {  	s7 =	smul.u32 @!p0 $0xF7A, s2;
	p2 =	seq.s32 @!p0 s5, $0x0  }
0x1f: {  	s9 =	smul.u32 $0xF7A, s1;
	s8 =	simm.s32 @!p0 $0x1BF5;
	p2 =	por !p2, p0  }
0x20: {  	[sflag:s8] =	ssyncset.s32 @!p0 $0xFFFFF086;
	s6 =	sadd.s32 @!p0 s3, s7;
	s7 =	simm.s32 @!p0 $0x108  }
0x21: {  	s3 =	sadd.s32 s3, s9;
	s6 =	sadd.s32 @!p0 $0x88, s6;
	s7 =	simm.s32 @p2 $0x1082  }
0x22: {  	[simem:s7], [sflag:s8] =	dma.local @!p0 [hbm:s6], $0xF7A  }
0x23: {  	s9 =	sor.u32 $0xD0000000, s2;
	s6 =	simm.s32 $0x108;
	_ =	swait.ge @!p0 [sflag:s8], $0x0  }
0x24: {  	s3 =	sadd.s32 $0x88, s3;
	s6 =	simm.s32 @!p1 $0x1082;
	[sflag:s4] =	ssyncset.s32 $0xFFFFF086  }
0x25: {  	[simem:s6], [sflag:s4] =	dma.local [hbm:s3], $0xF7A  }
0x26: {  	[smem:$0x3F9F] =	sst s1;
	(tag) =	ssettag s2;
	_ =	strace s9  }
0x27: {  	s1 =	sld [smem:$0x3FAF]  }
0x28: {  	s2 =	sld [smem:$0x3FB0]  }
0x29: {  	s4 =	sld [smem:$0x3FB2]  }
0x2a: {  	p0 =	seq.s32 s5, $0x0;
	s5 =	sld [smem:$0x3FB3]  }
0x2b: {  	s6 =	sld [smem:$0x3FB4]  }
0x2c: {  	s7 =	sld [smem:$0x3FB5]  }
0x2d: {  	s3 =	simm.s32 $0x108;
	s8 =	sld [smem:$0x3FB6]  }
0x2e: {  	s3 =	simm.s32 @!p0 $0x1082;
	s9 =	sld [smem:$0x3FB7]  }
0x2f: {  	lr =	sadd.s32 s0, s3;
	s0 =	sld [smem:$0x3FAE]  }
0x30: {  	s3 =	sld [smem:$0x3FB1]  }
0x31: {  	[smem:$0x3FBA] =	sst s10  }
0x32: {  	s10 =	sld [smem:$0x3FB8];
	_ =	sdelay $0x3  }
0x33: {  	p0 =	seq.s32 s10, $0x1;
	s10 =	sld [smem:$0x3FBA];
	_ =	sdelay $0x3  }
0x34: {  	[smem:$0x3FBA] =	sst s10  }
0x35: {  	s10 =	sld [smem:$0x3FB9];
	_ =	sdelay $0x3  }
0x36: {  	p1 =	seq.s32 s10, $0x1;
	s10 =	sld [smem:$0x3FBA];
	_ =	sdelay $0x3  }
0x37: {  	[smem:$0x3FBA] =	sst s10  }
0x38: {  	s10 =	sld [smem:$0x3FBB]  }
0x39: {  	_ = 	snop;
	(pc) =	sbr.ind lr, $3  }
0x3a: {  	_ = 	snop  }
0x3b: {  	_ = 	snop  }
0x3c: {  	p2 =	seq.s32 s10, $0x1;
	s10 =	sld [smem:$0x3FBA]  }
0x3d: {  	_ =	shalt  }
0x3e: {  	_ =	shalt  }
0x3f: {  	_ =	shalt  }
0x40: {  	_ =	shalt  }
0x41: {  	_ =	shalt  }
0x42: {  	_ =	shalt  }
0x43: {  	_ =	shalt  }
0x44: {  	_ =	shalt  }
0x45: {  	_ =	shalt  }
0x46: {  	_ =	shalt  }
0x47: {  	_ =	shalt  }
0x48: {  	_ =	shalt  }
0x49: {  	_ =	shalt  }
0x4a: {  	_ =	shalt  }
0x4b: {  	_ =	shalt  }
0x4c: {  	_ =	shalt  }
0x4d: {  	_ =	shalt  }
0x4e: {  	_ =	shalt  }
0x4f: {  	_ =	shalt  }
0x50: {  	_ =	shalt  }
0x51: {  	_ =	shalt  }
0x52: {  	_ =	shalt  }
0x53: {  	_ =	shalt  }
0x54: {  	_ =	shalt  }
0x55: {  	_ =	shalt  }
0x56: {  	_ =	shalt  }
0x57: {  	_ =	shalt  }
0x58: {  	_ =	shalt  }
0x59: {  	_ =	shalt  }
0x5a: {  	_ =	shalt  }
0x5b: {  	_ =	shalt  }
0x5c: {  	_ =	shalt  }
0x5d: {  	_ =	shalt  }
0x5e: {  	_ =	shalt  }
0x5f: {  	_ =	shalt  }
0x60: {  	_ =	shalt  }
0x61: {  	_ =	shalt  }
0x62: {  	_ =	shalt  }
0x63: {  	_ =	shalt  }
0x64: {  	_ =	shalt  }
0x65: {  	_ =	shalt  }
0x66: {  	_ =	shalt  }
0x67: {  	_ =	shalt  }
0x68: {  	_ =	shalt  }
0x69: {  	_ =	shalt  }
0x6a: {  	_ =	shalt  }
0x6b: {  	_ =	shalt  }
0x6c: {  	_ =	shalt  }
0x6d: {  	_ =	shalt  }
0x6e: {  	_ =	shalt  }
0x6f: {  	_ =	shalt  }
0x70: {  	_ =	shalt  }
0x71: {  	_ =	shalt  }
0x72: {  	_ =	shalt  }
0x73: {  	_ =	shalt  }
0x74: {  	_ =	shalt  }
0x75: {  	_ =	shalt  }
0x76: {  	_ =	shalt  }
0x77: {  	_ =	shalt  }
0x78: {  	_ =	shalt  }
0x79: {  	_ =	shalt  }
0x7a: {  	_ =	shalt  }
0x7b: {  	_ =	shalt  }
0x7c: {  	_ =	shalt  }
0x7d: {  	_ =	shalt  }
0x7e: {  	_ =	shalt  }
0x7f: {  	_ =	shalt  }
0x80: {  	_ =	shalt  }
0x81: {  	_ =	shalt  }
0x82: {  	_ =	shalt  }
0x83: {  	_ =	shalt  }
0x84: {  	_ =	shalt  }
0x85: {  	_ =	shalt  }
0x86: {  	_ =	shalt  }
0x87: {  	_ =	shalt  }
.Lfunc_end0:
.L_simem_size_0:
called_computation_lowered:
.L_overlay_start_0:
0x88: {  	s2 =	sld [smem:$0x3FD9]  }
0x89: {  	s3 =	sld [smem:$0x3FFE];
	_ =	sdelay $0x1  }
0x8a: {  	s1 =	srdreg.scid  }
0x8b: {  	s0 =	sand.u32 $0x1, s1  }
0x8c: {  	s18 =	sshll.u32 s0, $0xA;
	s2 =	sadd.s32 s3, s2  }
0x8d: {  	s2 =	sadd.s32 s2, s18  }
0x8e: {  	[smem:$0x3FC6] =	sst s2  }
0x8f: {  	_ = 	snop  }
0x90: {  	s2 =	sld [smem:$0x3FC9]  }
0x91: {  	s19 =	sld [smem:$0x3FC8]  }
0x92: {  	s4 =	sld [smem:$0x3FD0];
	(tm) =	ssettm $0x1  }
0x93: {  	s5 =	sld [smem:$0x3FFB];
	_ =	sdelay $0x3  }
0x94: {  	_ =	strace s5  }
0x95: {  	s5 =	sld [smem:$0x3FFC];
	_ =	sdelay $0x3  }
0x96: {  	_ =	strace s5  }
0x97: {  	s5 =	sld [smem:$0x3FFD];
	_ =	sdelay $0x3  }
0x98: {  	_ =	strace s5  }
0x99: {  	_ =	strace $0x8FFFFFFF  }
0x9a: {  	s20 =	sld [smem:$0x3FDB];
	_ =	sdelay $0x1  }
0x9b: {  	s6 =	simm.s32 $_scs_section_size  }
0x9c: {  	s7 =	simm.s32 $_size__tile_overlayer_lowered;
	s8 =	simm.s32 $_tile_overlayer_lowered  }
0x9d: {  	s23 =	simm.s32 $0x1BFF;
	s22 =	sshll.u32 s8, $0x1;
	s5 =	sadd.s32 s6, s20  }
0x9e: {  	s9 =	simm.s32 $0x0;
	s21 =	sshll.u32 s7, $0x1;
	s7 =	sadd.s32 s22, s5  }
0x9f: {  	[timem:s9], [sflag:s23] =	dma.local [hbm:s7], s21  }
0xa0: {  	_ =	swait.ge [sflag:s23], s21  }
0xa1: {  	s6 =	ssub.s32 $0x0, s21;
	[sflag:s23] =	ssyncset.done $0x0  }
0xa2: {  	[sflag:s23] =	ssyncadd.s32 s6;
	_ =	sdelay $0x1  }
0xa3: {  	s24 =	simm.s32 $0x1B8B  }
0xa4: {  	_ =	swait.ge [sflag:s24], $0x1  }
0xa5: {  	[sflag:s24] =	ssyncset.done $0x0  }
0xa6: {  	s25 =	simm.s32 $0x1B8E;
	[sflag:s24] =	ssyncadd.s32 $0xFFFFFFFF  }
0xa7: {  	s26 =	simm.s32 $execute0_lowered;
	[smem:$0x3FD2] =	sst s25  }
0xa8: {  	s6 =	sshll.u32 s26, $0x1;
	_ =	strace $0x80000046;
	[dreg:$0x1] =	wrdreg $0xFFFFFFFF  }
0xa9: {  	s28 =	simm.s32 $_size_execute0_lowered;
	s5 =	sadd.s32 s5, s6;
	[dreg:$0x0] =	wrdreg $0x0  }
0xaa: {  	s6 =	sshll.u32 s28, $0x1;
	[dreg:$0x2] =	wrdreg s5  }
0xab: {  	[dreg:$0x3] =	wrdreg s6  }
0xac: {  	[dreg:$0x4] =	wrdreg $0xC0  }
0xad: {  	_ =	task [dreg:s9], $0x5FFFF  }
0xae: {  	[dreg:$0x1] =	wrdreg $0xFFFFFFFF  }
0xaf: {  	[dreg:$0x0] =	wrdreg $0x60  }
0xb0: {  	[dreg:$0x2] =	wrdreg s2  }
0xb1: {  	[dreg:$0x3] =	wrdreg s19  }
0xb2: {  	[dreg:$0x4] =	wrdreg s4  }
0xb3: {  	[dreg:$0x5] =	wrdreg $0x9  }
0xb4: {  	_ =	task.clear_ibuf [dreg:s9], $0x6FFFF;
	_ =	strace $0x90000046  }
0xb5: {  	s29 =	simm.s32 $0x9;
	_ =	strace $0x80000048  }
0xb6: {  	_ =	swait.ge [sflag:s29], $0x1  }
0xb7: {  	[sflag:s29] =	ssyncadd.s32 $0xFFFFFFFF  }
0xb8: {  	_ =	strace $0x90000048  }
0xb9: {  	_ =	sfence  }
0xba: {  	s30 =	sld [smem:$0x0];
	_ =	sdelay $0x2  }
0xbb: {  	s31 =	sshll.u32 s1, $0xD;
	s1 =	sshrl.u32 s1, $0x2  }
0xbc: {  	s3 =	sand.u32 $0x4000, s31;
	s1 =	sadd.s32 s1, s30  }
0xbd: {  	s0 =	sor.u32 s3, s0;
	s1 =	sshll.u32 s1, $0x11  }
0xbe: {  	s0 =	sor.u32 s1, s0  }
0xbf: {  	s0 =	sadd.s32 $0x8F2B, s0  }
0xc0: {  	[sflag:s0] =	ssyncadd.remote.s32 $0x1  }
0xc1: {  	_ =	sfence.sel $0xFFFF  }
0xc2: {  	[dreg:$0x0] =	wrdreg $0xFFFFFFFF;
	(pc) =	sbr.abs _section_cstart, $3  }
0xc3: {  	[dreg:$0x1] =	wrdreg $0xFFFFFFFF  }
0xc4: {  	_ =	task.clear_ibuf [dreg:s9], $0x2FFFF;
	_ =	strace $0x9FFFFFFF  }
0xc5: {  	(tm) =	ssettm $0x7FFFFFFF  }
tec
execute0_lowered:
.L_overlay_start_1:
0x0: {  	(tag) =	ssettag $0x1  }
0x1: {  	s0 =	rddreg [dreg:$0x0]  }
0x2: {  	s1 =	rddreg [dreg:$0x1]  }
0x3: {  	s2 =	rddreg [dreg:$0x2]  }
0x4: {  	s4 =	srdreg.scid;
	s3 =	simm.s32 $0x0;
	s7 =	stileid.u32  }
0x5: {  	s8 =	simm.s32 $0x1000;
	s9 =	simm.s32 $0x1;
	s10 =	simm.s32 $0x9000  }
0x6: {  	s11 =	simm.s32 $0x2;
	s12 =	simm.s32 $0x0;
	s4 =	sand.u32 $0x1, s4  }
0x7: {  	[smem:$0x7FF] =	sst s3;
	s7 =	sshll.u32 s7, $0xC;
	s5 =	ssub.s32 $0x2, s4  }
0x8: {  	s4 =	sshll.u32 s4, $0xB;
	_ =	strace $0x80000047;
	s6 =	sshrl.u32 s5, $0x1  }
0x9: {  	s31 =	sor.u32 s4, s7;
	s7 =	simm.s32 $0x3;
	s6 =	ssub.s32 s5, s6  }
0xa: {  	s4 =	sadd.s32 s0, s31;
	s5 =	sadd.s32 s2, s31;
	s6 =	smax.u32 s6, $0x1  }
.LBB2_1:
0xb: {  	[tilespmem:s3], [sflag:$0x3] =	stream.linear.gather [hbm4b:s1+s3], $0x800, $0x38;
	[tilespmem:$0x11000] =	vst v63  }
0xc: {  	_ =	swait.ge [sflag:s7], $0x800  }
0xd: {  	[sflag:s7] =	ssyncset.done $0x0  }
0xe: {  	[sflag:s7] =	ssyncadd.s32 $0xFFFFF800  }
0xf: {  	v0 =	vld [tilespmem:$0x0]  }
0x10: {  	v1 =	vld [tilespmem:$0x10]  }
0x11: {  	v2 =	vld [tilespmem:$0x20]  }
0x12: {  	v3 =	vld [tilespmem:$0x30]  }
0x13: {  	v4 =	vld [tilespmem:$0x40]  }
0x14: {  	(erf) = vrcp.f32 v0;
	v0 =	vld [tilespmem:$0x50]  }
0x15: {  	(erf) = vrcp.f32 v1;
	v1 =	vld [tilespmem:$0x60]  }
0x16: {  	(erf) = vrcp.f32 v2;
	v2 =	vld [tilespmem:$0x70]  }
0x17: {  	(erf) = vrcp.f32 v3;
	v3 =	vld [tilespmem:$0x80]  }
0x18: {  	(erf) = vrcp.f32 v4;
	v4 =	vld [tilespmem:$0x90]  }
0x19: {  	(erf) = vrcp.f32 v0;
	v0 =	vld [tilespmem:$0xA0]  }
0x1a: {  	(erf) = vrcp.f32 v1;
	v1 =	vld [tilespmem:$0xB0]  }
0x1b: {  	(erf) = vrcp.f32 v2;
	v2 =	vld [tilespmem:$0xC0]  }
0x1c: {  	(erf) = vrcp.f32 v3;
	v3 =	vld [tilespmem:$0xD0]  }
0x1d: {  	v5 =	vpop (erf);
	(erf) = vrcp.f32 v4;
	v4 =	vld [tilespmem:$0xE0]  }
0x1e: {  	[tilespmem:$0x800] =	vst v5;
	v5 =	vpop (erf);
	(erf) = vrcp.f32 v0;
	v0 =	vld [tilespmem:$0xF0]  }
0x1f: {  	[tilespmem:$0x810] =	vst v5;
	v5 =	vpop (erf);
	(erf) = vrcp.f32 v1;
	v1 =	vld [tilespmem:$0x100]  }
0x20: {  	[tilespmem:$0x820] =	vst v5;
	v5 =	vpop (erf);
	(erf) = vrcp.f32 v2;
	v2 =	vld [tilespmem:$0x110]  }
0x21: {  	[tilespmem:$0x830] =	vst v5;
	v5 =	vpop (erf);
	(erf) = vrcp.f32 v3;
	v3 =	vld [tilespmem:$0x120]  }
0x22: {  	[tilespmem:$0x840] =	vst v5;
	v5 =	vpop (erf);
	(erf) = vrcp.f32 v4;
	v4 =	vld [tilespmem:$0x130]  }
0x23: {  	[tilespmem:$0x850] =	vst v5;
	v5 =	vpop (erf);
	(erf) = vrcp.f32 v0;
	v0 =	vld [tilespmem:$0x140]  }
0x24: {  	[tilespmem:$0x860] =	vst v5;
	v5 =	vpop (erf);
	(erf) = vrcp.f32 v1;
	v1 =	vld [tilespmem:$0x150]  }
0x25: {  	[tilespmem:$0x870] =	vst v5;
	v5 =	vpop (erf);
	(erf) = vrcp.f32 v2;
	v2 =	vld [tilespmem:$0x160]  }
0x26: {  	[tilespmem:$0x880] =	vst v5;
	v5 =	vpop (erf);
	(erf) = vrcp.f32 v3;
	v3 =	vld [tilespmem:$0x170]  }
0x27: {  	[tilespmem:$0x890] =	vst v5;
	v5 =	vpop (erf);
	(erf) = vrcp.f32 v4;
	v4 =	vld [tilespmem:$0x180]  }
0x28: {  	[tilespmem:$0x8A0] =	vst v5;
	v5 =	vpop (erf);
	(erf) = vrcp.f32 v0;
	v0 =	vld [tilespmem:$0x190]  }
0x29: {  	[tilespmem:$0x8B0] =	vst v5;
	v5 =	vpop (erf);
	(erf) = vrcp.f32 v1;
	v1 =	vld [tilespmem:$0x1A0]  }
0x2a: {  	[tilespmem:$0x8C0] =	vst v5;
	v5 =	vpop (erf);
	(erf) = vrcp.f32 v2;
	v2 =	vld [tilespmem:$0x1B0]  }
0x2b: {  	[tilespmem:$0x8D0] =	vst v5;
	v5 =	vpop (erf);
	(erf) = vrcp.f32 v3;
	v3 =	vld [tilespmem:$0x1C0]  }
0x2c: {  	[tilespmem:$0x8E0] =	vst v5;
	v5 =	vpop (erf);
	(erf) = vrcp.f32 v4;
	v4 =	vld [tilespmem:$0x1D0]  }
0x2d: {  	[tilespmem:$0x8F0] =	vst v5;
	v5 =	vpop (erf);
	(erf) = vrcp.f32 v0;
	v0 =	vld [tilespmem:$0x1E0]  }
0x2e: {  	[tilespmem:$0x900] =	vst v5;
	v5 =	vpop (erf);
	(erf) = vrcp.f32 v1;
	v1 =	vld [tilespmem:$0x1F0]  }
0x2f: {  	[tilespmem:$0x910] =	vst v5;
	v5 =	vpop (erf);
	(erf) = vrcp.f32 v2;
	v2 =	vld [tilespmem:$0x200]  }
0x30: {  	[tilespmem:$0x920] =	vst v5;
	v5 =	vpop (erf);
	(erf) = vrcp.f32 v3;
	v3 =	vld [tilespmem:$0x210]  }
0x31: {  	[tilespmem:$0x930] =	vst v5;
	v5 =	vpop (erf);
	(erf) = vrcp.f32 v4;
	v4 =	vld [tilespmem:$0x220]  }
0x32: {  	[tilespmem:$0x940] =	vst v5;
	v5 =	vpop (erf);
	(erf) = vrcp.f32 v0;
	v0 =	vld [tilespmem:$0x230]  }
0x33: {  	[tilespmem:$0x950] =	vst v5;
	v5 =	vpop (erf);
	(erf) = vrcp.f32 v1;
	v1 =	vld [tilespmem:$0x240]  }
0x34: {  	[tilespmem:$0x960] =	vst v5;
	v5 =	vpop (erf);
	(erf) = vrcp.f32 v2;
	v2 =	vld [tilespmem:$0x250]  }
0x35: {  	[tilespmem:$0x970] =	vst v5;
	v5 =	vpop (erf);
	(erf) = vrcp.f32 v3;
	v3 =	vld [tilespmem:$0x260]  }
0x36: {  	[tilespmem:$0x980] =	vst v5;
	v5 =	vpop (erf);
	(erf) = vrcp.f32 v4;
	v4 =	vld [tilespmem:$0x270]  }
0x37: {  	[tilespmem:$0x990] =	vst v5;
	v5 =	vpop (erf);
	(erf) = vrcp.f32 v0;
	v0 =	vld [tilespmem:$0x280]  }
0x38: {  	[tilespmem:$0x9A0] =	vst v5;
	v5 =	vpop (erf);
	(erf) = vrcp.f32 v1;
	v1 =	vld [tilespmem:$0x290]  }
0x39: {  	[tilespmem:$0x9B0] =	vst v5;
	v5 =	vpop (erf);
	(erf) = vrcp.f32 v2;
	v2 =	vld [tilespmem:$0x2A0]  }
0x3a: {  	[tilespmem:$0x9C0] =	vst v5;
	v5 =	vpop (erf);
	(erf) = vrcp.f32 v3;
	v3 =	vld [tilespmem:$0x2B0]  }
0x3b: {  	[tilespmem:$0x9D0] =	vst v5;
	v5 =	vpop (erf);
	(erf) = vrcp.f32 v4;
	v4 =	vld [tilespmem:$0x2C0]  }
0x3c: {  	[tilespmem:$0x9E0] =	vst v5;
	v5 =	vpop (erf);
	(erf) = vrcp.f32 v0  }
0x3d: {  	[tilespmem:$0x9F0] =	vst v5;
	v0 =	vpop (erf);
	(erf) = vrcp.f32 v1  }
0x3e: {  	[tilespmem:$0xA00] =	vst v0;
	v0 =	vpop (erf);
	(erf) = vrcp.f32 v2  }
0x3f: {  	[tilespmem:$0xA10] =	vst v0;
	v0 =	vpop (erf);
	(erf) = vrcp.f32 v3  }
0x40: {  	[tilespmem:$0xA20] =	vst v0;
	v0 =	vpop (erf);
	(erf) = vrcp.f32 v4  }
0x41: {  	[tilespmem:$0xA30] =	vst v0;
	v0 =	vpop (erf)  }
0x42: {  	[tilespmem:$0xA40] =	vst v0;
	v0 =	vpop (erf)  }
0x43: {  	[tilespmem:$0xA50] =	vst v0;
	v0 =	vpop (erf)  }
0x44: {  	[tilespmem:$0xA60] =	vst v0;
	v0 =	vpop (erf)  }
0x45: {  	[tilespmem:$0xA70] =	vst v0;
	v0 =	vpop (erf)  }
0x46: {  	[tilespmem:$0xA80] =	vst v0;
	v0 =	vpop (erf)  }
0x47: {  	[tilespmem:$0xA90] =	vst v0;
	v0 =	vpop (erf)  }
0x48: {  	[tilespmem:$0xAA0] =	vst v0;
	v0 =	vpop (erf)  }
0x49: {  	[tilespmem:$0xAB0] =	vst v0;
	v0 =	vpop (erf)  }
0x4a: {  	[tilespmem:$0xAC0] =	vst v0  }
0x4b: {  	v0 =	vld [tilespmem:$0x2D0]  }
0x4c: {  	v1 =	vld [tilespmem:$0x2E0]  }
0x4d: {  	v2 =	vld [tilespmem:$0x2F0]  }
0x4e: {  	v3 =	vld [tilespmem:$0x300]  }
0x4f: {  	v4 =	vld [tilespmem:$0x310]  }
0x50: {  	(erf) = vrcp.f32 v0;
	v0 =	vld [tilespmem:$0x320]  }
0x51: {  	(erf) = vrcp.f32 v1;
	v1 =	vld [tilespmem:$0x330]  }
0x52: {  	(erf) = vrcp.f32 v2;
	v2 =	vld [tilespmem:$0x340]  }
0x53: {  	(erf) = vrcp.f32 v3;
	v3 =	vld [tilespmem:$0x350]  }
0x54: {  	(erf) = vrcp.f32 v4;
	v4 =	vld [tilespmem:$0x360]  }
0x55: {  	(erf) = vrcp.f32 v0;
	v0 =	vld [tilespmem:$0x370]  }
0x56: {  	(erf) = vrcp.f32 v1;
	v1 =	vld [tilespmem:$0x380]  }
0x57: {  	(erf) = vrcp.f32 v2;
	v2 =	vld [tilespmem:$0x390]  }
0x58: {  	(erf) = vrcp.f32 v3;
	v3 =	vld [tilespmem:$0x3A0]  }
0x59: {  	v5 =	vpop (erf);
	(erf) = vrcp.f32 v4;
	v4 =	vld [tilespmem:$0x3B0]  }
0x5a: {  	[tilespmem:$0xAD0] =	vst v5;
	v5 =	vpop (erf);
	(erf) = vrcp.f32 v0;
	v0 =	vld [tilespmem:$0x3C0]  }
0x5b: {  	[tilespmem:$0xAE0] =	vst v5;
	v5 =	vpop (erf);
	(erf) = vrcp.f32 v1;
	v1 =	vld [tilespmem:$0x3D0]  }
0x5c: {  	[tilespmem:$0xAF0] =	vst v5;
	v5 =	vpop (erf);
	(erf) = vrcp.f32 v2;
	v2 =	vld [tilespmem:$0x3E0]  }
0x5d: {  	[tilespmem:$0xB00] =	vst v5;
	v5 =	vpop (erf);
	(erf) = vrcp.f32 v3;
	v3 =	vld [tilespmem:$0x3F0]  }
0x5e: {  	[tilespmem:$0xB10] =	vst v5;
	v5 =	vpop (erf);
	(erf) = vrcp.f32 v4;
	v4 =	vld [tilespmem:$0x400]  }
0x5f: {  	[tilespmem:$0xB20] =	vst v5;
	v5 =	vpop (erf);
	(erf) = vrcp.f32 v0;
	v0 =	vld [tilespmem:$0x410]  }
0x60: {  	[tilespmem:$0xB30] =	vst v5;
	v5 =	vpop (erf);
	(erf) = vrcp.f32 v1;
	v1 =	vld [tilespmem:$0x420]  }
0x61: {  	[tilespmem:$0xB40] =	vst v5;
	v5 =	vpop (erf);
	(erf) = vrcp.f32 v2;
	v2 =	vld [tilespmem:$0x430]  }
0x62: {  	[tilespmem:$0xB50] =	vst v5;
	v5 =	vpop (erf);
	(erf) = vrcp.f32 v3;
	v3 =	vld [tilespmem:$0x440]  }
0x63: {  	[tilespmem:$0xB60] =	vst v5;
	v5 =	vpop (erf);
	(erf) = vrcp.f32 v4;
	v4 =	vld [tilespmem:$0x450]  }
0x64: {  	[tilespmem:$0xB70] =	vst v5;
	v5 =	vpop (erf);
	(erf) = vrcp.f32 v0;
	v0 =	vld [tilespmem:$0x460]  }
0x65: {  	[tilespmem:$0xB80] =	vst v5;
	v5 =	vpop (erf);
	(erf) = vrcp.f32 v1;
	v1 =	vld [tilespmem:$0x470]  }
0x66: {  	[tilespmem:$0xB90] =	vst v5;
	v5 =	vpop (erf);
	(erf) = vrcp.f32 v2;
	v2 =	vld [tilespmem:$0x480]  }
0x67: {  	[tilespmem:$0xBA0] =	vst v5;
	v5 =	vpop (erf);
	(erf) = vrcp.f32 v3;
	v3 =	vld [tilespmem:$0x490]  }
0x68: {  	[tilespmem:$0xBB0] =	vst v5;
	v5 =	vpop (erf);
	(erf) = vrcp.f32 v4;
	v4 =	vld [tilespmem:$0x4A0]  }
0x69: {  	[tilespmem:$0xBC0] =	vst v5;
	v5 =	vpop (erf);
	(erf) = vrcp.f32 v0;
	v0 =	vld [tilespmem:$0x4B0]  }
0x6a: {  	[tilespmem:$0xBD0] =	vst v5;
	v5 =	vpop (erf);
	(erf) = vrcp.f32 v1;
	v1 =	vld [tilespmem:$0x4C0]  }
0x6b: {  	[tilespmem:$0xBE0] =	vst v5;
	v5 =	vpop (erf);
	(erf) = vrcp.f32 v2;
	v2 =	vld [tilespmem:$0x4D0]  }
0x6c: {  	[tilespmem:$0xBF0] =	vst v5;
	v5 =	vpop (erf);
	(erf) = vrcp.f32 v3;
	v3 =	vld [tilespmem:$0x4E0]  }
0x6d: {  	[tilespmem:$0xC00] =	vst v5;
	v5 =	vpop (erf);
	(erf) = vrcp.f32 v4;
	v4 =	vld [tilespmem:$0x4F0]  }
0x6e: {  	[tilespmem:$0xC10] =	vst v5;
	v5 =	vpop (erf);
	(erf) = vrcp.f32 v0;
	v0 =	vld [tilespmem:$0x500]  }
0x6f: {  	[tilespmem:$0xC20] =	vst v5;
	v5 =	vpop (erf);
	(erf) = vrcp.f32 v1;
	v1 =	vld [tilespmem:$0x510]  }
0x70: {  	[tilespmem:$0xC30] =	vst v5;
	v5 =	vpop (erf);
	(erf) = vrcp.f32 v2;
	v2 =	vld [tilespmem:$0x520]  }
0x71: {  	[tilespmem:$0xC40] =	vst v5;
	v5 =	vpop (erf);
	(erf) = vrcp.f32 v3;
	v3 =	vld [tilespmem:$0x530]  }
0x72: {  	[tilespmem:$0xC50] =	vst v5;
	v5 =	vpop (erf);
	(erf) = vrcp.f32 v4;
	v4 =	vld [tilespmem:$0x540]  }
0x73: {  	[tilespmem:$0xC60] =	vst v5;
	v5 =	vpop (erf);
	(erf) = vrcp.f32 v0;
	v0 =	vld [tilespmem:$0x550]  }
0x74: {  	[tilespmem:$0xC70] =	vst v5;
	v5 =	vpop (erf);
	(erf) = vrcp.f32 v1;
	v1 =	vld [tilespmem:$0x560]  }
0x75: {  	[tilespmem:$0xC80] =	vst v5;
	v5 =	vpop (erf);
	(erf) = vrcp.f32 v2;
	v2 =	vld [tilespmem:$0x570]  }
0x76: {  	[tilespmem:$0xC90] =	vst v5;
	v5 =	vpop (erf);
	(erf) = vrcp.f32 v3;
	v3 =	vld [tilespmem:$0x580]  }
0x77: {  	[tilespmem:$0xCA0] =	vst v5;
	v5 =	vpop (erf);
	(erf) = vrcp.f32 v4;
	v4 =	vld [tilespmem:$0x590]  }
0x78: {  	[tilespmem:$0xCB0] =	vst v5;
	v5 =	vpop (erf);
	(erf) = vrcp.f32 v0;
	v0 =	vld [tilespmem:$0x5A0]  }
0x79: {  	[tilespmem:$0xCC0] =	vst v5;
	v5 =	vpop (erf);
	(erf) = vrcp.f32 v1;
	v1 =	vld [tilespmem:$0x5B0]  }
0x7a: {  	[tilespmem:$0xCD0] =	vst v5;
	v5 =	vpop (erf);
	(erf) = vrcp.f32 v2;
	v2 =	vld [tilespmem:$0x5C0]  }
0x7b: {  	[tilespmem:$0xCE0] =	vst v5;
	v5 =	vpop (erf);
	(erf) = vrcp.f32 v3;
	v3 =	vld [tilespmem:$0x5D0]  }
0x7c: {  	[tilespmem:$0xCF0] =	vst v5;
	v5 =	vpop (erf);
	(erf) = vrcp.f32 v4;
	v4 =	vld [tilespmem:$0x5E0]  }
0x7d: {  	[tilespmem:$0xD00] =	vst v5;
	v5 =	vpop (erf);
	(erf) = vrcp.f32 v0;
	v0 =	vld [tilespmem:$0x5F0]  }
0x7e: {  	[tilespmem:$0xD10] =	vst v5;
	v5 =	vpop (erf);
	(erf) = vrcp.f32 v1;
	v1 =	vld [tilespmem:$0x600]  }
0x7f: {  	[tilespmem:$0xD20] =	vst v5;
	v5 =	vpop (erf);
	(erf) = vrcp.f32 v2;
	v2 =	vld [tilespmem:$0x610]  }
0x80: {  	[tilespmem:$0xD30] =	vst v5;
	v5 =	vpop (erf);
	(erf) = vrcp.f32 v3;
	v3 =	vld [tilespmem:$0x620]  }
0x81: {  	[tilespmem:$0xD40] =	vst v5;
	v5 =	vpop (erf);
	(erf) = vrcp.f32 v4;
	v4 =	vld [tilespmem:$0x630]  }
0x82: {  	[tilespmem:$0xD50] =	vst v5;
	v5 =	vpop (erf);
	(erf) = vrcp.f32 v0;
	v0 =	vld [tilespmem:$0x640]  }
0x83: {  	[tilespmem:$0xD60] =	vst v5;
	v5 =	vpop (erf);
	(erf) = vrcp.f32 v1;
	v1 =	vld [tilespmem:$0x650]  }
0x84: {  	[tilespmem:$0xD70] =	vst v5;
	v5 =	vpop (erf);
	(erf) = vrcp.f32 v2;
	v2 =	vld [tilespmem:$0x660]  }
0x85: {  	[tilespmem:$0xD80] =	vst v5;
	v5 =	vpop (erf);
	(erf) = vrcp.f32 v3;
	v3 =	vld [tilespmem:$0x670]  }
0x86: {  	[tilespmem:$0xD90] =	vst v5;
	v5 =	vpop (erf);
	(erf) = vrcp.f32 v4;
	v4 =	vld [tilespmem:$0x680]  }
0x87: {  	[tilespmem:$0xDA0] =	vst v5;
	v5 =	vpop (erf);
	(erf) = vrcp.f32 v0;
	v0 =	vld [tilespmem:$0x690]  }
0x88: {  	[tilespmem:$0xDB0] =	vst v5;
	v5 =	vpop (erf);
	(erf) = vrcp.f32 v1;
	v1 =	vld [tilespmem:$0x6A0]  }
0x89: {  	[tilespmem:$0xDC0] =	vst v5;
	v5 =	vpop (erf);
	(erf) = vrcp.f32 v2;
	v2 =	vld [tilespmem:$0x6B0]  }
0x8a: {  	[tilespmem:$0xDD0] =	vst v5;
	v5 =	vpop (erf);
	(erf) = vrcp.f32 v3;
	v3 =	vld [tilespmem:$0x6C0]  }
0x8b: {  	[tilespmem:$0xDE0] =	vst v5;
	v5 =	vpop (erf);
	(erf) = vrcp.f32 v4;
	v4 =	vld [tilespmem:$0x6D0]  }
0x8c: {  	[tilespmem:$0xDF0] =	vst v5;
	v5 =	vpop (erf);
	(erf) = vrcp.f32 v0;
	v0 =	vld [tilespmem:$0x6E0]  }
0x8d: {  	[tilespmem:$0xE00] =	vst v5;
	v5 =	vpop (erf);
	(erf) = vrcp.f32 v1;
	v1 =	vld [tilespmem:$0x6F0]  }
0x8e: {  	[tilespmem:$0xE10] =	vst v5;
	v5 =	vpop (erf);
	(erf) = vrcp.f32 v2;
	v2 =	vld [tilespmem:$0x700]  }
0x8f: {  	[tilespmem:$0xE20] =	vst v5;
	v5 =	vpop (erf);
	(erf) = vrcp.f32 v3;
	v3 =	vld [tilespmem:$0x710]  }
0x90: {  	[tilespmem:$0xE30] =	vst v5;
	v5 =	vpop (erf);
	(erf) = vrcp.f32 v4;
	v4 =	vld [tilespmem:$0x720]  }
0x91: {  	[tilespmem:$0xE40] =	vst v5;
	v5 =	vpop (erf);
	(erf) = vrcp.f32 v0;
	v0 =	vld [tilespmem:$0x730]  }
0x92: {  	[tilespmem:$0xE50] =	vst v5;
	v5 =	vpop (erf);
	(erf) = vrcp.f32 v1;
	v1 =	vld [tilespmem:$0x740]  }
0x93: {  	[tilespmem:$0xE60] =	vst v5;
	v5 =	vpop (erf);
	(erf) = vrcp.f32 v2;
	v2 =	vld [tilespmem:$0x750]  }
0x94: {  	[tilespmem:$0xE70] =	vst v5;
	v5 =	vpop (erf);
	(erf) = vrcp.f32 v3;
	v3 =	vld [tilespmem:$0x760]  }
0x95: {  	[tilespmem:$0xE80] =	vst v5;
	v5 =	vpop (erf);
	(erf) = vrcp.f32 v4;
	v4 =	vld [tilespmem:$0x770]  }
0x96: {  	[tilespmem:$0xE90] =	vst v5;
	v5 =	vpop (erf);
	(erf) = vrcp.f32 v0;
	v0 =	vld [tilespmem:$0x780]  }
0x97: {  	[tilespmem:$0xEA0] =	vst v5;
	v5 =	vpop (erf);
	(erf) = vrcp.f32 v1;
	v1 =	vld [tilespmem:$0x790]  }
0x98: {  	[tilespmem:$0xEB0] =	vst v5;
	v5 =	vpop (erf);
	(erf) = vrcp.f32 v2;
	v2 =	vld [tilespmem:$0x7A0]  }
0x99: {  	[tilespmem:$0xEC0] =	vst v5;
	v5 =	vpop (erf);
	(erf) = vrcp.f32 v3;
	v3 =	vld [tilespmem:$0x7B0]  }
0x9a: {  	[tilespmem:$0xED0] =	vst v5;
	v5 =	vpop (erf);
	(erf) = vrcp.f32 v4;
	v4 =	vld [tilespmem:$0x7C0]  }
0x9b: {  	[tilespmem:$0xEE0] =	vst v5;
	v5 =	vpop (erf);
	(erf) = vrcp.f32 v0;
	v0 =	vld [tilespmem:$0x7D0]  }
0x9c: {  	[tilespmem:$0xEF0] =	vst v5;
	v5 =	vpop (erf);
	(erf) = vrcp.f32 v1;
	v1 =	vld [tilespmem:$0x7E0]  }
0x9d: {  	[tilespmem:$0xF00] =	vst v5;
	v5 =	vpop (erf);
	(erf) = vrcp.f32 v2;
	v2 =	vld [tilespmem:$0x7F0]  }
0x9e: {  	[tilespmem:$0xF10] =	vst v5;
	v5 =	vpop (erf);
	(erf) = vrcp.f32 v3  }
0x9f: {  	[tilespmem:$0xF20] =	vst v5;
	v3 =	vpop (erf);
	(erf) = vrcp.f32 v4  }
0xa0: {  	[tilespmem:$0xF30] =	vst v3;
	v3 =	vpop (erf);
	(erf) = vrcp.f32 v0  }
0xa1: {  	[tilespmem:$0xF40] =	vst v3;
	v0 =	vpop (erf);
	(erf) = vrcp.f32 v1  }
0xa2: {  	[tilespmem:$0xF50] =	vst v0;
	v0 =	vpop (erf);
	(erf) = vrcp.f32 v2  }
0xa3: {  	v1 =	vpop (erf);
	[tilespmem:$0xF60] =	vst v0  }
0xa4: {  	v0 =	vpop (erf);
	[tilespmem:$0xF70] =	vst v1  }
0xa5: {  	v1 =	vpop (erf);
	[tilespmem:$0xF80] =	vst v0  }
0xa6: {  	v0 =	vpop (erf);
	[tilespmem:$0xF90] =	vst v1  }
0xa7: {  	v1 =	vpop (erf);
	[tilespmem:$0xFA0] =	vst v0  }
0xa8: {  	v0 =	vpop (erf);
	[tilespmem:$0xFB0] =	vst v1  }
0xa9: {  	v1 =	vpop (erf);
	[tilespmem:$0xFC0] =	vst v0  }
0xaa: {  	v0 =	vpop (erf);
	[tilespmem:$0xFD0] =	vst v1  }
0xab: {  	[tilespmem:$0xFE0] =	vst v0;
	v0 =	vpop (erf)  }
0xac: {  	[tilespmem:$0xFF0] =	vst v0  }
0xad: {  	[tilespmem:s8], [sflag:$0x1] =	stream.linear.gather [hbm4b:s4+s3], $0x4000, $0x38;
	[tilespmem:$0x11000] =	vst v63  }
0xae: {  	s2 =	sand.u32 $0x60, s3;
	_ =	swait.ge [sflag:s9], $0x4000  }
0xaf: {  	s14 =	sand.u32 $0x780, s3;
	s0 =	sor.u32 $0x10, s2;
	[sflag:s9] =	ssyncset.done $0x0  }
0xb0: {  	s13 =	sand.u32 $0x3C00, s3;
	s14 =	sor.u32 s14, s0;
	[sflag:s9] =	ssyncadd.s32 $0xFFFFC000  }
0xb1: {  	s0 =	sor.u32 s13, s0;
	v1 =	vld [tilespmem:s14+$0x800]  }
0xb2: {  	v0 =	vld [tilespmem:s0+$0x1000]  }
0xb3: {  	v2 =	vld [tilespmem:s0+$0x1080]  }
0xb4: {  	v3 =	vld [tilespmem:s0+$0x1100]  }
0xb5: {  	v8 =	vld [tilespmem:s0+$0x1180]  }
0xb6: {  	v9 =	vld [tilespmem:s0+$0x1200]  }
0xb7: {  	v10 =	vld [tilespmem:s0+$0x1280];
	_ =	sdelay $0x1  }
0xb8: {  	v4 =	vand.u32 $0x7FFFFFFF, v0;
	vm1 =	vlt.f32 v0, $0.0e+00;
	vm0 =	vlt.f32 v2, $0.0e+00  }
0xb9: {  	v0 =	vand.u32 $0x7FFFFFFF, v2;
	v2 =	vand.u32 $0x7FFFFFFF, v3;
	v5 =	vand.u32 $0x7FFFFFFF, v8  }
0xba: {  	v6 =	vand.u32 $0x7FFFFFFF, v9;
	v4 =	vmul.f32 v4, v1;
	v0 =	vmul.f32 v0, v1  }
0xbb: {  	v7 =	vand.u32 $0x7FFFFFFF, v10;
	v2 =	vmul.f32 v2, v1;
	v5 =	vmul.f32 v5, v1  }
0xbc: {  	v6 =	vmul.f32 v6, v1;
	v11 =	vmul.f32 v7, v1;
	v7 =	vmin.f32 v4, $4.000000000e+00  }
0xbd: {  	v12 =	vadd.f32 v4, v4;
	v13 =	vadd.f32 v0, v0;
	v14 =	vmin.f32 v0, $4.000000000e+00  }
0xbe: {  	v15 =	vadd.f32 v2, v2;
	v16 =	vadd.f32 v5, v5;
	v17 =	vmin.f32 v2, $4.000000000e+00  }
0xbf: {  	v18 =	vadd.f32 v6, v6;
	v19 =	vadd.f32 v11, v11;
	v20 =	vmin.f32 v5, $4.000000000e+00  }
0xc0: {  	v21 =	vmin.f32 v6, $4.000000000e+00;
	v7 =	vadd.f32 $1.258291200e+07, v7;
	v14 =	vadd.f32 $1.258291200e+07, v14  }
0xc1: {  	v22 =	vmin.f32 v11, $4.000000000e+00;
	v17 =	vadd.f32 $1.258291200e+07, v17;
	v20 =	vadd.f32 $1.258291200e+07, v20  }
0xc2: {  	vm2 =	vlt.f32 v4, $2.500000000e+00;
	v21 =	vadd.f32 $1.258291200e+07, v21;
	v22 =	vadd.f32 $1.258291200e+07, v22  }
0xc3: {  	vm3 =	vlt.f32 v4, $5.000000000e+00;
	v12 =	vadd.f32 $1.258291200e+07, v12;
	v4 =	vadd.f32 $1.258291200e+07, v13  }
0xc4: {  	v15 =	vadd.f32 $1.258291200e+07, v15;
	v7 =	vadd.f32 $-1.258291200e+07, v7  }
0xc5: {  	v13 =	vadd.f32 $-1.258291200e+07, v14;
	v14 =	vadd.f32 $-1.258291200e+07, v17  }
0xc6: {  	v17 =	vadd.f32 $-1.258291200e+07, v20;
	v20 =	vadd.f32 $-1.258291200e+07, v21  }
0xc7: {  	v53 =	vadd.f32 $-1.258291200e+07, v22;
	v12 =	vadd.f32 $-1.258291200e+07, v12  }
0xc8: {  	v4 =	vadd.f32 $-1.258291200e+07, v4;
	v7 =	vnsel vm3, $0x40C00000, v7;
	vm3 =	vlt.f32 v0, $5.000000000e+00  }
0xc9: {  	v13 =	vnsel vm3, $0x40C00000, v13;
	vm3 =	vlt.f32 v2, $5.000000000e+00;
	v12 =	vmin.f32 v12, $4.000000000e+00  }
0xca: {  	v4 =	vmin.f32 v4, $4.000000000e+00;
	v14 =	vnsel vm3, $0x40C00000, v14;
	vm3 =	vlt.f32 v5, $5.000000000e+00  }
0xcb: {  	v12 =	vmul.f32 $5.000000000e-01, v12;
	v17 =	vnsel vm3, $0x40C00000, v17;
	vm3 =	vlt.f32 v6, $5.000000000e+00  }
0xcc: {  	v4 =	vmul.f32 $5.000000000e-01, v4;
	v20 =	vnsel vm3, $0x40C00000, v20;
	vm3 =	vlt.f32 v11, $5.000000000e+00  }
0xcd: {  	v7 =	vsel vm2, v12, v7;
	v12 =	vadd.f32 $-1.258291200e+07, v15;
	v15 =	vadd.f32 $1.258291200e+07, v18  }
0xce: {  	v21 =	vnsel vm3, $0x40C00000, v53;
	vm3 =	vlt.f32 v0, $2.500000000e+00;
	v0 =	vadd.f32 $1.258291200e+07, v16  }
0xcf: {  	vm2 =	vlt.f32 v2, $2.500000000e+00;
	v2 =	vld [tilespmem:s14+$0x0];
	v16 =	vadd.f32 $1.258291200e+07, v19;
	v12 =	vmin.f32 v12, $4.000000000e+00  }
0xd0: {  	v15 =	vadd.f32 $-1.258291200e+07, v15;
	v0 =	vadd.f32 $-1.258291200e+07, v0;
	v12 =	vmul.f32 $5.000000000e-01, v12  }
0xd1: {  	v4 =	vsel vm3, v4, v13;
	vm3 =	vlt.f32 v5, $2.500000000e+00;
	v5 =	vadd.f32 $-1.258291200e+07, v16  }
0xd2: {  	v13 =	vmin.f32 v15, $4.000000000e+00;
	v0 =	vmin.f32 v0, $4.000000000e+00;
	v12 =	vsel vm2, v12, v14  }
0xd3: {  	vm2 =	vlt.f32 v3, $0.0e+00;
	v3 =	vmul.f32 $5.000000000e-01, v13;
	v0 =	vmul.f32 $5.000000000e-01, v0  }
0xd4: {  	s18 =	sor.u32 s2, s13;
	v5 =	vmin.f32 v5, $4.000000000e+00;
	v13 =	vmul.f32 v7, v2;
	v15 =	vmul.f32 v4, v2  }
0xd5: {  	v14 =	vld [tilespmem:s18+$0x1000];
	v5 =	vmul.f32 $5.000000000e-01, v5;
	v0 =	vsel vm3, v0, v17;
	vm3 =	vlt.f32 v6, $2.500000000e+00  }
0xd6: {  	v7 =	vld [tilespmem:s18+$0x1080];
	v4 =	vsel vm3, v3, v20;
	vm3 =	vlt.f32 v11, $2.500000000e+00;
	v11 =	vsub.f32 $0.0e+00, v13  }
0xd7: {  	v12 =	vmul.f32 v12, v2;
	v16 =	vsub.f32 $0.0e+00, v15;
	v6 =	vld [tilespmem:s18+$0x1100];
	v0 =	vmul.f32 v0, v2  }
0xd8: {  	v3 =	vld [tilespmem:s18+$0x1180];
	v5 =	vsel vm3, v5, v21;
	v17 =	vmul.f32 v4, v2;
	v11 =	vsel vm1, v11, v13  }
0xd9: {  	s17 =	simm.s32 $0x800;
	v4 =	vld [tilespmem:s18+$0x1200];
	v13 =	vsub.f32 $0.0e+00, v12;
	[tilespmem:s0+$0x9000] =	vst v11;
	v11 =	vsel vm0, v16, v15;
	v15 =	vsub.f32 $0.0e+00, v0  }
0xda: {  	v16 =	vmul.f32 v5, v2;
	v5 =	vld [tilespmem:s17+$0x0];
	vm0 =	vlt.f32 v8, $0.0e+00  }
0xdb: {  	s19 =	sand.u32 $0x3, s3;
	v8 =	vld [tilespmem:s18+$0x1280];
	[tilespmem:s0+$0x9080] =	vst v11;
	v11 =	vsel vm2, v13, v12;
	v12 =	vsub.f32 $0.0e+00, v17;
	v0 =	vsel vm0, v15, v0  }
0xdc: {  	s20 =	sshll.u32 s19, $0x5;
	[tilespmem:s0+$0x9100] =	vst v11;
	vm0 =	vlt.f32 v9, $0.0e+00;
	v9 =	vsub.f32 $0.0e+00, v16;
	v11 =	vand.u32 $0x7FFFFFFF, v6  }
0xdd: {  	s14 =	sadd.s32 $0x0, s20;
	[tilespmem:s0+$0x9180] =	vst v0;
	v0 =	vsel vm0, v12, v17;
	vm0 =	vlt.f32 v10, $0.0e+00;
	v10 =	vand.u32 $0x7FFFFFFF, v7  }
0xde: {  	s2 =	sadd.s32 $0x10, s14;
	v12 =	vand.u32 $0x7FFFFFFF, v4;
	[tilespmem:s0+$0x9200] =	vst v0;
	v0 =	vsel vm0, v9, v16;
	v9 =	vand.u32 $0x7FFFFFFF, v14  }
0xdf: {  	s21 =	sor.u32 $0x300, s2;
	[tilespmem:s0+$0x9280] =	vst v0;
	v0 =	vand.u32 $0x7FFFFFFF, v3;
	v9 =	vmul.f32 v9, v5;
	v10 =	vmul.f32 v10, v5  }
0xe0: {  	v15 =	vand.u32 $0x7FFFFFFF, v8;
	v11 =	vmul.f32 v11, v5;
	v12 =	vmul.f32 v12, v5;
	v13 =	vld [tilespmem:s21+$0x1000]  }
0xe1: {  	vm0 =	vlt.f32 v14, $0.0e+00;
	v14 =	vmul.f32 v0, v5;
	v15 =	vmul.f32 v15, v5  }
0xe2: {  	v0 =	vadd.f32 v9, v9;
	v16 =	vadd.f32 v10, v10;
	v17 =	vmin.f32 v9, $4.000000000e+00  }
0xe3: {  	v18 =	vadd.f32 v11, v11;
	v20 =	vadd.f32 v12, v12;
	v23 =	vmin.f32 v10, $4.000000000e+00  }
0xe4: {  	v24 =	vmin.f32 v11, $4.000000000e+00;
	v27 =	vmin.f32 v12, $4.000000000e+00;
	v19 =	vadd.f32 v14, v14  }
0xe5: {  	v55 =	vadd.f32 v15, v15;
	v17 =	vadd.f32 $1.258291200e+07, v17;
	v54 =	vand.u32 $0x7FFFFFFF, v13  }
0xe6: {  	v56 =	vadd.f32 $1.258291200e+07, v23;
	v57 =	vadd.f32 $1.258291200e+07, v24;
	v21 =	vmul.f32 v54, v1  }
0xe7: {  	v60 =	vadd.f32 $1.258291200e+07, v27;
	v0 =	vadd.f32 $1.258291200e+07, v0  }
0xe8: {  	v16 =	vadd.f32 $1.258291200e+07, v16;
	v25 =	vadd.f32 v21, v21  }
0xe9: {  	v26 =	vmin.f32 v14, $4.000000000e+00;
	v18 =	vadd.f32 $1.258291200e+07, v18;
	v20 =	vadd.f32 $1.258291200e+07, v20  }
0xea: {  	v28 =	vmin.f32 v15, $4.000000000e+00;
	v59 =	vadd.f32 $1.258291200e+07, v26;
	v25 =	vadd.f32 $1.258291200e+07, v25  }
0xeb: {  	v61 =	vadd.f32 $1.258291200e+07, v28;
	v19 =	vadd.f32 $1.258291200e+07, v19;
	v29 =	vmin.f32 v21, $4.000000000e+00  }
0xec: {  	vm1 =	vlt.f32 v9, $5.000000000e+00;
	v29 =	vadd.f32 $1.258291200e+07, v29;
	v25 =	vadd.f32 $-1.258291200e+07, v25  }
0xed: {  	vm3 =	vlt.f32 v11, $5.000000000e+00;
	v22 =	vadd.f32 $1.258291200e+07, v55;
	v33 =	vadd.f32 $-1.258291200e+07, v60  }
0xee: {  	v0 =	vadd.f32 $-1.258291200e+07, v0;
	v29 =	vadd.f32 $-1.258291200e+07, v29;
	v25 =	vmin.f32 v25, $4.000000000e+00  }
0xef: {  	v16 =	vadd.f32 $-1.258291200e+07, v16;
	vm2 =	vlt.f32 v21, $5.000000000e+00;
	v25 =	vmul.f32 $5.000000000e-01, v25  }
0xf0: {  	v18 =	vadd.f32 $-1.258291200e+07, v18;
	v29 =	vnsel vm2, $0x40C00000, v29;
	vm2 =	vlt.f32 v21, $2.500000000e+00  }
0xf1: {  	v20 =	vadd.f32 $-1.258291200e+07, v20;
	v32 =	vadd.f32 $-1.258291200e+07, v59;
	v58 =	vsel vm2, v25, v29  }
0xf2: {  	v19 =	vadd.f32 $-1.258291200e+07, v19;
	v22 =	vadd.f32 $-1.258291200e+07, v22;
	v24 =	vmul.f32 v58, v2  }
0xf3: {  	v0 =	vmin.f32 v0, $4.000000000e+00;
	v16 =	vmin.f32 v16, $4.000000000e+00;
	v18 =	vmin.f32 v18, $4.000000000e+00  }
0xf4: {  	v20 =	vmin.f32 v20, $4.000000000e+00;
	v19 =	vmin.f32 v19, $4.000000000e+00;
	v62 =	vsub.f32 $0.0e+00, v24  }
0xf5: {  	v22 =	vmin.f32 v22, $4.000000000e+00;
	v63 =	vmul.f32 $5.000000000e-01, v0;
	vm2 =	vlt.f32 v13, $0.0e+00  }
0xf6: {  	v0 =	vadd.f32 $-1.258291200e+07, v17;
	v16 =	vmul.f32 $5.000000000e-01, v16;
	v31 =	vsel vm2, v62, v24  }
0xf7: {  	s13 =	sor.u32 $0x380, s2;
	v17 =	vadd.f32 $-1.258291200e+07, v57;
	v18 =	vmul.f32 $5.000000000e-01, v18;
	v20 =	vmul.f32 $5.000000000e-01, v20;
	[tilespmem:s21+$0x9000] =	vst v31  }
0xf8: {  	v34 =	vadd.f32 $-1.258291200e+07, v61;
	v19 =	vmul.f32 $5.000000000e-01, v19;
	v22 =	vmul.f32 $5.000000000e-01, v22;
	v35 =	vld [tilespmem:s13+$0x1000]  }
0xf9: {  	v36 =	vnsel vm1, $0x40C00000, v0;
	vm1 =	vlt.f32 v14, $5.000000000e+00;
	v17 =	vnsel vm3, $0x40C00000, v17  }
0xfa: {  	vm3 =	vlt.f32 v15, $5.000000000e+00;
	v23 =	vnsel vm1, $0x40C00000, v32;
	v13 =	vadd.f32 $-1.258291200e+07, v56  }
0xfb: {  	vm1 =	vlt.f32 v9, $2.500000000e+00;
	v21 =	vnsel vm3, $0x40C00000, v34;
	vm2 =	vlt.f32 v10, $5.000000000e+00  }
0xfc: {  	v0 =	vld [tilespmem:s3+$0x0];
	vm3 =	vlt.f32 v11, $2.500000000e+00;
	v13 =	vnsel vm2, $0x40C00000, v13;
	vm2 =	vlt.f32 v12, $5.000000000e+00  }
0xfd: {  	v9 =	vnsel vm2, $0x40C00000, v33;
	vm2 =	vlt.f32 v10, $2.500000000e+00;
	v37 =	vand.u32 $0x7FFFFFFF, v35  }
0xfe: {  	v10 =	vsel vm1, v63, v36;
	vm1 =	vlt.f32 v14, $2.500000000e+00;
	v1 =	vmul.f32 v37, v1  }
0xff: {  	v11 =	vsel vm2, v16, v13;
	vm2 =	vlt.f32 v12, $2.500000000e+00;
	v12 =	vsel vm3, v18, v17  }
0x100: {  	vm3 =	vlt.f32 v15, $2.500000000e+00;
	v14 =	vsel vm1, v19, v23;
	v13 =	vadd.f32 v1, v1  }
0x101: {  	v10 =	vmul.f32 v10, v0;
	vm1 =	vlt.f32 v7, $0.0e+00;
	v9 =	vsel vm2, v20, v9  }
0x102: {  	v15 =	vsel vm3, v22, v21;
	v11 =	vmul.f32 v11, v0;
	v13 =	vadd.f32 $1.258291200e+07, v13  }
0x103: {  	s19 =	simm.s32 $0x20;
	v12 =	vmul.f32 v12, v0;
	v14 =	vmul.f32 v14, v0;
	v16 =	vmin.f32 v1, $4.000000000e+00  }
0x104: {  	s15 =	simm.s32 $0x100;
	s22 =	sand.u32 $0x60, s19;
	vm3 =	vlt.f32 v6, $0.0e+00;
	v16 =	vadd.f32 $1.258291200e+07, v16;
	v13 =	vadd.f32 $-1.258291200e+07, v13  }
0x105: {  	s15 =	sand.u32 $0x3C00, s15;
	s23 =	sor.u32 $0x10, s22;
	v9 =	vmul.f32 v9, v0;
	v15 =	vmul.f32 v15, v0;
	v17 =	vsub.f32 $0.0e+00, v10  }
0x106: {  	s16 =	sand.u32 $0x780, s19;
	s0 =	sor.u32 s15, s23;
	v19 =	vsub.f32 $0.0e+00, v14;
	v7 =	vmin.f32 v13, $4.000000000e+00;
	v13 =	vadd.f32 $-1.258291200e+07, v16  }
0x107: {  	s16 =	sor.u32 s16, s23;
	v39 =	vld [tilespmem:s0+$0x1200];
	vm2 =	vlt.f32 v1, $5.000000000e+00;
	v16 =	vsub.f32 $0.0e+00, v11;
	v18 =	vmul.f32 $5.000000000e-01, v7  }
0x108: {  	v20 =	vsub.f32 $0.0e+00, v9;
	v7 =	vld [tilespmem:s16+$0x800];
	v6 =	vnsel vm2, $0x40C00000, v13;
	vm2 =	vlt.f32 v1, $2.500000000e+00  }
0x109: {  	v1 =	vld [tilespmem:s0+$0x1000];
	v13 =	vsub.f32 $0.0e+00, v12;
	v11 =	vsel vm1, v16, v11;
	v6 =	vsel vm2, v18, v6  }
0x10a: {  	vm1 =	vlt.f32 v8, $0.0e+00;
	v18 =	vld [tilespmem:s0+$0x1080];
	vm2 =	vlt.f32 v3, $0.0e+00;
	v3 =	vmul.f32 v6, v2  }
0x10b: {  	v38 =	vld [tilespmem:s0+$0x1100];
	v6 =	vsub.f32 $0.0e+00, v15;
	v2 =	vsel vm0, v17, v10;
	vm0 =	vlt.f32 v4, $0.0e+00  }
0x10c: {  	v17 =	vld [tilespmem:s0+$0x1180];
	v12 =	vsel vm3, v13, v12;
	v10 =	vsel vm2, v19, v14;
	vm2 =	vlt.f32 v35, $0.0e+00  }
0x10d: {  	v13 =	vld [tilespmem:s0+$0x1280];
	v4 =	vsub.f32 $0.0e+00, v3;
	v8 =	vsel vm1, v6, v15;
	v15 =	vand.u32 $0x7FFFFFFF, v39  }
0x10e: {  	v9 =	vsel vm0, v20, v9;
	vm1 =	vlt.f32 v1, $0.0e+00;
	v15 =	vmul.f32 v15, v7  }
0x10f: {  	v6 =	vsel vm2, v4, v3;
	v3 =	vand.u32 $0x7FFFFFFF, v1;
	vm0 =	vlt.f32 v18, $0.0e+00  }
0x110: {  	v1 =	vand.u32 $0x7FFFFFFF, v18;
	v4 =	vand.u32 $0x7FFFFFFF, v38;
	v3 =	vmul.f32 v3, v7  }
0x111: {  	v14 =	vand.u32 $0x7FFFFFFF, v17;
	v1 =	vmul.f32 v1, v7;
	v4 =	vmul.f32 v4, v7  }
0x112: {  	v16 =	vand.u32 $0x7FFFFFFF, v13;
	v44 =	vadd.f32 v15, v15;
	v30 =	vmin.f32 v15, $4.000000000e+00  }
0x113: {  	v14 =	vmul.f32 v14, v7;
	v18 =	vmul.f32 v16, v7;
	v30 =	vadd.f32 $1.258291200e+07, v30  }
0x114: {  	v16 =	vmin.f32 v3, $4.000000000e+00;
	v19 =	vadd.f32 v3, v3;
	v20 =	vadd.f32 v1, v1  }
0x115: {  	v40 =	vmin.f32 v1, $4.000000000e+00;
	v41 =	vadd.f32 v4, v4;
	v42 =	vadd.f32 v14, v14  }
0x116: {  	s17 =	sor.u32 s22, s15;
	v43 =	vmin.f32 v4, $4.000000000e+00;
	v45 =	vadd.f32 v18, v18;
	v16 =	vadd.f32 $1.258291200e+07, v16  }
0x117: {  	v53 =	vld [tilespmem:s17+$0x1000];
	v46 =	vmin.f32 v14, $4.000000000e+00;
	v23 =	vadd.f32 $1.258291200e+07, v40;
	v26 =	vadd.f32 $1.258291200e+07, v43  }
0x118: {  	v31 =	vmin.f32 v18, $4.000000000e+00;
	v49 =	vadd.f32 $-1.258291200e+07, v30;
	v29 =	vadd.f32 $1.258291200e+07, v46  }
0x119: {  	vm2 =	vlt.f32 v3, $2.500000000e+00;
	v31 =	vadd.f32 $1.258291200e+07, v31;
	v19 =	vadd.f32 $1.258291200e+07, v19  }
0x11a: {  	vm3 =	vlt.f32 v3, $5.000000000e+00;
	v3 =	vadd.f32 $1.258291200e+07, v20;
	v24 =	vadd.f32 $1.258291200e+07, v41  }
0x11b: {  	v16 =	vadd.f32 $-1.258291200e+07, v16;
	v20 =	vadd.f32 $-1.258291200e+07, v23  }
0x11c: {  	v61 =	vand.u32 $0x7FFFFFFF, v53;
	v47 =	vadd.f32 $-1.258291200e+07, v26;
	v48 =	vadd.f32 $-1.258291200e+07, v29  }
0x11d: {  	v19 =	vadd.f32 $-1.258291200e+07, v19;
	v16 =	vnsel vm3, $0x40C00000, v16;
	vm3 =	vlt.f32 v1, $5.000000000e+00  }
0x11e: {  	v3 =	vadd.f32 $-1.258291200e+07, v3;
	v20 =	vnsel vm3, $0x40C00000, v20;
	vm3 =	vlt.f32 v4, $5.000000000e+00  }
0x11f: {  	v19 =	vmin.f32 v19, $4.000000000e+00;
	v23 =	vnsel vm3, $0x40C00000, v47;
	vm3 =	vlt.f32 v14, $5.000000000e+00  }
0x120: {  	v19 =	vmul.f32 $5.000000000e-01, v19;
	v26 =	vnsel vm3, $0x40C00000, v48;
	vm3 =	vlt.f32 v15, $5.000000000e+00  }
0x121: {  	v50 =	vadd.f32 $-1.258291200e+07, v31;
	v51 =	vmin.f32 v3, $4.000000000e+00;
	v29 =	vnsel vm3, $0x40C00000, v49  }
0x122: {  	v3 =	vld [tilespmem:s16+$0x0];
	vm3 =	vlt.f32 v18, $5.000000000e+00;
	v16 =	vsel vm2, v19, v16;
	vm2 =	vlt.f32 v4, $2.500000000e+00  }
0x123: {  	v4 =	vadd.f32 $-1.258291200e+07, v24;
	v19 =	vadd.f32 $1.258291200e+07, v44;
	v24 =	vmul.f32 $5.000000000e-01, v51  }
0x124: {  	v30 =	vnsel vm3, $0x40C00000, v50;
	vm3 =	vlt.f32 v1, $2.500000000e+00;
	v1 =	vadd.f32 $1.258291200e+07, v42  }
0x125: {  	v52 =	vadd.f32 $1.258291200e+07, v45;
	v4 =	vmin.f32 v4, $4.000000000e+00;
	v19 =	vadd.f32 $-1.258291200e+07, v19  }
0x126: {  	v20 =	vsel vm3, v24, v20;
	vm3 =	vlt.f32 v14, $2.500000000e+00;
	v1 =	vadd.f32 $-1.258291200e+07, v1  }
0x127: {  	v14 =	vadd.f32 $-1.258291200e+07, v52;
	v54 =	vmul.f32 v16, v3;
	v4 =	vmul.f32 $5.000000000e-01, v4  }
0x128: {  	v20 =	vmul.f32 v20, v3;
	v19 =	vmin.f32 v19, $4.000000000e+00;
	v1 =	vmin.f32 v1, $4.000000000e+00  }
0x129: {  	v14 =	vmin.f32 v14, $4.000000000e+00;
	v4 =	vsel vm2, v4, v23;
	v1 =	vmul.f32 $5.000000000e-01, v1  }
0x12a: {  	vm2 =	vlt.f32 v38, $0.0e+00;
	v19 =	vmul.f32 $5.000000000e-01, v19;
	v56 =	vmul.f32 v4, v3  }
0x12b: {  	v55 =	vld [tilespmem:s17+$0x1080];
	v1 =	vsel vm3, v1, v26;
	vm3 =	vlt.f32 v15, $2.500000000e+00;
	v15 =	vmul.f32 $5.000000000e-01, v14  }
0x12c: {  	v4 =	vld [tilespmem:s17+$0x1280];
	v19 =	vsel vm3, v19, v29;
	vm3 =	vlt.f32 v18, $2.500000000e+00;
	v18 =	vsub.f32 $0.0e+00, v54  }
0x12d: {  	v16 =	vld [tilespmem:s17+$0x1100];
	v57 =	vsub.f32 $0.0e+00, v20;
	v59 =	vsub.f32 $0.0e+00, v56;
	v58 =	vmul.f32 v1, v3  }
0x12e: {  	s25 =	simm.s32 $0x820;
	v14 =	vld [tilespmem:s17+$0x1180];
	v1 =	vsel vm3, v15, v30;
	v19 =	vmul.f32 v19, v3;
	v18 =	vsel vm1, v18, v54  }
0x12f: {  	v60 =	vmul.f32 v1, v3;
	v1 =	vld [tilespmem:s25+$0x0];
	[tilespmem:s0+$0x9000] =	vst v18;
	v18 =	vsel vm0, v57, v20;
	v20 =	vsub.f32 $0.0e+00, v58  }
0x130: {  	v15 =	vld [tilespmem:s17+$0x1200];
	vm0 =	vlt.f32 v17, $0.0e+00;
	v17 =	vsub.f32 $0.0e+00, v19;
	[tilespmem:s0+$0x9080] =	vst v18;
	v18 =	vsel vm2, v59, v56  }
0x131: {  	v62 =	vand.u32 $0x7FFFFFFF, v4;
	[tilespmem:s0+$0x9100] =	vst v18;
	v18 =	vsel vm0, v20, v58;
	vm0 =	vlt.f32 v39, $0.0e+00  }
0x132: {  	s24 =	simm.s32 $0x1;
	v20 =	vsub.f32 $0.0e+00, v60;
	v17 =	vsel vm0, v17, v19;
	vm0 =	vlt.f32 v13, $0.0e+00  }
0x133: {  	s2 =	sand.u32 $0x3, s24;
	[tilespmem:s0+$0x9180] =	vst v18;
	v13 =	vand.u32 $0x7FFFFFFF, v55;
	v18 =	vand.u32 $0x7FFFFFFF, v16;
	v19 =	vand.u32 $0x7FFFFFFF, v14  }
0x134: {  	s2 =	sshll.u32 s2, $0x5;
	[tilespmem:s0+$0x9200] =	vst v17;
	v17 =	vsel vm0, v20, v60;
	v63 =	vmul.f32 v13, v1;
	v18 =	vmul.f32 v18, v1  }
0x135: {  	s15 =	sadd.s32 $0x100, s2;
	v20 =	vand.u32 $0x7FFFFFFF, v15;
	v19 =	vmul.f32 v19, v1;
	v23 =	vmul.f32 v62, v1  }
0x136: {  	s2 =	sadd.s32 $0x10, s15;
	[tilespmem:s0+$0x9280] =	vst v17;
	v17 =	vmul.f32 v61, v1;
	v20 =	vmul.f32 v20, v1  }
0x137: {  	s26 =	sor.u32 $0x300, s2;
	v41 =	vadd.f32 v63, v63;
	v42 =	vadd.f32 v18, v18;
	v43 =	vmin.f32 v63, $4.000000000e+00  }
0x138: {  	v13 =	vld [tilespmem:s26+$0x1000];
	v44 =	vadd.f32 v19, v19;
	v46 =	vadd.f32 v23, v23;
	v32 =	vmin.f32 v18, $4.000000000e+00  }
0x139: {  	v33 =	vmin.f32 v19, $4.000000000e+00;
	v22 =	vadd.f32 v17, v17;
	v45 =	vadd.f32 v20, v20  }
0x13a: {  	v36 =	vmin.f32 v23, $4.000000000e+00;
	v27 =	vadd.f32 $1.258291200e+07, v43;
	v32 =	vadd.f32 $1.258291200e+07, v32  }
0x13b: {  	v40 =	vmin.f32 v17, $4.000000000e+00;
	v48 =	vadd.f32 $1.258291200e+07, v33;
	v50 =	vadd.f32 $1.258291200e+07, v36  }
0x13c: {  	v35 =	vmin.f32 v20, $4.000000000e+00;
	v25 =	vadd.f32 $1.258291200e+07, v41;
	v26 =	vadd.f32 $1.258291200e+07, v42  }
0x13d: {  	v28 =	vadd.f32 $1.258291200e+07, v44;
	v30 =	vadd.f32 $1.258291200e+07, v46;
	v47 =	vand.u32 $0x7FFFFFFF, v13  }
0x13e: {  	v24 =	vadd.f32 $1.258291200e+07, v40;
	v49 =	vadd.f32 $1.258291200e+07, v35;
	v31 =	vmul.f32 v47, v7  }
0x13f: {  	v22 =	vadd.f32 $1.258291200e+07, v22;
	v29 =	vadd.f32 $1.258291200e+07, v45  }
0x140: {  	v27 =	vadd.f32 $-1.258291200e+07, v27;
	v34 =	vadd.f32 v31, v31  }
0x141: {  	v32 =	vadd.f32 $-1.258291200e+07, v32;
	v25 =	vadd.f32 $-1.258291200e+07, v25  }
0x142: {  	vm1 =	vlt.f32 v53, $0.0e+00;
	v26 =	vadd.f32 $-1.258291200e+07, v26;
	v34 =	vadd.f32 $1.258291200e+07, v34  }
0x143: {  	v28 =	vadd.f32 $-1.258291200e+07, v28;
	v30 =	vadd.f32 $-1.258291200e+07, v30;
	v37 =	vmin.f32 v31, $4.000000000e+00  }
0x144: {  	vm2 =	vlt.f32 v55, $0.0e+00;
	v37 =	vadd.f32 $1.258291200e+07, v37;
	v34 =	vadd.f32 $-1.258291200e+07, v34  }
0x145: {  	vm0 =	vlt.f32 v17, $5.000000000e+00;
	v24 =	vadd.f32 $-1.258291200e+07, v24;
	v33 =	vadd.f32 $-1.258291200e+07, v49  }
0x146: {  	v22 =	vadd.f32 $-1.258291200e+07, v22;
	v37 =	vadd.f32 $-1.258291200e+07, v37;
	v34 =	vmin.f32 v34, $4.000000000e+00  }
0x147: {  	v29 =	vadd.f32 $-1.258291200e+07, v29;
	vm3 =	vlt.f32 v31, $5.000000000e+00;
	v34 =	vmul.f32 $5.000000000e-01, v34  }
0x148: {  	[tilespmem:s18+$0x9080] =	vst v11;
	v25 =	vmin.f32 v25, $4.000000000e+00;
	v37 =	vnsel vm3, $0x40C00000, v37;
	vm3 =	vlt.f32 v31, $2.500000000e+00  }
0x149: {  	[tilespmem:s18+$0x9000] =	vst v2;
	v26 =	vmin.f32 v26, $4.000000000e+00;
	v28 =	vmin.f32 v28, $4.000000000e+00;
	v34 =	vsel vm3, v34, v37  }
0x14a: {  	[tilespmem:s18+$0x9100] =	vst v12;
	v24 =	vnsel vm0, $0x40C00000, v24;
	vm0 =	vlt.f32 v18, $5.000000000e+00;
	v34 =	vmul.f32 v34, v3  }
0x14b: {  	s23 =	simm.s32 $0x40;
	[tilespmem:s18+$0x9180] =	vst v10;
	v22 =	vmin.f32 v22, $4.000000000e+00;
	v26 =	vmul.f32 $5.000000000e-01, v26;
	v32 =	vnsel vm0, $0x40C00000, v32  }
0x14c: {  	s29 =	sand.u32 $0x60, s23;
	s21 =	simm.s32 $0x200;
	v2 =	vld [tilespmem:s19+$0x0];
	[tilespmem:s18+$0x9200] =	vst v9;
	vm0 =	vlt.f32 v20, $5.000000000e+00;
	v22 =	vmul.f32 $5.000000000e-01, v22;
	v51 =	vsub.f32 $0.0e+00, v34  }
0x14d: {  	s30 =	sor.u32 $0x10, s29;
	[tilespmem:s18+$0x9280] =	vst v8;
	s18 =	sand.u32 $0x3C00, s21;
	v33 =	vnsel vm0, $0x40C00000, v33;
	vm0 =	vlt.f32 v17, $2.500000000e+00;
	vm3 =	vlt.f32 v13, $0.0e+00  }
0x14e: {  	s0 =	sor.u32 s18, s30;
	v53 =	vsel vm0, v22, v24;
	vm0 =	vlt.f32 v18, $2.500000000e+00;
	v13 =	vsel vm3, v51, v34  }
0x14f: {  	s16 =	sor.u32 $0x380, s2;
	v30 =	vmin.f32 v30, $4.000000000e+00;
	v25 =	vmul.f32 $5.000000000e-01, v25;
	v10 =	vsel vm0, v26, v32;
	v32 =	vld [tilespmem:s0+$0x1200];
	[tilespmem:s26+$0x9000] =	vst v13  }
0x150: {  	v29 =	vmin.f32 v29, $4.000000000e+00;
	v28 =	vmul.f32 $5.000000000e-01, v28;
	v30 =	vmul.f32 $5.000000000e-01, v30;
	v13 =	vld [tilespmem:s16+$0x1000]  }
0x151: {  	v52 =	vadd.f32 $-1.258291200e+07, v50;
	v29 =	vmul.f32 $5.000000000e-01, v29;
	v24 =	vmul.f32 v53, v2  }
0x152: {  	vm0 =	vlt.f32 v20, $2.500000000e+00;
	v31 =	vadd.f32 $-1.258291200e+07, v48;
	vm3 =	vlt.f32 v63, $5.000000000e+00  }
0x153: {  	v54 =	vsub.f32 $0.0e+00, v24;
	v27 =	vnsel vm3, $0x40C00000, v27;
	vm3 =	vlt.f32 v19, $5.000000000e+00  }
0x154: {  	v59 =	vand.u32 $0x7FFFFFFF, v32;
	v31 =	vnsel vm3, $0x40C00000, v31;
	vm3 =	vlt.f32 v23, $5.000000000e+00  }
0x155: {  	v17 =	vnsel vm3, $0x40C00000, v52;
	vm3 =	vlt.f32 v63, $2.500000000e+00;
	v11 =	vand.u32 $0x7FFFFFFF, v13  }
0x156: {  	s31 =	sand.u32 $0x780, s23;
	v11 =	vmul.f32 v11, v7;
	v7 =	vsel vm3, v25, v27;
	vm3 =	vlt.f32 v19, $2.500000000e+00  }
0x157: {  	s2 =	sor.u32 s31, s30;
	v19 =	vsel vm0, v29, v33;
	vm0 =	vlt.f32 v16, $0.0e+00;
	v29 =	vld [tilespmem:s0+$0x1080];
	v9 =	vsel vm3, v28, v31  }
0x158: {  	vm3 =	vlt.f32 v23, $2.500000000e+00;
	v25 =	vmul.f32 v7, v2;
	v19 =	vmul.f32 v19, v2;
	v7 =	vld [tilespmem:s2+$0x800]  }
0x159: {  	v31 =	vld [tilespmem:s0+$0x1180];
	v12 =	vadd.f32 v11, v11;
	v20 =	vsel vm3, v30, v17;
	v17 =	vmul.f32 v10, v2  }
0x15a: {  	v18 =	vmul.f32 v9, v2;
	v30 =	vld [tilespmem:s0+$0x1100];
	vm3 =	vlt.f32 v11, $5.000000000e+00;
	v55 =	vsub.f32 $0.0e+00, v25  }
0x15b: {  	v22 =	vsub.f32 $0.0e+00, v19;
	v10 =	vadd.f32 $1.258291200e+07, v12;
	v12 =	vmin.f32 v11, $4.000000000e+00  }
0x15c: {  	v9 =	vmul.f32 v20, v2;
	v16 =	vsub.f32 $0.0e+00, v17;
	v12 =	vadd.f32 $1.258291200e+07, v12  }
0x15d: {  	v26 =	vld [tilespmem:s0+$0x1000];
	v20 =	vsub.f32 $0.0e+00, v18;
	v56 =	vand.u32 $0x7FFFFFFF, v29;
	v10 =	vadd.f32 $-1.258291200e+07, v10  }
0x15e: {  	v58 =	vand.u32 $0x7FFFFFFF, v31;
	v28 =	vmul.f32 v59, v7;
	v12 =	vadd.f32 $-1.258291200e+07, v12  }
0x15f: {  	v57 =	vand.u32 $0x7FFFFFFF, v30;
	v27 =	vmul.f32 v58, v7;
	v10 =	vmin.f32 v10, $4.000000000e+00  }
0x160: {  	s20 =	sor.u32 $0x300, s14;
	v41 =	vadd.f32 v28, v28;
	v44 =	vmin.f32 v28, $4.000000000e+00;
	v10 =	vmul.f32 $5.000000000e-01, v10  }
0x161: {  	v8 =	vld [tilespmem:s20+$0x1000];
	v12 =	vnsel vm3, $0x40C00000, v12;
	vm3 =	vlt.f32 v11, $2.500000000e+00;
	v11 =	vsel vm1, v54, v24  }
0x162: {  	vm1 =	vlt.f32 v15, $0.0e+00;
	v15 =	vand.u32 $0x7FFFFFFF, v26;
	v24 =	vmul.f32 v56, v7  }
0x163: {  	v40 =	vadd.f32 v27, v27;
	v42 =	vmin.f32 v27, $4.000000000e+00;
	v44 =	vadd.f32 $1.258291200e+07, v44  }
0x164: {  	v15 =	vmul.f32 v15, v7;
	v42 =	vadd.f32 $1.258291200e+07, v42;
	v49 =	vadd.f32 $1.258291200e+07, v41  }
0x165: {  	v23 =	vsel vm3, v10, v12;
	vm3 =	vlt.f32 v14, $0.0e+00;
	v10 =	vsel vm2, v55, v25  }
0x166: {  	v14 =	vand.u32 $0x7FFFFFFF, v8;
	v25 =	vmul.f32 v57, v7;
	v63 =	vadd.f32 v24, v24  }
0x167: {  	v12 =	vld [tilespmem:s0+$0x1280];
	v47 =	vmin.f32 v24, $4.000000000e+00;
	v44 =	vadd.f32 $-1.258291200e+07, v44;
	v62 =	vadd.f32 v15, v15  }
0x168: {  	v61 =	vmin.f32 v15, $4.000000000e+00;
	v37 =	vadd.f32 $1.258291200e+07, v47;
	v42 =	vadd.f32 $-1.258291200e+07, v42  }
0x169: {  	v38 =	vadd.f32 v25, v25;
	v39 =	vmin.f32 v25, $4.000000000e+00;
	v34 =	vadd.f32 $1.258291200e+07, v61  }
0x16a: {  	v46 =	vmul.f32 v14, v5;
	v36 =	vadd.f32 $1.258291200e+07, v63;
	v39 =	vadd.f32 $1.258291200e+07, v39  }
0x16b: {  	vm2 =	vlt.f32 v15, $5.000000000e+00;
	v35 =	vadd.f32 $1.258291200e+07, v62;
	v37 =	vadd.f32 $-1.258291200e+07, v37  }
0x16c: {  	v56 =	vadd.f32 v46, v46;
	v34 =	vadd.f32 $-1.258291200e+07, v34;
	v60 =	vand.u32 $0x7FFFFFFF, v12  }
0x16d: {  	v38 =	vadd.f32 $1.258291200e+07, v38;
	v36 =	vadd.f32 $-1.258291200e+07, v36;
	v33 =	vmul.f32 v60, v7  }
0x16e: {  	v39 =	vadd.f32 $-1.258291200e+07, v39;
	v35 =	vadd.f32 $-1.258291200e+07, v35;
	v34 =	vnsel vm2, $0x40C00000, v34  }
0x16f: {  	vm2 =	vlt.f32 v24, $5.000000000e+00;
	v38 =	vadd.f32 $-1.258291200e+07, v38;
	v45 =	vmin.f32 v33, $4.000000000e+00  }
0x170: {  	v37 =	vnsel vm2, $0x40C00000, v37;
	vm2 =	vlt.f32 v25, $5.000000000e+00;
	v14 =	vadd.f32 $1.258291200e+07, v45  }
0x171: {  	v36 =	vmin.f32 v36, $4.000000000e+00;
	v39 =	vnsel vm2, $0x40C00000, v39;
	vm2 =	vlt.f32 v27, $5.000000000e+00  }
0x172: {  	v42 =	vnsel vm2, $0x40C00000, v42;
	vm2 =	vlt.f32 v28, $5.000000000e+00;
	v14 =	vadd.f32 $-1.258291200e+07, v14  }
0x173: {  	v35 =	vmin.f32 v35, $4.000000000e+00;
	v44 =	vnsel vm2, $0x40C00000, v44;
	vm2 =	vlt.f32 v33, $5.000000000e+00  }
0x174: {  	v50 =	vmul.f32 $5.000000000e-01, v36;
	v43 =	vadd.f32 v33, v33;
	v48 =	vnsel vm2, $0x40C00000, v14  }
0x175: {  	v14 =	vmul.f32 $5.000000000e-01, v35;
	vm2 =	vlt.f32 v15, $2.500000000e+00;
	v15 =	vadd.f32 $1.258291200e+07, v40  }
0x176: {  	v36 =	vmul.f32 v23, v3;
	v38 =	vmin.f32 v38, $4.000000000e+00;
	v51 =	vadd.f32 $1.258291200e+07, v43  }
0x177: {  	v35 =	vadd.f32 $-1.258291200e+07, v49;
	v34 =	vsel vm2, v14, v34;
	v15 =	vadd.f32 $-1.258291200e+07, v15;
	v14 =	vld [tilespmem:s2+$0x0]  }
0x178: {  	v38 =	vmul.f32 $5.000000000e-01, v38;
	v52 =	vadd.f32 $-1.258291200e+07, v51;
	vm2 =	vlt.f32 v24, $2.500000000e+00  }
0x179: {  	v54 =	vmin.f32 v35, $4.000000000e+00;
	v24 =	vsel vm2, v50, v37;
	v15 =	vmin.f32 v15, $4.000000000e+00  }
0x17a: {  	vm2 =	vlt.f32 v25, $2.500000000e+00;
	v25 =	vmin.f32 v52, $4.000000000e+00;
	v15 =	vmul.f32 $5.000000000e-01, v15  }
0x17b: {  	v53 =	vsel vm2, v38, v39;
	vm2 =	vlt.f32 v27, $2.500000000e+00;
	v27 =	vmul.f32 $5.000000000e-01, v54  }
0x17c: {  	v25 =	vmul.f32 $5.000000000e-01, v25;
	v15 =	vsel vm2, v15, v42;
	v55 =	vmul.f32 v34, v14  }
0x17d: {  	vm2 =	vlt.f32 v28, $2.500000000e+00;
	v24 =	vmul.f32 v24, v14;
	v57 =	vmul.f32 v53, v14  }
0x17e: {  	v27 =	vsel vm2, v27, v44;
	vm2 =	vlt.f32 v33, $2.500000000e+00;
	v15 =	vmul.f32 v15, v14  }
0x17f: {  	v34 =	vsub.f32 $0.0e+00, v55;
	v25 =	vsel vm2, v25, v48;
	vm2 =	vlt.f32 v26, $0.0e+00  }
0x180: {  	v58 =	vsub.f32 $0.0e+00, v24;
	v59 =	vsub.f32 $0.0e+00, v57;
	v27 =	vmul.f32 v27, v14  }
0x181: {  	v60 =	vsub.f32 $0.0e+00, v15;
	v28 =	vsel vm2, v34, v55;
	vm2 =	vlt.f32 v29, $0.0e+00  }
0x182: {  	v25 =	vmul.f32 v25, v14;
	v24 =	vsel vm2, v58, v24;
	vm2 =	vlt.f32 v30, $0.0e+00  }
0x183: {  	s22 =	simm.s32 $0x2;
	s21 =	sor.u32 s29, s18;
	v61 =	vsub.f32 $0.0e+00, v27;
	[tilespmem:s0+$0x9000] =	vst v28;
	v26 =	vsel vm2, v59, v57;
	vm2 =	vlt.f32 v31, $0.0e+00  }
0x184: {  	v62 =	vld [tilespmem:s21+$0x1000];
	s2 =	sand.u32 $0x3, s22;
	v63 =	vsub.f32 $0.0e+00, v25;
	[tilespmem:s0+$0x9080] =	vst v24;
	v15 =	vsel vm2, v60, v15;
	vm2 =	vlt.f32 v32, $0.0e+00  }
0x185: {  	v23 =	vsel vm0, v16, v17;
	v16 =	vld [tilespmem:s21+$0x1200];
	s2 =	sshll.u32 s2, $0x5;
	[tilespmem:s0+$0x9100] =	vst v26;
	v35 =	vsel vm2, v61, v27;
	vm2 =	vlt.f32 v12, $0.0e+00  }
0x186: {  	v17 =	vld [tilespmem:s21+$0x1280];
	s19 =	sadd.s32 $0x200, s2;
	[tilespmem:s0+$0x9180] =	vst v15;
	v24 =	vsel vm2, v63, v25;
	vm2 =	vlt.f32 v4, $0.0e+00;
	v4 =	vmin.f32 v46, $4.000000000e+00  }
0x187: {  	s2 =	sadd.s32 $0x10, s19;
	v33 =	vadd.f32 $1.258291200e+07, v56;
	v34 =	vld [tilespmem:s21+$0x1080];
	[tilespmem:s0+$0x9200] =	vst v35;
	v3 =	vadd.f32 $1.258291200e+07, v4  }
0x188: {  	v21 =	vsub.f32 $0.0e+00, v9;
	v20 =	vsel vm3, v20, v18;
	v18 =	vsel vm1, v22, v19;
	s24 =	sor.u32 $0x300, s2;
	v12 =	vld [tilespmem:s21+$0x1100];
	[tilespmem:s0+$0x9280] =	vst v24  }
0x189: {  	vm1 =	vlt.f32 v13, $0.0e+00;
	v4 =	vadd.f32 $-1.258291200e+07, v33;
	v24 =	vld [tilespmem:s24+$0x1000];
	v3 =	vadd.f32 $-1.258291200e+07, v3  }
0x18a: {  	s25 =	simm.s32 $0x840;
	vm0 =	vlt.f32 v46, $5.000000000e+00;
	v41 =	vand.u32 $0x7FFFFFFF, v16;
	v37 =	vsub.f32 $0.0e+00, v36;
	v15 =	vld [tilespmem:s21+$0x1180]  }
0x18b: {  	v42 =	vand.u32 $0x7FFFFFFF, v17;
	v4 =	vmin.f32 v4, $4.000000000e+00;
	v13 =	vnsel vm0, $0x40C00000, v3;
	v3 =	vld [tilespmem:s25+$0x0]  }
0x18c: {  	v19 =	vsel vm2, v21, v9;
	vm2 =	vlt.f32 v46, $2.500000000e+00;
	v4 =	vmul.f32 $5.000000000e-01, v4  }
0x18d: {  	v9 =	vsel vm1, v37, v36;
	vm1 =	vlt.f32 v34, $0.0e+00;
	v38 =	vand.u32 $0x7FFFFFFF, v12  }
0x18e: {  	vm0 =	vlt.f32 v8, $0.0e+00;
	v4 =	vsel vm2, v4, v13;
	v39 =	vand.u32 $0x7FFFFFFF, v24  }
0x18f: {  	v8 =	vmul.f32 v4, v0;
	v4 =	vand.u32 $0x7FFFFFFF, v62;
	v22 =	vmul.f32 v39, v7  }
0x190: {  	v40 =	vand.u32 $0x7FFFFFFF, v15;
	v13 =	vand.u32 $0x7FFFFFFF, v34;
	v4 =	vmul.f32 v4, v3  }
0x191: {  	v13 =	vmul.f32 v13, v3;
	v43 =	vadd.f32 v22, v22;
	v47 =	vmin.f32 v22, $4.000000000e+00  }
0x192: {  	v21 =	vmul.f32 v38, v3;
	v25 =	vmul.f32 v40, v3;
	v32 =	vadd.f32 $1.258291200e+07, v47  }
0x193: {  	v26 =	vmul.f32 v41, v3;
	v44 =	vadd.f32 v4, v4;
	v28 =	vadd.f32 $1.258291200e+07, v43  }
0x194: {  	v27 =	vmul.f32 v42, v3;
	v45 =	vadd.f32 v13, v13;
	v46 =	vadd.f32 v21, v21  }
0x195: {  	v48 =	vmin.f32 v4, $4.000000000e+00;
	v49 =	vmin.f32 v13, $4.000000000e+00;
	v50 =	vadd.f32 v25, v25  }
0x196: {  	v51 =	vadd.f32 v26, v26;
	v52 =	vadd.f32 v27, v27;
	v54 =	vmin.f32 v21, $4.000000000e+00  }
0x197: {  	v57 =	vmin.f32 v25, $4.000000000e+00;
	v32 =	vadd.f32 $-1.258291200e+07, v32;
	v33 =	vadd.f32 $1.258291200e+07, v48  }
0x198: {  	v58 =	vmin.f32 v26, $4.000000000e+00;
	v34 =	vadd.f32 $1.258291200e+07, v49;
	v31 =	vadd.f32 $1.258291200e+07, v54  }
0x199: {  	v59 =	vmin.f32 v27, $4.000000000e+00;
	v36 =	vadd.f32 $1.258291200e+07, v57;
	v42 =	vadd.f32 $1.258291200e+07, v58  }
0x19a: {  	v43 =	vadd.f32 $1.258291200e+07, v59;
	v28 =	vadd.f32 $-1.258291200e+07, v28  }
0x19b: {  	v29 =	vadd.f32 $1.258291200e+07, v44;
	v30 =	vadd.f32 $1.258291200e+07, v45  }
0x19c: {  	vm4 =	vlt.f32 v16, $0.0e+00;
	v53 =	vadd.f32 $1.258291200e+07, v46;
	v55 =	vadd.f32 $1.258291200e+07, v50  }
0x19d: {  	vm3 =	vlt.f32 v22, $5.000000000e+00;
	v56 =	vadd.f32 $1.258291200e+07, v51;
	v37 =	vadd.f32 $1.258291200e+07, v52  }
0x19e: {  	v32 =	vnsel vm3, $0x40C00000, v32;
	v33 =	vadd.f32 $-1.258291200e+07, v33;
	v28 =	vmin.f32 v28, $4.000000000e+00  }
0x19f: {  	v34 =	vadd.f32 $-1.258291200e+07, v34;
	v31 =	vadd.f32 $-1.258291200e+07, v31;
	v28 =	vmul.f32 $5.000000000e-01, v28  }
0x1a0: {  	vm3 =	vlt.f32 v22, $2.500000000e+00;
	v36 =	vadd.f32 $-1.258291200e+07, v36;
	v44 =	vadd.f32 $-1.258291200e+07, v42  }
0x1a1: {  	v38 =	vadd.f32 $-1.258291200e+07, v43;
	v29 =	vadd.f32 $-1.258291200e+07, v29;
	v28 =	vsel vm3, v28, v32  }
0x1a2: {  	v30 =	vadd.f32 $-1.258291200e+07, v30;
	v22 =	vadd.f32 $-1.258291200e+07, v53;
	v28 =	vmul.f32 v28, v14  }
0x1a3: {  	vm2 =	vlt.f32 v62, $0.0e+00;
	v61 =	vadd.f32 $-1.258291200e+07, v55;
	v62 =	vadd.f32 $-1.258291200e+07, v56  }
0x1a4: {  	v63 =	vadd.f32 $-1.258291200e+07, v37;
	v29 =	vmin.f32 v29, $4.000000000e+00;
	v60 =	vsub.f32 $0.0e+00, v28  }
0x1a5: {  	v30 =	vmin.f32 v30, $4.000000000e+00;
	v22 =	vmin.f32 v22, $4.000000000e+00;
	vm3 =	vlt.f32 v24, $0.0e+00  }
0x1a6: {  	[tilespmem:s17+$0x9000] =	vst v11;
	v11 =	vmin.f32 v63, $4.000000000e+00;
	v28 =	vsel vm3, v60, v28;
	vm3 =	vlt.f32 v4, $5.000000000e+00  }
0x1a7: {  	s22 =	sor.u32 $0x380, s2;
	v24 =	vmin.f32 v61, $4.000000000e+00;
	[tilespmem:s24+$0x9000] =	vst v28;
	v33 =	vnsel vm3, $0x40C00000, v33;
	vm3 =	vlt.f32 v13, $5.000000000e+00  }
0x1a8: {  	v32 =	vmin.f32 v62, $4.000000000e+00;
	v37 =	vld [tilespmem:s22+$0x1000];
	v34 =	vnsel vm3, $0x40C00000, v34;
	vm3 =	vlt.f32 v21, $5.000000000e+00  }
0x1a9: {  	v29 =	vmul.f32 $5.000000000e-01, v29;
	v31 =	vnsel vm3, $0x40C00000, v31;
	vm3 =	vlt.f32 v25, $5.000000000e+00  }
0x1aa: {  	v30 =	vmul.f32 $5.000000000e-01, v30;
	v36 =	vnsel vm3, $0x40C00000, v36;
	vm3 =	vlt.f32 v26, $5.000000000e+00  }
0x1ab: {  	v22 =	vmul.f32 $5.000000000e-01, v22;
	v28 =	vnsel vm3, $0x40C00000, v44;
	vm3 =	vlt.f32 v27, $5.000000000e+00  }
0x1ac: {  	v24 =	vmul.f32 $5.000000000e-01, v24;
	v38 =	vnsel vm3, $0x40C00000, v38;
	vm3 =	vlt.f32 v4, $2.500000000e+00  }
0x1ad: {  	[tilespmem:s17+$0x9080] =	vst v10;
	v4 =	vld [tilespmem:s23+$0x0];
	v45 =	vand.u32 $0x7FFFFFFF, v37;
	v29 =	vsel vm3, v29, v33;
	vm3 =	vlt.f32 v13, $2.500000000e+00  }
0x1ae: {  	[tilespmem:s17+$0x9180] =	vst v20;
	v13 =	vmul.f32 v45, v7;
	v30 =	vsel vm3, v30, v34;
	vm3 =	vlt.f32 v21, $2.500000000e+00  }
0x1af: {  	[tilespmem:s17+$0x9200] =	vst v18;
	s23 =	simm.s32 $0x60;
	v7 =	vmul.f32 $5.000000000e-01, v32;
	v21 =	vsel vm3, v22, v31;
	vm3 =	vlt.f32 v25, $2.500000000e+00  }
0x1b0: {  	s31 =	simm.s32 $0x300;
	[tilespmem:s17+$0x9100] =	vst v23;
	v10 =	vmul.f32 $5.000000000e-01, v11;
	s26 =	sand.u32 $0x60, s23;
	v24 =	vsel vm3, v24, v36;
	vm3 =	vlt.f32 v26, $2.500000000e+00  }
0x1b1: {  	[tilespmem:s17+$0x9280] =	vst v19;
	s17 =	sand.u32 $0x3C00, s31;
	s29 =	sor.u32 $0x10, s26;
	v46 =	vadd.f32 v13, v13;
	v48 =	vmin.f32 v13, $4.000000000e+00;
	v7 =	vsel vm3, v7, v28  }
0x1b2: {  	s0 =	sor.u32 s17, s29;
	vm3 =	vlt.f32 v27, $2.500000000e+00;
	v47 =	vmul.f32 v29, v4;
	v20 =	vmul.f32 v30, v4  }
0x1b3: {  	v32 =	vld [tilespmem:s0+$0x1180];
	v22 =	vadd.f32 $1.258291200e+07, v48;
	v49 =	vmul.f32 v21, v4;
	v24 =	vmul.f32 v24, v4  }
0x1b4: {  	v33 =	vld [tilespmem:s0+$0x1200];
	v11 =	vadd.f32 $1.258291200e+07, v46;
	v10 =	vsel vm3, v10, v38;
	v19 =	vmul.f32 v7, v4  }
0x1b5: {  	v31 =	vld [tilespmem:s0+$0x1100];
	vm3 =	vlt.f32 v13, $5.000000000e+00;
	v18 =	vadd.f32 $-1.258291200e+07, v22;
	v51 =	vsub.f32 $0.0e+00, v49  }
0x1b6: {  	s24 =	sor.u32 $0x300, s15;
	v7 =	vmul.f32 v10, v4;
	v52 =	vsub.f32 $0.0e+00, v24;
	v11 =	vadd.f32 $-1.258291200e+07, v11  }
0x1b7: {  	s30 =	sand.u32 $0x780, s23;
	v22 =	vld [tilespmem:s24+$0x1000];
	v53 =	vsub.f32 $0.0e+00, v19;
	v50 =	vnsel vm3, $0x40C00000, v18;
	vm3 =	vlt.f32 v13, $2.500000000e+00  }
0x1b8: {  	s2 =	sor.u32 s30, s29;
	v13 =	vsub.f32 $0.0e+00, v20;
	v54 =	vand.u32 $0x7FFFFFFF, v32;
	v11 =	vmin.f32 v11, $4.000000000e+00  }
0x1b9: {  	v18 =	vld [tilespmem:s2+$0x800];
	v55 =	vand.u32 $0x7FFFFFFF, v33;
	v10 =	vmul.f32 $5.000000000e-01, v11;
	v11 =	vsub.f32 $0.0e+00, v47  }
0x1ba: {  	v30 =	vld [tilespmem:s0+$0x1080];
	v13 =	vsel vm1, v13, v20;
	vm1 =	vlt.f32 v17, $0.0e+00;
	v20 =	vand.u32 $0x7FFFFFFF, v31  }
0x1bb: {  	v10 =	vsel vm3, v10, v50;
	vm3 =	vlt.f32 v12, $0.0e+00;
	v12 =	vsel vm2, v11, v47  }
0x1bc: {  	vm2 =	vlt.f32 v15, $0.0e+00;
	v11 =	vsub.f32 $0.0e+00, v7;
	v15 =	vand.u32 $0x7FFFFFFF, v22  }
0x1bd: {  	v21 =	vmul.f32 v10, v14;
	v14 =	vsel vm3, v51, v49;
	v23 =	vmul.f32 v15, v1  }
0x1be: {  	v15 =	vsel vm2, v52, v24;
	v10 =	vsel vm4, v53, v19;
	v20 =	vmul.f32 v20, v18  }
0x1bf: {  	v19 =	vand.u32 $0x7FFFFFFF, v30;
	v25 =	vmul.f32 v54, v18;
	v29 =	vmul.f32 v55, v18  }
0x1c0: {  	v19 =	vmul.f32 v19, v18;
	v27 =	vsub.f32 $0.0e+00, v21;
	v17 =	vadd.f32 v23, v23  }
0x1c1: {  	v16 =	vmin.f32 v23, $4.000000000e+00;
	v61 =	vadd.f32 v20, v20;
	v62 =	vmin.f32 v20, $4.000000000e+00  }
0x1c2: {  	v28 =	vld [tilespmem:s0+$0x1000];
	v63 =	vadd.f32 v25, v25;
	v48 =	vadd.f32 v29, v29;
	v49 =	vmin.f32 v25, $4.000000000e+00  }
0x1c3: {  	v51 =	vmin.f32 v29, $4.000000000e+00;
	v26 =	vadd.f32 $1.258291200e+07, v16;
	v59 =	vadd.f32 v19, v19  }
0x1c4: {  	v24 =	vld [tilespmem:s0+$0x1280];
	v60 =	vmin.f32 v19, $4.000000000e+00;
	v41 =	vadd.f32 $1.258291200e+07, v62;
	v44 =	vadd.f32 $1.258291200e+07, v49  }
0x1c5: {  	vm0 =	vmmov vm0;
	v46 =	vadd.f32 $1.258291200e+07, v51;
	v39 =	vadd.f32 $1.258291200e+07, v60  }
0x1c6: {  	vm2 =	vlt.f32 v37, $0.0e+00;
	v40 =	vadd.f32 $1.258291200e+07, v61;
	v53 =	vadd.f32 $1.258291200e+07, v48  }
0x1c7: {  	v16 =	vand.u32 $0x7FFFFFFF, v28;
	v17 =	vadd.f32 $1.258291200e+07, v17;
	v38 =	vadd.f32 $1.258291200e+07, v59  }
0x1c8: {  	v16 =	vmul.f32 v16, v18;
	v41 =	vadd.f32 $-1.258291200e+07, v41;
	v44 =	vadd.f32 $-1.258291200e+07, v44  }
0x1c9: {  	v56 =	vand.u32 $0x7FFFFFFF, v24;
	v46 =	vadd.f32 $-1.258291200e+07, v46;
	v26 =	vadd.f32 $-1.258291200e+07, v26  }
0x1ca: {  	v34 =	vmul.f32 v56, v18;
	v58 =	vadd.f32 v16, v16;
	v39 =	vadd.f32 $-1.258291200e+07, v39  }
0x1cb: {  	v57 =	vmin.f32 v16, $4.000000000e+00;
	v40 =	vadd.f32 $-1.258291200e+07, v40;
	v42 =	vadd.f32 $-1.258291200e+07, v53  }
0x1cc: {  	vm3 =	vlt.f32 v16, $5.000000000e+00;
	v43 =	vadd.f32 $-1.258291200e+07, v17;
	v35 =	vadd.f32 $1.258291200e+07, v57  }
0x1cd: {  	v38 =	vadd.f32 $-1.258291200e+07, v38;
	v50 =	vadd.f32 v34, v34;
	v47 =	vmin.f32 v34, $4.000000000e+00  }
0x1ce: {  	v36 =	vadd.f32 $1.258291200e+07, v58;
	v40 =	vmin.f32 v40, $4.000000000e+00;
	v35 =	vadd.f32 $-1.258291200e+07, v35  }
0x1cf: {  	v57 =	vmin.f32 v42, $4.000000000e+00;
	v52 =	vadd.f32 $1.258291200e+07, v47;
	v38 =	vmin.f32 v38, $4.000000000e+00  }
0x1d0: {  	v40 =	vmul.f32 $5.000000000e-01, v40;
	v35 =	vnsel vm3, $0x40C00000, v35;
	vm3 =	vlt.f32 v19, $5.000000000e+00  }
0x1d1: {  	v36 =	vadd.f32 $-1.258291200e+07, v36;
	v39 =	vnsel vm3, $0x40C00000, v39;
	vm3 =	vlt.f32 v20, $5.000000000e+00  }
0x1d2: {  	v37 =	vadd.f32 $-1.258291200e+07, v52;
	v41 =	vnsel vm3, $0x40C00000, v41;
	vm3 =	vlt.f32 v25, $5.000000000e+00  }
0x1d3: {  	s26 =	sor.u32 s26, s17;
	v36 =	vmin.f32 v36, $4.000000000e+00;
	v44 =	vnsel vm3, $0x40C00000, v44;
	vm3 =	vlt.f32 v29, $5.000000000e+00  }
0x1d4: {  	v17 =	vld [tilespmem:s26+$0x1200];
	v36 =	vmul.f32 $5.000000000e-01, v36;
	v46 =	vnsel vm3, $0x40C00000, v46;
	vm3 =	vlt.f32 v34, $5.000000000e+00  }
0x1d5: {  	v37 =	vnsel vm3, $0x40C00000, v37;
	vm3 =	vlt.f32 v16, $2.500000000e+00;
	v16 =	vadd.f32 $1.258291200e+07, v63  }
0x1d6: {  	v47 =	vmin.f32 v43, $4.000000000e+00;
	v54 =	vmul.f32 $5.000000000e-01, v38;
	v55 =	vadd.f32 $1.258291200e+07, v50  }
0x1d7: {  	v35 =	vsel vm3, v36, v35;
	vm3 =	vlt.f32 v19, $2.500000000e+00;
	v19 =	vadd.f32 $-1.258291200e+07, v16;
	v16 =	vld [tilespmem:s2+$0x0]  }
0x1d8: {  	v36 =	vsel vm3, v54, v39;
	vm3 =	vlt.f32 v20, $2.500000000e+00;
	v20 =	vadd.f32 $-1.258291200e+07, v55  }
0x1d9: {  	v48 =	vmul.f32 $5.000000000e-01, v47;
	v52 =	vand.u32 $0x7FFFFFFF, v17;
	v19 =	vmin.f32 v19, $4.000000000e+00  }
0x1da: {  	v56 =	vsel vm3, v40, v41;
	v20 =	vmin.f32 v20, $4.000000000e+00;
	v19 =	vmul.f32 $5.000000000e-01, v19  }
0x1db: {  	vm3 =	vlt.f32 v25, $2.500000000e+00;
	v25 =	vmul.f32 $5.000000000e-01, v57;
	v20 =	vmul.f32 $5.000000000e-01, v20  }
0x1dc: {  	v19 =	vsel vm3, v19, v44;
	vm3 =	vlt.f32 v29, $2.500000000e+00;
	v58 =	vmul.f32 v35, v16  }
0x1dd: {  	v59 =	vmul.f32 v36, v16;
	v60 =	vmul.f32 v56, v16;
	v25 =	vsel vm3, v25, v46  }
0x1de: {  	vm3 =	vlt.f32 v34, $2.500000000e+00;
	v61 =	vmul.f32 v19, v16;
	v46 =	vsub.f32 $0.0e+00, v8  }
0x1df: {  	v35 =	vsub.f32 $0.0e+00, v58;
	v20 =	vsel vm3, v20, v37;
	vm3 =	vlt.f32 v28, $0.0e+00  }
0x1e0: {  	v36 =	vsub.f32 $0.0e+00, v59;
	v19 =	vsub.f32 $0.0e+00, v60;
	v63 =	vmul.f32 v25, v16  }
0x1e1: {  	v25 =	vld [tilespmem:s26+$0x1080];
	v38 =	vsub.f32 $0.0e+00, v61;
	v29 =	vsel vm3, v35, v58;
	vm3 =	vlt.f32 v30, $0.0e+00  }
0x1e2: {  	v39 =	vmul.f32 v20, v16;
	v20 =	vld [tilespmem:s26+$0x1100];
	v34 =	vsel vm3, v36, v59;
	vm3 =	vlt.f32 v31, $0.0e+00  }
0x1e3: {  	v62 =	vld [tilespmem:s26+$0x1000];
	v40 =	vsub.f32 $0.0e+00, v63;
	v28 =	vsel vm3, v19, v60;
	vm3 =	vlt.f32 v32, $0.0e+00  }
0x1e4: {  	s25 =	simm.s32 $0x860;
	v42 =	vsub.f32 $0.0e+00, v39;
	v19 =	vld [tilespmem:s26+$0x1180];
	v41 =	vsel vm3, v38, v61;
	vm3 =	vlt.f32 v33, $0.0e+00  }
0x1e5: {  	v44 =	vsel vm3, v40, v63;
	vm3 =	vlt.f32 v24, $0.0e+00;
	v24 =	vsel vm1, v11, v7;
	v7 =	vld [tilespmem:s25+$0x0]  }
0x1e6: {  	s18 =	simm.s32 $0x3;
	[tilespmem:s0+$0x9000] =	vst v29;
	v49 =	vand.u32 $0x7FFFFFFF, v25;
	v11 =	vsel vm2, v27, v21;
	v21 =	vld [tilespmem:s26+$0x1280];
	vm1 =	vlt.f32 v22, $0.0e+00  }
0x1e7: {  	s2 =	sand.u32 $0x3, s18;
	[tilespmem:s0+$0x9080] =	vst v34;
	vm2 =	vlt.f32 v23, $5.000000000e+00;
	v22 =	vsel vm0, v46, v8;
	v50 =	vand.u32 $0x7FFFFFFF, v20  }
0x1e8: {  	s2 =	sshll.u32 s2, $0x5;
	[tilespmem:s0+$0x9100] =	vst v28;
	v45 =	vsel vm3, v42, v39;
	vm3 =	vlt.f32 v23, $2.500000000e+00;
	v8 =	vnsel vm2, $0x40C00000, v26  }
0x1e9: {  	s28 =	sadd.s32 $0x300, s2;
	[tilespmem:s0+$0x9180] =	vst v41;
	vm0 =	vlt.f32 v62, $0.0e+00;
	v27 =	vsel vm3, v48, v8;
	v8 =	vand.u32 $0x7FFFFFFF, v62  }
0x1ea: {  	s2 =	sadd.s32 $0x10, s28;
	[tilespmem:s0+$0x9200] =	vst v44;
	v51 =	vand.u32 $0x7FFFFFFF, v19;
	v8 =	vmul.f32 v8, v7;
	v23 =	vmul.f32 v49, v7  }
0x1eb: {  	s29 =	sor.u32 $0x300, s2;
	[tilespmem:s0+$0x9280] =	vst v45;
	v53 =	vand.u32 $0x7FFFFFFF, v21;
	v32 =	vmul.f32 v50, v7;
	v28 =	vmul.f32 v51, v7  }
0x1ec: {  	v29 =	vld [tilespmem:s29+$0x1000];
	v30 =	vmul.f32 v52, v7;
	v55 =	vadd.f32 v8, v8;
	v56 =	vadd.f32 v23, v23  }
0x1ed: {  	v36 =	vmul.f32 v53, v7;
	v57 =	vadd.f32 v32, v32;
	v58 =	vadd.f32 v28, v28  }
0x1ee: {  	v60 =	vmin.f32 v8, $4.000000000e+00;
	v61 =	vadd.f32 v30, v30;
	v62 =	vmin.f32 v23, $4.000000000e+00  }
0x1ef: {  	v49 =	vmin.f32 v32, $4.000000000e+00;
	v63 =	vadd.f32 v36, v36;
	v38 =	vadd.f32 $1.258291200e+07, v60  }
0x1f0: {  	v50 =	vmin.f32 v28, $4.000000000e+00;
	v40 =	vadd.f32 $1.258291200e+07, v62;
	v33 =	vadd.f32 $1.258291200e+07, v55  }
0x1f1: {  	v54 =	vand.u32 $0x7FFFFFFF, v29;
	v34 =	vadd.f32 $1.258291200e+07, v56;
	v35 =	vadd.f32 $1.258291200e+07, v57  }
0x1f2: {  	v26 =	vmul.f32 v54, v18;
	v31 =	vadd.f32 $1.258291200e+07, v58;
	v39 =	vadd.f32 $1.258291200e+07, v61  }
0x1f3: {  	v51 =	vmin.f32 v30, $4.000000000e+00;
	v54 =	vadd.f32 $1.258291200e+07, v49;
	v55 =	vadd.f32 $1.258291200e+07, v50  }
0x1f4: {  	v52 =	vmin.f32 v36, $4.000000000e+00;
	v56 =	vadd.f32 $1.258291200e+07, v51;
	v59 =	vadd.f32 v26, v26  }
0x1f5: {  	v57 =	vadd.f32 $1.258291200e+07, v52;
	v41 =	vadd.f32 $1.258291200e+07, v63  }
0x1f6: {  	v38 =	vadd.f32 $-1.258291200e+07, v38;
	v37 =	vadd.f32 $1.258291200e+07, v59  }
0x1f7: {  	v40 =	vadd.f32 $-1.258291200e+07, v40;
	v48 =	vmin.f32 v26, $4.000000000e+00;
	v33 =	vadd.f32 $-1.258291200e+07, v33  }
0x1f8: {  	v42 =	vadd.f32 $1.258291200e+07, v48;
	v37 =	vadd.f32 $-1.258291200e+07, v37  }
0x1f9: {  	vm2 =	vlt.f32 v26, $5.000000000e+00;
	vm3 =	vlt.f32 v26, $2.500000000e+00;
	v34 =	vadd.f32 $-1.258291200e+07, v34  }
0x1fa: {  	v35 =	vadd.f32 $-1.258291200e+07, v35;
	v42 =	vadd.f32 $-1.258291200e+07, v42;
	v37 =	vmin.f32 v37, $4.000000000e+00  }
0x1fb: {  	v31 =	vadd.f32 $-1.258291200e+07, v31;
	v39 =	vadd.f32 $-1.258291200e+07, v39;
	v37 =	vmul.f32 $5.000000000e-01, v37  }
0x1fc: {  	v60 =	vadd.f32 $-1.258291200e+07, v55;
	v61 =	vadd.f32 $-1.258291200e+07, v57;
	v42 =	vnsel vm2, $0x40C00000, v42  }
0x1fd: {  	v41 =	vadd.f32 $-1.258291200e+07, v41;
	v33 =	vmin.f32 v33, $4.000000000e+00;
	v37 =	vsel vm3, v37, v42  }
0x1fe: {  	v34 =	vmin.f32 v34, $4.000000000e+00;
	v35 =	vmin.f32 v35, $4.000000000e+00;
	v37 =	vmul.f32 v37, v16  }
0x1ff: {  	v31 =	vmin.f32 v31, $4.000000000e+00;
	v58 =	vmin.f32 v39, $4.000000000e+00;
	v59 =	vmin.f32 v41, $4.000000000e+00  }
0x200: {  	v33 =	vmul.f32 $5.000000000e-01, v33;
	vm2 =	vlt.f32 v8, $5.000000000e+00;
	v53 =	vsub.f32 $0.0e+00, v37  }
0x201: {  	v38 =	vnsel vm2, $0x40C00000, v38;
	vm3 =	vlt.f32 v29, $0.0e+00;
	v29 =	vadd.f32 $-1.258291200e+07, v54  }
0x202: {  	vm2 =	vlt.f32 v32, $5.000000000e+00;
	v42 =	vadd.f32 $-1.258291200e+07, v56;
	v37 =	vsel vm3, v53, v37  }
0x203: {  	s17 =	simm.s32 $0x80;
	v34 =	vmul.f32 $5.000000000e-01, v34;
	v29 =	vnsel vm2, $0x40C00000, v29;
	vm2 =	vlt.f32 v30, $5.000000000e+00;
	[tilespmem:s29+$0x9000] =	vst v37;
	s29 =	sor.u32 $0x380, s2  }
0x204: {  	s18 =	simm.s32 $0x400;
	s25 =	sand.u32 $0x60, s17;
	v35 =	vmul.f32 $5.000000000e-01, v35;
	v42 =	vnsel vm2, $0x40C00000, v42;
	vm2 =	vlt.f32 v8, $2.500000000e+00;
	v26 =	vld [tilespmem:s29+$0x1000]  }
0x205: {  	s30 =	sand.u32 $0x780, s17;
	s31 =	sand.u32 $0x3C00, s18;
	s0 =	sor.u32 $0x10, s25;
	v31 =	vmul.f32 $5.000000000e-01, v31;
	v38 =	vsel vm2, v33, v38;
	vm3 =	vlt.f32 v23, $5.000000000e+00  }
0x206: {  	vm2 =	vlt.f32 v32, $2.500000000e+00;
	v40 =	vnsel vm3, $0x40C00000, v40;
	vm3 =	vlt.f32 v28, $5.000000000e+00;
	s2 =	sor.u32 s30, s0;
	s0 =	sor.u32 s31, s0  }
0x207: {  	v35 =	vsel vm2, v35, v29;
	v41 =	vnsel vm3, $0x40C00000, v60;
	vm3 =	vlt.f32 v36, $5.000000000e+00;
	v33 =	vld [tilespmem:s0+$0x1100]  }
0x208: {  	vm2 =	vlt.f32 v30, $2.500000000e+00;
	v30 =	vld [tilespmem:s0+$0x1200];
	v8 =	vnsel vm3, $0x40C00000, v61;
	vm3 =	vlt.f32 v23, $2.500000000e+00  }
0x209: {  	v29 =	vld [tilespmem:s0+$0x1280];
	v34 =	vsel vm3, v34, v40;
	vm3 =	vlt.f32 v28, $2.500000000e+00;
	v62 =	vand.u32 $0x7FFFFFFF, v26  }
0x20a: {  	v37 =	vmul.f32 $5.000000000e-01, v58;
	v41 =	vsel vm3, v31, v41;
	v31 =	vld [tilespmem:s0+$0x1180];
	v44 =	vmul.f32 v62, v18  }
0x20b: {  	v39 =	vmul.f32 $5.000000000e-01, v59;
	vm3 =	vlt.f32 v36, $2.500000000e+00;
	v18 =	vld [tilespmem:s2+$0x800]  }
0x20c: {  	v36 =	vsel vm2, v37, v42;
	v63 =	vadd.f32 v44, v44;
	v46 =	vmin.f32 v44, $4.000000000e+00  }
0x20d: {  	v32 =	vsel vm3, v39, v8;
	v49 =	vand.u32 $0x7FFFFFFF, v33;
	v47 =	vadd.f32 $1.258291200e+07, v46  }
0x20e: {  	v51 =	vand.u32 $0x7FFFFFFF, v30;
	v52 =	vand.u32 $0x7FFFFFFF, v29;
	v45 =	vadd.f32 $1.258291200e+07, v63  }
0x20f: {  	v40 =	vld [tilespmem:s0+$0x1080];
	vm2 =	vlt.f32 v44, $5.000000000e+00;
	v50 =	vand.u32 $0x7FFFFFFF, v31;
	v28 =	vadd.f32 $-1.258291200e+07, v47  }
0x210: {  	v43 =	vld [tilespmem:s0+$0x1000];
	v37 =	vmul.f32 v49, v18;
	v39 =	vmul.f32 v50, v18;
	v23 =	vadd.f32 $-1.258291200e+07, v45  }
0x211: {  	v42 =	vmul.f32 v51, v18;
	v8 =	vnsel vm2, $0x40C00000, v28;
	vm2 =	vlt.f32 v44, $2.500000000e+00  }
0x212: {  	v44 =	vmul.f32 v52, v18;
	v56 =	vadd.f32 v37, v37;
	v23 =	vmin.f32 v23, $4.000000000e+00  }
0x213: {  	v49 =	vadd.f32 v39, v39;
	v50 =	vmin.f32 v39, $4.000000000e+00;
	v23 =	vmul.f32 $5.000000000e-01, v23  }
0x214: {  	v48 =	vand.u32 $0x7FFFFFFF, v40;
	v51 =	vadd.f32 v42, v42;
	v50 =	vadd.f32 $1.258291200e+07, v50  }
0x215: {  	v58 =	vadd.f32 v44, v44;
	v28 =	vsel vm2, v23, v8;
	v8 =	vand.u32 $0x7FFFFFFF, v43  }
0x216: {  	v49 =	vadd.f32 $1.258291200e+07, v49;
	v23 =	vmul.f32 v48, v18;
	v8 =	vmul.f32 v8, v18  }
0x217: {  	v57 =	vmin.f32 v37, $4.000000000e+00;
	v51 =	vadd.f32 $1.258291200e+07, v51;
	v50 =	vadd.f32 $-1.258291200e+07, v50  }
0x218: {  	v60 =	vadd.f32 $-1.258291200e+07, v49;
	v55 =	vmin.f32 v23, $4.000000000e+00;
	v54 =	vadd.f32 v8, v8  }
0x219: {  	v48 =	vadd.f32 v23, v23;
	v53 =	vmin.f32 v8, $4.000000000e+00;
	v47 =	vadd.f32 $1.258291200e+07, v55  }
0x21a: {  	v59 =	vmin.f32 v44, $4.000000000e+00;
	v45 =	vadd.f32 $1.258291200e+07, v53;
	v46 =	vadd.f32 $1.258291200e+07, v54  }
0x21b: {  	vm3 =	vlt.f32 v23, $5.000000000e+00;
	v48 =	vadd.f32 $1.258291200e+07, v48;
	v47 =	vadd.f32 $-1.258291200e+07, v47  }
0x21c: {  	vm2 =	vlt.f32 v8, $5.000000000e+00;
	v45 =	vadd.f32 $-1.258291200e+07, v45;
	v46 =	vadd.f32 $-1.258291200e+07, v46  }
0x21d: {  	v47 =	vnsel vm3, $0x40C00000, v47;
	vm3 =	vlt.f32 v23, $2.500000000e+00;
	v23 =	vadd.f32 $1.258291200e+07, v56  }
0x21e: {  	v45 =	vnsel vm2, $0x40C00000, v45;
	vm2 =	vlt.f32 v8, $2.500000000e+00;
	v8 =	vadd.f32 $-1.258291200e+07, v48  }
0x21f: {  	v61 =	vadd.f32 $-1.258291200e+07, v51;
	v16 =	vmul.f32 v28, v16;
	v48 =	vadd.f32 $1.258291200e+07, v57  }
0x220: {  	v46 =	vmin.f32 v46, $4.000000000e+00;
	v23 =	vadd.f32 $-1.258291200e+07, v23;
	v8 =	vmin.f32 v8, $4.000000000e+00  }
0x221: {  	v49 =	vmin.f32 v61, $4.000000000e+00;
	v46 =	vmul.f32 $5.000000000e-01, v46;
	v8 =	vmul.f32 $5.000000000e-01, v8  }
0x222: {  	v49 =	vmul.f32 $5.000000000e-01, v49;
	v48 =	vadd.f32 $-1.258291200e+07, v48;
	v23 =	vmin.f32 v23, $4.000000000e+00  }
0x223: {  	v45 =	vsel vm2, v46, v45;
	v47 =	vsel vm3, v8, v47;
	v8 =	vmin.f32 v42, $4.000000000e+00  }
0x224: {  	v23 =	vmul.f32 $5.000000000e-01, v23;
	vm3 =	vlt.f32 v37, $5.000000000e+00;
	v8 =	vadd.f32 $1.258291200e+07, v8  }
0x225: {  	vm2 =	vlt.f32 v37, $2.500000000e+00;
	v46 =	vadd.f32 $1.258291200e+07, v58;
	v48 =	vnsel vm3, $0x40C00000, v48  }
0x226: {  	v48 =	vsel vm2, v23, v48;
	v23 =	vmin.f32 v60, $4.000000000e+00;
	v62 =	vadd.f32 $-1.258291200e+07, v8;
	v8 =	vld [tilespmem:s23+$0x0]  }
0x227: {  	v37 =	vadd.f32 $1.258291200e+07, v59;
	vm3 =	vlt.f32 v39, $5.000000000e+00;
	v63 =	vmul.f32 $5.000000000e-01, v23;
	v23 =	vld [tilespmem:s2+$0x0]  }
0x228: {  	vm2 =	vlt.f32 v39, $2.500000000e+00;
	v39 =	vnsel vm3, $0x40C00000, v50;
	vm3 =	vlt.f32 v42, $5.000000000e+00  }
0x229: {  	v37 =	vadd.f32 $-1.258291200e+07, v37;
	v51 =	vnsel vm3, $0x40C00000, v62;
	vm3 =	vlt.f32 v42, $2.500000000e+00  }
0x22a: {  	v39 =	vsel vm2, v63, v39;
	vm2 =	vlt.f32 v25, $0.0e+00;
	v42 =	vadd.f32 $-1.258291200e+07, v46  }
0x22b: {  	v50 =	vsel vm3, v49, v51;
	v38 =	vmul.f32 v38, v8;
	v34 =	vmul.f32 v34, v8  }
0x22c: {  	[tilespmem:s21+$0x9000] =	vst v12;
	v42 =	vmin.f32 v42, $4.000000000e+00;
	v35 =	vmul.f32 v35, v8;
	v12 =	vmul.f32 v45, v23  }
0x22d: {  	[tilespmem:s21+$0x9080] =	vst v13;
	vm3 =	vlt.f32 v44, $5.000000000e+00;
	v42 =	vmul.f32 $5.000000000e-01, v42;
	v13 =	vmul.f32 v41, v8  }
0x22e: {  	[tilespmem:s21+$0x9100] =	vst v14;
	v37 =	vnsel vm3, $0x40C00000, v37;
	v51 =	vmul.f32 v47, v23;
	v14 =	vmul.f32 v36, v8  }
0x22f: {  	[tilespmem:s21+$0x9180] =	vst v15;
	vm3 =	vlt.f32 v44, $2.500000000e+00;
	v15 =	vmul.f32 v48, v23;
	v25 =	vmul.f32 v50, v23  }
0x230: {  	v59 =	vmul.f32 v32, v8;
	v52 =	vsel vm3, v42, v37;
	v53 =	vsub.f32 $0.0e+00, v12  }
0x231: {  	vm3 =	vlt.f32 v43, $0.0e+00;
	v54 =	vsub.f32 $0.0e+00, v51;
	v55 =	vsub.f32 $0.0e+00, v15  }
0x232: {  	[tilespmem:s21+$0x9200] =	vst v10;
	v58 =	vsub.f32 $0.0e+00, v25;
	v10 =	vsel vm3, v53, v12;
	v12 =	vmul.f32 v39, v23  }
0x233: {  	[tilespmem:s21+$0x9280] =	vst v24;
	v60 =	vsub.f32 $0.0e+00, v34;
	v57 =	vmul.f32 v52, v23;
	vm3 =	vlt.f32 v40, $0.0e+00  }
0x234: {  	v56 =	vsel vm3, v54, v51;
	vm3 =	vlt.f32 v33, $0.0e+00;
	[tilespmem:s0+$0x9000] =	vst v10;
	v10 =	vsub.f32 $0.0e+00, v12  }
0x235: {  	[tilespmem:s20+$0x9000] =	vst v22;
	v61 =	vsub.f32 $0.0e+00, v35;
	v15 =	vsel vm3, v55, v15;
	vm3 =	vlt.f32 v31, $0.0e+00  }
0x236: {  	s20 =	sor.u32 s25, s31;
	s23 =	simm.s32 $0x4;
	[tilespmem:s0+$0x9100] =	vst v15;
	v10 =	vsel vm3, v10, v12;
	vm3 =	vlt.f32 v30, $0.0e+00;
	v12 =	vsub.f32 $0.0e+00, v57  }
0x237: {  	v28 =	vld [tilespmem:s20+$0x1080];
	s30 =	sand.u32 $0x3, s23;
	v15 =	vsub.f32 $0.0e+00, v38;
	[tilespmem:s0+$0x9180] =	vst v10;
	v10 =	vsel vm3, v58, v25;
	vm3 =	vlt.f32 v29, $0.0e+00  }
0x238: {  	s21 =	sor.u32 $0x300, s19;
	s2 =	sshll.u32 s30, $0x5;
	v62 =	vsub.f32 $0.0e+00, v13;
	v24 =	vsel vm2, v60, v34;
	v29 =	vld [tilespmem:s20+$0x1000];
	[tilespmem:s0+$0x9200] =	vst v10;
	v10 =	vsel vm3, v12, v57  }
0x239: {  	s30 =	sadd.s32 $0x400, s2;
	v12 =	vld [tilespmem:s21+$0x1000];
	vm3 =	vlt.f32 v20, $0.0e+00;
	v20 =	vsel vm0, v15, v38;
	vm0 =	vlt.f32 v19, $0.0e+00  }
0x23a: {  	s2 =	sadd.s32 $0x10, s30;
	vm2 =	vlt.f32 v17, $0.0e+00;
	[tilespmem:s0+$0x9080] =	vst v56;
	v17 =	vsel vm0, v62, v13;
	vm0 =	vlt.f32 v26, $0.0e+00;
	v26 =	vld [tilespmem:s20+$0x1180]  }
0x23b: {  	[tilespmem:s0+$0x9280] =	vst v10;
	s0 =	sor.u32 $0x300, s2;
	v10 =	vsub.f32 $0.0e+00, v14;
	v22 =	vsel vm3, v61, v35;
	vm3 =	vlt.f32 v21, $0.0e+00;
	v21 =	vld [tilespmem:s20+$0x1200]  }
0x23c: {  	s14 =	sor.u32 $0x380, s14;
	v19 =	vsub.f32 $0.0e+00, v59;
	v63 =	vld [tilespmem:s0+$0x1000]  }
0x23d: {  	vm1 =	vmmov vm1;
	v34 =	vld [tilespmem:s14+$0x1000];
	v15 =	vsel vm2, v10, v14;
	v10 =	vsub.f32 $0.0e+00, v16  }
0x23e: {  	v27 =	vmul.f32 v27, v2;
	v50 =	vand.u32 $0x7FFFFFFF, v28;
	v14 =	vsel vm3, v19, v59  }
0x23f: {  	v49 =	vand.u32 $0x7FFFFFFF, v29;
	v19 =	vand.u32 $0x7FFFFFFF, v12;
	v13 =	vsel vm0, v10, v16  }
0x240: {  	vm2 =	vlt.f32 v12, $0.0e+00;
	v10 =	vmul.f32 v19, v3;
	v19 =	vsub.f32 $0.0e+00, v27  }
0x241: {  	v52 =	vand.u32 $0x7FFFFFFF, v26;
	v53 =	vand.u32 $0x7FFFFFFF, v21;
	v16 =	vand.u32 $0x7FFFFFFF, v63  }
0x242: {  	vm2 =	vmmov vm2;
	v12 =	vmul.f32 v16, v18;
	v16 =	vand.u32 $0x7FFFFFFF, v34  }
0x243: {  	v35 =	vadd.f32 v10, v10;
	v36 =	vmin.f32 v10, $4.000000000e+00;
	vm3 =	vlt.f32 v10, $5.000000000e+00  }
0x244: {  	vm0 =	vlt.f32 v10, $2.500000000e+00;
	v19 =	vsel vm1, v19, v27;
	v25 =	vadd.f32 $1.258291200e+07, v36  }
0x245: {  	vm1 =	vlt.f32 v34, $0.0e+00;
	v5 =	vmul.f32 v16, v5;
	v37 =	vadd.f32 v12, v12  }
0x246: {  	v10 =	vadd.f32 $1.258291200e+07, v35;
	v39 =	vmin.f32 v12, $4.000000000e+00;
	v16 =	vadd.f32 $-1.258291200e+07, v25  }
0x247: {  	v27 =	vld [tilespmem:s20+$0x1280];
	vm7 =	vmmov vm1;
	v42 =	vadd.f32 $1.258291200e+07, v39;
	v43 =	vadd.f32 v5, v5  }
0x248: {  	v40 =	vmin.f32 v5, $4.000000000e+00;
	v38 =	vadd.f32 $1.258291200e+07, v37;
	v10 =	vadd.f32 $-1.258291200e+07, v10  }
0x249: {  	v25 =	vld [tilespmem:s20+$0x1100];
	vm4 =	vlt.f32 v5, $5.000000000e+00;
	vm5 =	vlt.f32 v5, $2.500000000e+00;
	v44 =	vadd.f32 $1.258291200e+07, v40  }
0x24a: {  	s25 =	simm.s32 $0x880;
	v16 =	vnsel vm3, $0x40C00000, v16;
	v41 =	vadd.f32 $-1.258291200e+07, v38;
	v10 =	vmin.f32 v10, $4.000000000e+00  }
0x24b: {  	v46 =	vadd.f32 $-1.258291200e+07, v42;
	vm3 =	vlt.f32 v12, $5.000000000e+00;
	v47 =	vmul.f32 $5.000000000e-01, v10;
	v10 =	vld [tilespmem:s25+$0x0]  }
0x24c: {  	v33 =	vadd.f32 $1.258291200e+07, v43;
	v54 =	vand.u32 $0x7FFFFFFF, v27;
	v45 =	vmin.f32 v41, $4.000000000e+00  }
0x24d: {  	v5 =	vadd.f32 $-1.258291200e+07, v44;
	v30 =	vnsel vm3, $0x40C00000, v46;
	v48 =	vmul.f32 $5.000000000e-01, v45  }
0x24e: {  	vm3 =	vlt.f32 v12, $2.500000000e+00;
	v51 =	vand.u32 $0x7FFFFFFF, v25;
	v12 =	vsel vm0, v47, v16  }
0x24f: {  	v5 =	vnsel vm4, $0x40C00000, v5;
	v12 =	vmul.f32 v12, v4;
	v16 =	vsel vm3, v48, v30  }
0x250: {  	v30 =	vadd.f32 $-1.258291200e+07, v33;
	v32 =	vmul.f32 v49, v10;
	v33 =	vmul.f32 v50, v10  }
0x251: {  	vm3 =	vlt.f32 v63, $0.0e+00;
	v34 =	vmul.f32 v51, v10;
	v35 =	vmul.f32 v52, v10  }
0x252: {  	v36 =	vmul.f32 v53, v10;
	v16 =	vmul.f32 v16, v23;
	v55 =	vadd.f32 v32, v32  }
0x253: {  	v37 =	vmul.f32 v54, v10;
	v57 =	vadd.f32 v33, v33;
	v58 =	vadd.f32 v34, v34  }
0x254: {  	v56 =	vmin.f32 v32, $4.000000000e+00;
	v60 =	vsub.f32 $0.0e+00, v16;
	v61 =	vadd.f32 v35, v35  }
0x255: {  	v59 =	vmin.f32 v33, $4.000000000e+00;
	v62 =	vadd.f32 v36, v36;
	v50 =	vadd.f32 v37, v37  }
0x256: {  	v45 =	vmin.f32 v34, $4.000000000e+00;
	v39 =	vadd.f32 $1.258291200e+07, v56;
	v42 =	vadd.f32 $1.258291200e+07, v59  }
0x257: {  	v30 =	vmin.f32 v30, $4.000000000e+00;
	v41 =	vadd.f32 $1.258291200e+07, v45;
	v38 =	vadd.f32 $1.258291200e+07, v55  }
0x258: {  	v46 =	vmin.f32 v35, $4.000000000e+00;
	v40 =	vadd.f32 $1.258291200e+07, v57;
	v63 =	vadd.f32 $1.258291200e+07, v58  }
0x259: {  	v53 =	vmin.f32 v36, $4.000000000e+00;
	v31 =	vadd.f32 $1.258291200e+07, v61;
	v51 =	vadd.f32 $1.258291200e+07, v62  }
0x25a: {  	v16 =	vsel vm3, v60, v16;
	v39 =	vadd.f32 $-1.258291200e+07, v39;
	v42 =	vadd.f32 $-1.258291200e+07, v42  }
0x25b: {  	v54 =	vmin.f32 v37, $4.000000000e+00;
	[tilespmem:s0+$0x9000] =	vst v16;
	v16 =	vadd.f32 $1.258291200e+07, v46;
	v48 =	vadd.f32 $-1.258291200e+07, v41  }
0x25c: {  	s31 =	sor.u32 $0x380, s2;
	vm3 =	vlt.f32 v32, $5.000000000e+00;
	v38 =	vadd.f32 $-1.258291200e+07, v38;
	v40 =	vadd.f32 $-1.258291200e+07, v40  }
0x25d: {  	v49 =	vld [tilespmem:s31+$0x1000];
	v31 =	vadd.f32 $-1.258291200e+07, v31;
	v39 =	vnsel vm3, $0x40C00000, v39;
	vm3 =	vlt.f32 v32, $2.500000000e+00  }
0x25e: {  	v32 =	vadd.f32 $-1.258291200e+07, v63;
	v16 =	vadd.f32 $-1.258291200e+07, v16;
	v38 =	vmin.f32 v38, $4.000000000e+00  }
0x25f: {  	v40 =	vmin.f32 v40, $4.000000000e+00;
	v31 =	vmin.f32 v31, $4.000000000e+00;
	v38 =	vmul.f32 $5.000000000e-01, v38  }
0x260: {  	v40 =	vmul.f32 $5.000000000e-01, v40;
	v32 =	vmin.f32 v32, $4.000000000e+00;
	v31 =	vmul.f32 $5.000000000e-01, v31  }
0x261: {  	v32 =	vmul.f32 $5.000000000e-01, v32;
	v38 =	vsel vm3, v38, v39;
	vm3 =	vlt.f32 v33, $5.000000000e+00  }
0x262: {  	v52 =	vand.u32 $0x7FFFFFFF, v49;
	v47 =	vnsel vm3, $0x40C00000, v42;
	vm3 =	vlt.f32 v33, $2.500000000e+00  }
0x263: {  	v18 =	vmul.f32 v52, v18;
	v39 =	vsel vm3, v40, v47;
	vm3 =	vlt.f32 v34, $5.000000000e+00  }
0x264: {  	v40 =	vadd.f32 $1.258291200e+07, v50;
	v33 =	vnsel vm3, $0x40C00000, v48;
	vm3 =	vlt.f32 v35, $5.000000000e+00  }
0x265: {  	v55 =	vadd.f32 v18, v18;
	v56 =	vmin.f32 v18, $4.000000000e+00;
	v16 =	vnsel vm3, $0x40C00000, v16  }
0x266: {  	vm3 =	vlt.f32 v34, $2.500000000e+00;
	v34 =	vadd.f32 $-1.258291200e+07, v51;
	v40 =	vadd.f32 $-1.258291200e+07, v40  }
0x267: {  	v32 =	vsel vm3, v32, v33;
	vm3 =	vlt.f32 v35, $2.500000000e+00;
	v35 =	vadd.f32 $1.258291200e+07, v53  }
0x268: {  	v33 =	vadd.f32 $1.258291200e+07, v54;
	v34 =	vmin.f32 v34, $4.000000000e+00;
	v31 =	vsel vm3, v31, v16;
	v16 =	vld [tilespmem:s17+$0x0]  }
0x269: {  	vm3 =	vlt.f32 v36, $5.000000000e+00;
	v40 =	vmin.f32 v40, $4.000000000e+00;
	v35 =	vadd.f32 $-1.258291200e+07, v35  }
0x26a: {  	v34 =	vmul.f32 $5.000000000e-01, v34;
	v33 =	vadd.f32 $-1.258291200e+07, v33;
	v40 =	vmul.f32 $5.000000000e-01, v40  }
0x26b: {  	v35 =	vnsel vm3, $0x40C00000, v35;
	vm3 =	vlt.f32 v36, $2.500000000e+00;
	v36 =	vadd.f32 $1.258291200e+07, v55  }
0x26c: {  	[tilespmem:s13+$0x9000] =	vst v6;
	v34 =	vsel vm3, v34, v35;
	vm3 =	vlt.f32 v37, $5.000000000e+00;
	v35 =	vadd.f32 $1.258291200e+07, v56  }
0x26d: {  	[tilespmem:s16+$0x9000] =	vst v9;
	v36 =	vadd.f32 $-1.258291200e+07, v36;
	v6 =	vnsel vm3, $0x40C00000, v33;
	v57 =	vmul.f32 v38, v16  }
0x26e: {  	[tilespmem:s26+$0x9200] =	vst v15;
	vm3 =	vlt.f32 v37, $2.500000000e+00;
	v58 =	vmul.f32 v39, v16;
	v15 =	vmul.f32 v32, v16  }
0x26f: {  	[tilespmem:s26+$0x9280] =	vst v14;
	v14 =	vmul.f32 v31, v16;
	v60 =	vmul.f32 v34, v16;
	v6 =	vsel vm3, v40, v6  }
0x270: {  	[tilespmem:s26+$0x9000] =	vst v20;
	v35 =	vadd.f32 $-1.258291200e+07, v35;
	vm3 =	vlt.f32 v18, $5.000000000e+00;
	v20 =	vmin.f32 v36, $4.000000000e+00  }
0x271: {  	[tilespmem:s26+$0x9080] =	vst v24;
	v59 =	vsub.f32 $0.0e+00, v57;
	v61 =	vmul.f32 v6, v16;
	v20 =	vmul.f32 $5.000000000e-01, v20  }
0x272: {  	[tilespmem:s26+$0x9100] =	vst v22;
	v62 =	vsub.f32 $0.0e+00, v15;
	v35 =	vnsel vm3, $0x40C00000, v35;
	vm3 =	vlt.f32 v18, $2.500000000e+00  }
0x273: {  	[tilespmem:s26+$0x9180] =	vst v17;
	s26 =	sor.u32 $0x300, s28;
	v18 =	vsub.f32 $0.0e+00, v58;
	v17 =	vsel vm3, v20, v35;
	vm3 =	vlt.f32 v29, $0.0e+00  }
0x274: {  	v9 =	vld [tilespmem:s26+$0x1000];
	[tilespmem:s24+$0x9000] =	vst v19;
	v19 =	vsub.f32 $0.0e+00, v14;
	v20 =	vsel vm3, v59, v57;
	vm3 =	vlt.f32 v28, $0.0e+00  }
0x275: {  	s13 =	sor.u32 $0x380, s15;
	v63 =	vsub.f32 $0.0e+00, v60;
	v18 =	vsel vm3, v18, v58;
	vm3 =	vlt.f32 v25, $0.0e+00  }
0x276: {  	[tilespmem:s22+$0x9000] =	vst v11;
	v6 =	vld [tilespmem:s13+$0x1000];
	v23 =	vmul.f32 v17, v23;
	v15 =	vsel vm3, v62, v15;
	vm3 =	vlt.f32 v26, $0.0e+00  }
0x277: {  	[tilespmem:s29+$0x9000] =	vst v13;
	v13 =	vsub.f32 $0.0e+00, v61;
	v17 =	vsel vm3, v19, v14;
	vm3 =	vlt.f32 v21, $0.0e+00  }
0x278: {  	[tilespmem:s20+$0x9000] =	vst v20;
	v19 =	vsub.f32 $0.0e+00, v23;
	v11 =	vsel vm3, v63, v60;
	vm3 =	vlt.f32 v27, $0.0e+00  }
0x279: {  	[tilespmem:s20+$0x9080] =	vst v18;
	v14 =	vsel vm3, v13, v61;
	vm3 =	vlt.f32 v49, $0.0e+00;
	v13 =	vand.u32 $0x7FFFFFFF, v9  }
0x27a: {  	s15 =	sor.u32 $0x380, s19;
	s16 =	sor.u32 $0x380, s28;
	s22 =	simm.s32 $0xA0;
	v18 =	vsub.f32 $0.0e+00, v12;
	[tilespmem:s20+$0x9100] =	vst v15;
	v19 =	vsel vm3, v19, v23;
	v15 =	vmul.f32 v13, v7  }
0x27b: {  	s19 =	simm.s32 $0x8;
	s28 =	sor.u32 $0x300, s30;
	s24 =	sor.u32 $0x380, s30;
	vm3 =	vlt.f32 v9, $0.0e+00;
	v13 =	vand.u32 $0x7FFFFFFF, v6;
	v9 =	vmul.f32 $5.000000000e-01, v30;
	[tilespmem:s31+$0x9000] =	vst v19  }
.LBB2_2:
0x27c: {  	[tilespmem:s20+$0x9180] =	vst v17;
	v13 =	vmul.f32 v13, v1  }
0x27d: {  	s2 =	sand.u32 $0x60, s22;
	[tilespmem:s20+$0x9200] =	vst v11;
	s18 =	sadd.s32 $0x100, s18;
	v17 =	vadd.f32 v15, v15;
	vm6 =	vlt.f32 v15, $5.000000000e+00;
	v19 =	vmin.f32 v15, $4.000000000e+00  }
0x27e: {  	s0 =	sand.u32 $0x780, s22;
	[tilespmem:s20+$0x9280] =	vst v14;
	s29 =	sor.u32 $0x10, s2;
	vm4 =	vlt.f32 v15, $2.500000000e+00;
	v12 =	vsel vm2, v18, v12;
	s30 =	sand.u32 $0x3C00, s18;
	v19 =	vadd.f32 $1.258291200e+07, v19  }
0x27f: {  	v5 =	vsel vm5, v9, v5;
	vm5 =	vlt.f32 v6, $0.0e+00;
	s0 =	sor.u32 s0, s29;
	s29 =	sor.u32 s30, s29;
	[tilespmem:s21+$0x9000] =	vst v12;
	v12 =	vadd.f32 v13, v13  }
0x280: {  	vm2 =	vmmov vm3;
	v14 =	vadd.f32 $1.258291200e+07, v17;
	v15 =	vld [tilespmem:s29+$0x1080];
	v9 =	vadd.f32 $-1.258291200e+07, v19  }
0x281: {  	v6 =	vmul.f32 v5, v0;
	vm0 =	vlt.f32 v13, $2.500000000e+00;
	v19 =	vld [tilespmem:s29+$0x1100];
	v12 =	vadd.f32 $1.258291200e+07, v12  }
0x282: {  	v1 =	vmovc v3;
	v11 =	vld [tilespmem:s0+$0x800];
	v5 =	vadd.f32 $-1.258291200e+07, v14;
	v14 =	vmin.f32 v13, $4.000000000e+00;
	v9 =	vnsel vm6, $0x40C00000, v9  }
0x283: {  	v3 =	vmovc v7;
	v7 =	vmovc v10;
	v10 =	vld [tilespmem:s29+$0x1000];
	vm6 =	vlt.f32 v13, $5.000000000e+00;
	v14 =	vadd.f32 $1.258291200e+07, v14;
	v13 =	vimm.s32 $0x0  }
0x284: {  	v23 =	vld [tilespmem:s29+$0x1180];
	v17 =	vadd.f32 $-1.258291200e+07, v12;
	v5 =	vmin.f32 v5, $4.000000000e+00;
	v13 =	vsel vm0, $0xFFFFFFFF, v13  }
0x285: {  	v21 =	vld [tilespmem:s29+$0x1280];
	[tilespmem:$0x1FFF0] =	vst v13;
	v5 =	vmul.f32 $5.000000000e-01, v5;
	v13 =	vadd.f32 $-1.258291200e+07, v14;
	v14 =	vsub.f32 $0.0e+00, v6  }
0x286: {  	v0 =	vmovc v2;
	vm0 =	vmmov vm5;
	vm3 =	vlt.f32 v15, $0.0e+00;
	vm5 =	vlt.f32 v19, $0.0e+00  }
0x287: {  	v2 =	vmovc v4;
	v4 =	vmovc v8;
	v9 =	vsel vm4, v5, v9;
	v5 =	vnsel vm6, $0x40C00000, v13;
	v6 =	vsel vm7, v14, v6  }
0x288: {  	s20 =	sor.u32 s2, s30;
	v22 =	vld [tilespmem:s29+$0x1200];
	vm4 =	vlt.f32 v10, $0.0e+00;
	v13 =	vand.u32 $0x7FFFFFFF, v19;
	v12 =	vmul.f32 v9, v4  }
0x289: {  	v8 =	vmovc v16;
	v16 =	vld [tilespmem:s20+$0x1000];
	v9 =	vmin.f32 v17, $4.000000000e+00;
	[tilespmem:s14+$0x9000] =	vst v6;
	v6 =	vimm.s32 $0x0;
	v17 =	vand.u32 $0x7FFFFFFF, v23  }
0x28a: {  	v25 =	vmul.f32 v13, v11;
	v13 =	vand.u32 $0x7FFFFFFF, v21;
	v6 =	vsel vm0, $0xFFFFFFFF, v6  }
0x28b: {  	v26 =	vmul.f32 v17, v11;
	v27 =	vmul.f32 v13, v11;
	[tilespmem:$0x1FFE0] =	vst v6;
	v6 =	vand.u32 $0x7FFFFFFF, v10  }
0x28c: {  	v10 =	vand.u32 $0x7FFFFFFF, v15;
	v32 =	vadd.f32 v25, v25;
	v33 =	vmin.f32 v25, $4.000000000e+00  }
0x28d: {  	vm8 =	vlt.f32 v25, $2.500000000e+00;
	vm14 =	vlt.f32 v25, $5.000000000e+00;
	v24 =	vmul.f32 v6, v11  }
0x28e: {  	v10 =	vmul.f32 v10, v11;
	v6 =	vand.u32 $0x7FFFFFFF, v22;
	v34 =	vadd.f32 v26, v26  }
0x28f: {  	v35 =	vmin.f32 v26, $4.000000000e+00;
	v37 =	vadd.f32 v27, v27;
	v33 =	vadd.f32 $1.258291200e+07, v33  }
0x290: {  	v39 =	vmin.f32 v27, $4.000000000e+00;
	vm9 =	vlt.f32 v26, $2.500000000e+00;
	vm11 =	vlt.f32 v27, $2.500000000e+00  }
0x291: {  	vm15 =	vlt.f32 v26, $5.000000000e+00;
	vm1 =	vlt.f32 v27, $5.000000000e+00;
	v35 =	vadd.f32 $1.258291200e+07, v35  }
0x292: {  	v19 =	vmul.f32 v6, v11;
	v39 =	vadd.f32 $1.258291200e+07, v39;
	v32 =	vadd.f32 $1.258291200e+07, v32  }
0x293: {  	v28 =	vmin.f32 v24, $4.000000000e+00;
	vm6 =	vlt.f32 v10, $2.500000000e+00;
	v29 =	vadd.f32 v24, v24  }
0x294: {  	v30 =	vadd.f32 v10, v10;
	v31 =	vmin.f32 v10, $4.000000000e+00;
	v34 =	vadd.f32 $1.258291200e+07, v34  }
0x295: {  	v37 =	vadd.f32 $1.258291200e+07, v37;
	vm13 =	vlt.f32 v10, $5.000000000e+00;
	v10 =	vadd.f32 $-1.258291200e+07, v33  }
0x296: {  	vm7 =	vlt.f32 v24, $2.500000000e+00;
	v36 =	vadd.f32 v19, v19;
	v28 =	vadd.f32 $1.258291200e+07, v28  }
0x297: {  	vm12 =	vlt.f32 v24, $5.000000000e+00;
	v31 =	vadd.f32 $1.258291200e+07, v31;
	v47 =	vadd.f32 $-1.258291200e+07, v35  }
0x298: {  	v38 =	vmin.f32 v19, $4.000000000e+00;
	v49 =	vadd.f32 $-1.258291200e+07, v39;
	v50 =	vadd.f32 $-1.258291200e+07, v32  }
0x299: {  	vm10 =	vlt.f32 v19, $2.500000000e+00;
	v38 =	vadd.f32 $1.258291200e+07, v38;
	v29 =	vadd.f32 $1.258291200e+07, v29  }
0x29a: {  	vm0 =	vlt.f32 v19, $5.000000000e+00;
	v30 =	vadd.f32 $1.258291200e+07, v30;
	v51 =	vadd.f32 $-1.258291200e+07, v34  }
0x29b: {  	v53 =	vadd.f32 $-1.258291200e+07, v37;
	v10 =	vnsel vm14, $0x40C00000, v10;
	v36 =	vadd.f32 $1.258291200e+07, v36  }
0x29c: {  	v45 =	vadd.f32 $-1.258291200e+07, v28;
	v46 =	vadd.f32 $-1.258291200e+07, v31;
	v55 =	vnsel vm15, $0x40C00000, v47  }
0x29d: {  	v56 =	vnsel vm1, $0x40C00000, v49;
	v26 =	vmin.f32 v50, $4.000000000e+00;
	v48 =	vadd.f32 $-1.258291200e+07, v38  }
0x29e: {  	v29 =	vadd.f32 $-1.258291200e+07, v29;
	v30 =	vadd.f32 $-1.258291200e+07, v30;
	v32 =	vmin.f32 v51, $4.000000000e+00  }
0x29f: {  	v19 =	vld [tilespmem:s0+$0x0];
	v26 =	vmul.f32 $5.000000000e-01, v26;
	v58 =	vmin.f32 v53, $4.000000000e+00;
	v52 =	vadd.f32 $-1.258291200e+07, v36  }
0x2a0: {  	v24 =	vnsel vm12, $0x40C00000, v45;
	v54 =	vnsel vm13, $0x40C00000, v46;
	v59 =	vmul.f32 $5.000000000e-01, v32  }
0x2a1: {  	v61 =	vmul.f32 $5.000000000e-01, v58;
	v25 =	vnsel vm0, $0x40C00000, v48;
	v29 =	vmin.f32 v29, $4.000000000e+00  }
0x2a2: {  	v30 =	vmin.f32 v30, $4.000000000e+00;
	v10 =	vsel vm8, v26, v10;
	vm0 =	vlt.f32 v23, $0.0e+00  }
0x2a3: {  	v29 =	vmul.f32 $5.000000000e-01, v29;
	v57 =	vmin.f32 v52, $4.000000000e+00;
	v30 =	vmul.f32 $5.000000000e-01, v30  }
0x2a4: {  	v62 =	vsel vm9, v59, v55;
	v33 =	vmul.f32 v10, v19;
	v60 =	vmul.f32 $5.000000000e-01, v57  }
0x2a5: {  	v20 =	vld [tilespmem:s20+$0x1080];
	v26 =	vmul.f32 v62, v19;
	v24 =	vsel vm7, v29, v24;
	v27 =	vsel vm6, v30, v54  }
0x2a6: {  	v18 =	vld [tilespmem:s20+$0x1100];
	v30 =	vsel vm11, v61, v56;
	v35 =	vsub.f32 $0.0e+00, v33;
	v24 =	vmul.f32 v24, v19  }
0x2a7: {  	v14 =	vld [tilespmem:s20+$0x1180];
	v27 =	vmul.f32 v27, v19;
	v10 =	vsel vm10, v60, v25;
	v38 =	vsub.f32 $0.0e+00, v26  }
0x2a8: {  	v17 =	vld [tilespmem:s20+$0x1280];
	v36 =	vmul.f32 v10, v19;
	v40 =	vsel vm5, v35, v33;
	v63 =	vsub.f32 $0.0e+00, v24  }
0x2a9: {  	s23 =	sadd.s32 $0x1, s23;
	s25 =	sadd.s32 $0x20, s25;
	v15 =	vld [tilespmem:s20+$0x1200];
	v39 =	vmul.f32 v30, v19;
	v34 =	vsub.f32 $0.0e+00, v27;
	[tilespmem:s29+$0x9100] =	vst v40;
	v42 =	vsel vm0, v38, v26  }
0x2aa: {  	s21 =	smov.u32 s26;
	s26 =	smov.u32 s28;
	s30 =	sand.u32 $0x3, s23;
	v10 =	vld [tilespmem:s25+$0x0];
	v41 =	vsub.f32 $0.0e+00, v36;
	[tilespmem:s29+$0x9180] =	vst v42;
	v24 =	vsel vm4, v63, v24  }
0x2ab: {  	s14 =	smov.u32 s13;
	s13 =	smov.u32 s15;
	s0 =	sshll.u32 s30, $0x5;
	vm0 =	vlt.f32 v22, $0.0e+00;
	v43 =	vsub.f32 $0.0e+00, v39;
	v37 =	vsel vm3, v34, v27;
	[tilespmem:s29+$0x9000] =	vst v24  }
0x2ac: {  	s15 =	smov.u32 s16;
	s16 =	smov.u32 s24;
	s0 =	sadd.s32 s0, s18;
	[tilespmem:s29+$0x9080] =	vst v37;
	v23 =	vsel vm0, v41, v36;
	vm0 =	vlt.f32 v21, $0.0e+00  }
0x2ad: {  	v44 =	vand.u32 $0x7FFFFFFF, v16;
	s28 =	sor.u32 $0x300, s0;
	s24 =	sor.u32 $0x380, s0;
	s0 =	sadd.s32 $0x10, s0;
	v47 =	vand.u32 $0x7FFFFFFF, v14;
	[tilespmem:s29+$0x9200] =	vst v23;
	v22 =	vsel vm0, v43, v39  }
0x2ae: {  	v49 =	vand.u32 $0x7FFFFFFF, v17;
	s31 =	sor.u32 $0x300, s0;
	v45 =	vand.u32 $0x7FFFFFFF, v20;
	v46 =	vand.u32 $0x7FFFFFFF, v18;
	[tilespmem:s29+$0x9280] =	vst v22  }
0x2af: {  	v48 =	vand.u32 $0x7FFFFFFF, v15;
	vm3 =	vlt.f32 v16, $0.0e+00;
	v21 =	vmul.f32 v45, v10;
	v16 =	vld [tilespmem:s31+$0x1000]  }
0x2b0: {  	vm4 =	vlt.f32 v20, $0.0e+00;
	v20 =	vmul.f32 v46, v10;
	v23 =	vmul.f32 v47, v10  }
0x2b1: {  	v25 =	vmul.f32 v48, v10;
	v26 =	vmul.f32 v49, v10;
	v52 =	vadd.f32 v21, v21  }
0x2b2: {  	v22 =	vmul.f32 v44, v10;
	v53 =	vadd.f32 v20, v20;
	v55 =	vadd.f32 v23, v23  }
0x2b3: {  	v54 =	vmin.f32 v21, $4.000000000e+00;
	v56 =	vadd.f32 v25, v25;
	v57 =	vadd.f32 v26, v26  }
0x2b4: {  	v59 =	vmin.f32 v20, $4.000000000e+00;
	v60 =	vmin.f32 v23, $4.000000000e+00;
	v58 =	vand.u32 $0x7FFFFFFF, v16  }
0x2b5: {  	v50 =	vadd.f32 v22, v22;
	v30 =	vadd.f32 $1.258291200e+07, v54;
	v34 =	vmul.f32 v58, v11  }
0x2b6: {  	v62 =	vmin.f32 v25, $4.000000000e+00;
	v35 =	vadd.f32 $1.258291200e+07, v59;
	v44 =	vadd.f32 $1.258291200e+07, v60  }
0x2b7: {  	v63 =	vmin.f32 v26, $4.000000000e+00;
	v45 =	vadd.f32 $1.258291200e+07, v62;
	v61 =	vadd.f32 v34, v34  }
0x2b8: {  	v9 =	vmul.f32 $5.000000000e-01, v9;
	v46 =	vadd.f32 $1.258291200e+07, v63;
	v28 =	vadd.f32 $1.258291200e+07, v52  }
0x2b9: {  	vm1 =	vlt.f32 v20, $5.000000000e+00;
	v29 =	vadd.f32 $1.258291200e+07, v53;
	v37 =	vadd.f32 $1.258291200e+07, v61  }
0x2ba: {  	v31 =	vadd.f32 $1.258291200e+07, v55;
	v32 =	vadd.f32 $1.258291200e+07, v56;
	v40 =	vmin.f32 v34, $4.000000000e+00  }
0x2bb: {  	v51 =	vmin.f32 v22, $4.000000000e+00;
	v40 =	vadd.f32 $1.258291200e+07, v40;
	v37 =	vadd.f32 $-1.258291200e+07, v37  }
0x2bc: {  	vm6 =	vlt.f32 v23, $5.000000000e+00;
	v33 =	vadd.f32 $1.258291200e+07, v57;
	v27 =	vadd.f32 $1.258291200e+07, v51  }
0x2bd: {  	v24 =	vadd.f32 $1.258291200e+07, v50;
	v40 =	vadd.f32 $-1.258291200e+07, v40;
	v37 =	vmin.f32 v37, $4.000000000e+00  }
0x2be: {  	v30 =	vadd.f32 $-1.258291200e+07, v30;
	vm0 =	vlt.f32 v34, $5.000000000e+00;
	v37 =	vmul.f32 $5.000000000e-01, v37  }
0x2bf: {  	v35 =	vadd.f32 $-1.258291200e+07, v35;
	v40 =	vnsel vm0, $0x40C00000, v40;
	vm0 =	vlt.f32 v34, $2.500000000e+00  }
0x2c0: {  	v48 =	vadd.f32 $-1.258291200e+07, v45;
	v50 =	vadd.f32 $-1.258291200e+07, v46;
	v37 =	vsel vm0, v37, v40  }
0x2c1: {  	v28 =	vadd.f32 $-1.258291200e+07, v28;
	v29 =	vadd.f32 $-1.258291200e+07, v29;
	v37 =	vmul.f32 v37, v19  }
0x2c2: {  	vm7 =	vlt.f32 v26, $5.000000000e+00;
	v31 =	vadd.f32 $-1.258291200e+07, v31;
	v32 =	vadd.f32 $-1.258291200e+07, v32  }
0x2c3: {  	vm5 =	vlt.f32 v22, $5.000000000e+00;
	v33 =	vadd.f32 $-1.258291200e+07, v33;
	v47 =	vsub.f32 $0.0e+00, v37  }
0x2c4: {  	v27 =	vadd.f32 $-1.258291200e+07, v27;
	v24 =	vadd.f32 $-1.258291200e+07, v24;
	vm0 =	vlt.f32 v16, $0.0e+00  }
0x2c5: {  	v35 =	vnsel vm1, $0x40C00000, v35;
	v53 =	vnsel vm7, $0x40C00000, v50;
	v49 =	vsel vm0, v47, v37  }
0x2c6: {  	s0 =	sor.u32 $0x380, s0;
	vm1 =	vlt.f32 v21, $2.500000000e+00;
	vm7 =	vlt.f32 v25, $2.500000000e+00;
	v28 =	vmin.f32 v28, $4.000000000e+00;
	[tilespmem:s31+$0x9000] =	vst v49  }
0x2c7: {  	v29 =	vmin.f32 v29, $4.000000000e+00;
	v31 =	vmin.f32 v31, $4.000000000e+00;
	v32 =	vmin.f32 v32, $4.000000000e+00;
	v36 =	vld [tilespmem:s0+$0x1000]  }
0x2c8: {  	v33 =	vmin.f32 v33, $4.000000000e+00;
	v27 =	vnsel vm5, $0x40C00000, v27;
	vm5 =	vlt.f32 v25, $5.000000000e+00  }
0x2c9: {  	v28 =	vmul.f32 $5.000000000e-01, v28;
	v29 =	vmul.f32 $5.000000000e-01, v29;
	v16 =	vadd.f32 $-1.258291200e+07, v44  }
0x2ca: {  	s17 =	sadd.s32 $0x20, s17;
	v24 =	vmin.f32 v24, $4.000000000e+00;
	v31 =	vmul.f32 $5.000000000e-01, v31;
	v32 =	vmul.f32 $5.000000000e-01, v32  }
0x2cb: {  	v33 =	vmul.f32 $5.000000000e-01, v33;
	v52 =	vnsel vm5, $0x40C00000, v48;
	v51 =	vnsel vm6, $0x40C00000, v16;
	v16 =	vld [tilespmem:s17+$0x0]  }
0x2cc: {  	vm5 =	vlt.f32 v20, $2.500000000e+00;
	v24 =	vmul.f32 $5.000000000e-01, v24;
	v20 =	vand.u32 $0x7FFFFFFF, v36  }
0x2cd: {  	v54 =	vsel vm5, v29, v35;
	vm0 =	vlt.f32 v21, $5.000000000e+00;
	v11 =	vmul.f32 v20, v11  }
0x2ce: {  	vm5 =	vlt.f32 v14, $0.0e+00;
	vm6 =	vlt.f32 v23, $2.500000000e+00;
	v30 =	vnsel vm0, $0x40C00000, v30  }
0x2cf: {  	vm0 =	vlt.f32 v22, $2.500000000e+00;
	v22 =	vsel vm7, v32, v52;
	v56 =	vadd.f32 v11, v11  }
0x2d0: {  	v55 =	vsel vm6, v31, v51;
	vm6 =	vlt.f32 v17, $0.0e+00;
	v22 =	vmul.f32 v22, v16  }
0x2d1: {  	v21 =	vsel vm1, v28, v30;
	v23 =	vmul.f32 v54, v16;
	v25 =	vadd.f32 $1.258291200e+07, v56  }
0x2d2: {  	v21 =	vmul.f32 v21, v16;
	v63 =	vsub.f32 $0.0e+00, v22;
	v59 =	vmin.f32 v11, $4.000000000e+00  }
0x2d3: {  	v20 =	vsel vm0, v24, v27;
	v27 =	vadd.f32 $1.258291200e+07, v59;
	v25 =	vadd.f32 $-1.258291200e+07, v25  }
0x2d4: {  	vm0 =	vlt.f32 v26, $2.500000000e+00;
	v24 =	vmul.f32 v55, v16;
	v20 =	vmul.f32 v20, v16  }
0x2d5: {  	v57 =	vld [tilespmem:$0x1FFE0];
	v58 =	vsel vm0, v33, v53;
	v27 =	vadd.f32 $-1.258291200e+07, v27;
	v25 =	vmin.f32 v25, $4.000000000e+00  }
0x2d6: {  	vm0 =	vlt.f32 v18, $0.0e+00;
	vm1 =	vlt.f32 v11, $5.000000000e+00;
	v25 =	vmul.f32 $5.000000000e-01, v25  }
0x2d7: {  	v60 =	vsub.f32 $0.0e+00, v20;
	v27 =	vnsel vm1, $0x40C00000, v27;
	vm1 =	vlt.f32 v11, $2.500000000e+00  }
0x2d8: {  	v13 =	vld [tilespmem:s26+$0x1000];
	v18 =	vsub.f32 $0.0e+00, v23;
	v26 =	vmul.f32 v58, v16;
	v11 =	vsel vm1, v25, v27  }
0x2d9: {  	s19 =	sadd.s32 $0x2, s19;
	v6 =	vld [tilespmem:s13+$0x1000];
	vm1 =	vlt.f32 v15, $0.0e+00;
	v15 =	vmul.f32 v11, v19;
	v11 =	vsel vm3, v60, v20  }
0x2da: {  	p0 =	slt.u32 s19, $0x7E;
	vm7 =	vnez.u8 v57;
	v61 =	vsub.f32 $0.0e+00, v21;
	v62 =	vsub.f32 $0.0e+00, v24;
	[tilespmem:s20+$0x9000] =	vst v11;
	v11 =	vld [tilespmem:$0x1FFF0]  }
.Ltmp0:
0x2db: {  	v18 =	vsel vm0, v18, v23;
	vm0 =	vlt.f32 v36, $0.0e+00;
	v14 =	vsub.f32 $0.0e+00, v26;
	(pc) =	sbr.rel @p0 .LBB2_2-.Ltmp0, $4  }
0x2dc: {  	v17 =	vsel vm5, v62, v24;
	[tilespmem:s20+$0x9100] =	vst v18;
	v18 =	vsub.f32 $0.0e+00, v12;
	v20 =	vsub.f32 $0.0e+00, v15  }
0x2dd: {  	v14 =	vsel vm6, v14, v26;
	v19 =	vsel vm4, v61, v21;
	vm3 =	vlt.f32 v13, $0.0e+00  }
0x2de: {  	[tilespmem:s20+$0x9080] =	vst v19;
	v19 =	vand.u32 $0x7FFFFFFF, v13;
	v13 =	vand.u32 $0x7FFFFFFF, v6;
	v20 =	vsel vm0, v20, v15  }
0x2df: {  	s22 =	sadd.s32 $0x20, s22;
	v15 =	vmul.f32 v19, v7;
	[tilespmem:s0+$0x9000] =	vst v20;
	vm5 =	vnez.u8 v11;
	v11 =	vsel vm1, v63, v22  }
0x2e0: {  	[tilespmem:s20+$0x9180] =	vst v17  }
0x2e1: {  	[tilespmem:s20+$0x9200] =	vst v11  }
0x2e2: {  	[tilespmem:s20+$0x9280] =	vst v14  }
0x2e3: {  	v11 =	vld [tilespmem:s28+$0x1000];
	_ =	sdelay $0x4  }
0x2e4: {  	v62 =	vand.u32 $0x7FFFFFFF, v11  }
0x2e5: {  	v14 =	vmul.f32 v62, v10  }
0x2e6: {  	v63 =	vadd.f32 v15, v15  }
0x2e7: {  	v19 =	vadd.f32 v14, v14  }
0x2e8: {  	v12 =	vsel vm2, v18, v12;
	v1 =	vmul.f32 v13, v1;
	v17 =	vadd.f32 $1.258291200e+07, v63  }
0x2e9: {  	v5 =	vsel vm5, v9, v5;
	v21 =	vmin.f32 v15, $4.000000000e+00;
	v19 =	vadd.f32 $1.258291200e+07, v19  }
0x2ea: {  	v18 =	vadd.f32 $1.258291200e+07, v21;
	v22 =	vadd.f32 $-1.258291200e+07, v17;
	v23 =	vmin.f32 v14, $4.000000000e+00  }
0x2eb: {  	vm0 =	vlt.f32 v15, $5.000000000e+00;
	v24 =	vadd.f32 $1.258291200e+07, v23;
	v25 =	vadd.f32 $-1.258291200e+07, v19  }
0x2ec: {  	vm1 =	vlt.f32 v15, $2.500000000e+00;
	v18 =	vadd.f32 $-1.258291200e+07, v18;
	v13 =	vmin.f32 v22, $4.000000000e+00  }
0x2ed: {  	v13 =	vmul.f32 $5.000000000e-01, v13;
	v15 =	vadd.f32 $-1.258291200e+07, v24;
	v17 =	vmin.f32 v25, $4.000000000e+00  }
0x2ee: {  	[tilespmem:s21+$0x9000] =	vst v12;
	v27 =	vnsel vm0, $0x40C00000, v18;
	vm4 =	vlt.f32 v14, $5.000000000e+00;
	v17 =	vmul.f32 $5.000000000e-01, v17  }
0x2ef: {  	v28 =	vld [tilespmem:s15+$0x1000];
	vm6 =	vlt.f32 v14, $2.500000000e+00;
	v12 =	vsel vm1, v13, v27;
	v29 =	vnsel vm4, $0x40C00000, v15  }
0x2f0: {  	vm8 =	vmmov vm3;
	v12 =	vmul.f32 v12, v8;
	v14 =	vsel vm6, v17, v29  }
0x2f1: {  	v26 =	vadd.f32 v1, v1;
	v30 =	vmin.f32 v1, $4.000000000e+00;
	v14 =	vmul.f32 v14, v16  }
0x2f2: {  	v0 =	vmul.f32 v5, v0;
	v31 =	vadd.f32 $1.258291200e+07, v30;
	v33 =	vsub.f32 $0.0e+00, v12  }
0x2f3: {  	v32 =	vadd.f32 $1.258291200e+07, v26;
	vm9 =	vlt.f32 v11, $0.0e+00;
	v34 =	vsub.f32 $0.0e+00, v14  }
0x2f4: {  	v35 =	vand.u32 $0x7FFFFFFF, v28;
	vm10 =	vmmov vm9;
	v12 =	vsel vm8, v33, v12  }
0x2f5: {  	v5 =	vadd.f32 $-1.258291200e+07, v32;
	v3 =	vmul.f32 v35, v3;
	[tilespmem:s26+$0x9000] =	vst v12;
	v11 =	vsel vm10, v34, v14  }
0x2f6: {  	vm11 =	vlt.f32 v6, $0.0e+00;
	vm12 =	vlt.f32 v1, $5.000000000e+00;
	v38 =	vsub.f32 $0.0e+00, v0;
	v37 =	vld [tilespmem:s16+$0x1000];
	[tilespmem:s28+$0x9000] =	vst v11  }
0x2f7: {  	v36 =	vadd.f32 $-1.258291200e+07, v31;
	v5 =	vmin.f32 v5, $4.000000000e+00;
	v39 =	vadd.f32 v3, v3;
	v40 =	vld [tilespmem:s24+$0x1000]  }
0x2f8: {  	vm13 =	vlt.f32 v1, $2.500000000e+00;
	v0 =	vsel vm7, v38, v0;
	v5 =	vmul.f32 $5.000000000e-01, v5  }
0x2f9: {  	vm0 =	vmmov vm11;
	v41 =	vnsel vm12, $0x40C00000, v36;
	v42 =	vadd.f32 $1.258291200e+07, v39  }
0x2fa: {  	vm14 =	vlt.f32 v28, $0.0e+00;
	v43 =	vmin.f32 v3, $4.000000000e+00;
	v1 =	vsel vm13, v5, v41  }
0x2fb: {  	v5 =	vadd.f32 $1.258291200e+07, v43;
	v6 =	vadd.f32 $-1.258291200e+07, v42;
	v44 =	vand.u32 $0x7FFFFFFF, v37  }
0x2fc: {  	vm11 =	vmmov vm14;
	v45 =	vmul.f32 v44, v7;
	v46 =	vand.u32 $0x7FFFFFFF, v40  }
0x2fd: {  	v5 =	vadd.f32 $-1.258291200e+07, v5;
	v6 =	vmin.f32 v6, $4.000000000e+00;
	v7 =	vmul.f32 v46, v10  }
0x2fe: {  	vm15 =	vlt.f32 v3, $5.000000000e+00;
	v6 =	vmul.f32 $5.000000000e-01, v6;
	v47 =	vadd.f32 v45, v45  }
0x2ff: {  	v48 =	vnsel vm15, $0x40C00000, v5;
	vm6 =	vlt.f32 v3, $2.500000000e+00;
	v49 =	vadd.f32 v7, v7  }
0x300: {  	v1 =	vmul.f32 v1, v2;
	v3 =	vsel vm6, v6, v48;
	v51 =	vadd.f32 $1.258291200e+07, v47  }
0x301: {  	v3 =	vmul.f32 v3, v4;
	v52 =	vmin.f32 v45, $4.000000000e+00;
	v5 =	vadd.f32 $1.258291200e+07, v49  }
0x302: {  	v4 =	vadd.f32 $1.258291200e+07, v52;
	v6 =	vadd.f32 $-1.258291200e+07, v51;
	v53 =	vmin.f32 v7, $4.000000000e+00  }
0x303: {  	vm7 =	vlt.f32 v45, $5.000000000e+00;
	v10 =	vadd.f32 $1.258291200e+07, v53;
	v5 =	vadd.f32 $-1.258291200e+07, v5  }
0x304: {  	vm8 =	vlt.f32 v45, $2.500000000e+00;
	v54 =	vadd.f32 $-1.258291200e+07, v4;
	v55 =	vmin.f32 v6, $4.000000000e+00  }
0x305: {  	v4 =	vmul.f32 $5.000000000e-01, v55;
	v56 =	vadd.f32 $-1.258291200e+07, v10;
	v5 =	vmin.f32 v5, $4.000000000e+00  }
0x306: {  	v2 =	vnsel vm7, $0x40C00000, v54;
	vm9 =	vlt.f32 v7, $5.000000000e+00;
	v5 =	vmul.f32 $5.000000000e-01, v5  }
0x307: {  	vm10 =	vlt.f32 v7, $2.500000000e+00;
	v2 =	vsel vm8, v4, v2;
	v57 =	vnsel vm9, $0x40C00000, v56  }
0x308: {  	v50 =	vsub.f32 $0.0e+00, v1;
	v2 =	vmul.f32 v2, v8;
	v4 =	vsel vm10, v5, v57  }
0x309: {  	v58 =	vsub.f32 $0.0e+00, v3;
	vm12 =	vlt.f32 v37, $0.0e+00;
	v4 =	vmul.f32 v4, v16  }
0x30a: {  	[tilespmem:s14+$0x9000] =	vst v0;
	v1 =	vsel vm0, v50, v1;
	vm13 =	vmmov vm12;
	v60 =	vsub.f32 $0.0e+00, v2  }
0x30b: {  	[tilespmem:s13+$0x9000] =	vst v1;
	v59 =	vsel vm11, v58, v3;
	vm14 =	vlt.f32 v40, $0.0e+00;
	v61 =	vsub.f32 $0.0e+00, v4  }
0x30c: {  	s12 =	sadd.s32 $0x1, s12;
	[tilespmem:s15+$0x9000] =	vst v59;
	vm15 =	vmmov vm14;
	v62 =	vsel vm13, v60, v2  }
0x30d: {  	p0 =	sne.s32 s12, s6;
	[tilespmem:s16+$0x9000] =	vst v62;
	v63 =	vsel vm15, v61, v4  }
.Ltmp1:
0x30e: {  	[tilespmem:s24+$0x9000] =	vst v63;
	(pc) =	sbr.rel @p0 .LBB2_1-.Ltmp1, $4  }
0x30f: {  	[hbm4b:s5+s3] =	stream.linear.scatter [tilespmem:s10], [sflag:$0x2], $0x4000, $0x38;
	[tilespmem:$0x11000] =	vst v63  }
0x310: {  	_ =	swait.ge [sflag:s11], $0x4000  }
0x311: {  	[sflag:s11] =	ssyncset.done $0x0  }
0x312: {  	[sflag:s11] =	ssyncadd.s32 $0xFFFFC000  }
0x313: {  	_ =	sfence.sel $0x180000  }
0x314: {  	[bflag:$0x0] =	sbarrier.arrive $0xFFFF  }
0x315: {  	_ =	strace $0x90000047  }
0x316: {  	s0 =	stileid.u32;
	[bflag:$0x2] =	sbarrier.arrive $0xFFFF  }
0x317: {  	p0 =	sne.s32 s0, $0x0;
	s0 =	rddreg [dreg:$0x3]  }
0x318: {  	s0 =	sadd.s32 @!p0 $0x100000, s0  }
0x319: {  	[sflag:s0] =	ssyncadd.tile.s32 @!p0 $0x1;
	_ =	shalt  }
.Lfunc_end2:
_tile_overlayer_lowered:
.L_overlay_start_2:
0x31a: {  	(tag) =	ssettag $0x2  }
0x31b: {  	s0 =	rddreg [dreg:$0x0];
	s2 =	stileid.u32  }
0x31c: {  	s1 =	rddreg [dreg:$0x1];
	p0 =	sne.s32 s2, $0x0  }
0x31d: {  	s3 =	rddreg [dreg:$0x2];
	[bflag:$0x3] =	sbarrier.arrive $0xFFFF;
	s2 =	simm.s32 @!p0 $0x1C03  }
0x31e: {  	[timem:s3], [sflag:s2] =	dma.local @!p0 [hbm:s0], s1  }
0x31f: {  	s0 =	simm.s32 @!p0 $0x3  }
0x320: {  	_ =	swait.ge @!p0 [sflag:s0], s1  }
0x321: {  	s1 =	ssub.s32 @!p0 $0x0, s1;
	[sflag:s0] =	ssyncset.done @!p0 $0x0  }
0x322: {  	[sflag:s0] =	ssyncadd.s32 @!p0 s1  }
0x323: {  	[bflag:$0x3] =	sbarrier.arrive $0xFFFF  }
0x324: {  	_ =	shalt  }

</sc_bundles>
